<compile_context>
chip_gen: v7x
topology: tpu7x:2x2x1
jax: 0.10.2.dev20260603
libtpu: 0.0.44.dev20260713+nightly
codegen_flags: <defaults>
</compile_context>

<pallas_src>
import functools

import jax
import jax.numpy as jnp
from jax import lax
from jax.experimental import pallas as pl
from jax.experimental.pallas import tpu as pltpu
from jax.experimental.pallas import tpu_sc as plsc

N = 10000
E = 160000
NODE_IN = 128
EDGE_IN = 16
LATENT = 128
NODE_OUT = 3
EDGE_OUT = 1
STEPS = 4

NP = 10240
EP = 163840
NCORES = 2
NSUB = 16
NW = NCORES * NSUB
EPW = EP // NW
CHUNK = 128
NCH = EPW // CHUNK
ROWS_PER_TILE = NP // NSUB

_TILE = 512



def _mm(a, b):
    return jax.lax.dot_general(a, b, (((1,), (0,)), ((), ())),
                               preferred_element_type=jnp.float32)


def _mlp_tail(z1, w2, b2, w3, b3, g, be, ln):
    h1 = jnp.maximum(z1, 0.0)
    z2 = _mm(h1, w2[...]) + b2[...]
    h2 = jnp.maximum(z2, 0.0)
    z3 = _mm(h2, w3[...]) + b3[...]
    if ln:
        mu = jnp.mean(z3, axis=-1, keepdims=True)
        var = jnp.mean(jnp.square(z3 - mu), axis=-1, keepdims=True)
        z3 = (z3 - mu) * jax.lax.rsqrt(var + 1e-5) * g[...] + be[...]
    return z3


def _enc_body(x, w1, b1, w2, b2, w3, b3, g, be, o_ref):
    z1 = _mm(x[...], w1[...]) + b1[...]
    o_ref[...] = _mlp_tail(z1, w2, b2, w3, b3, g, be, True)


def _edge_body(hs, hd, e, w1a, w1b, w1c, b1, w2, b2, w3, b3, g, be,
               enew_ref, enext_ref):
    z1 = (_mm(hs[...], w1a[...]) + _mm(hd[...], w1b[...])
          + _mm(e[...], w1c[...]) + b1[...])
    en = _mlp_tail(z1, w2, b2, w3, b3, g, be, True)
    enew_ref[...] = en
    enext_ref[...] = e[...] + en


def _node_body(h, a0, a1, w1a, w1b, b1, w2, b2, w3, b3, g, be, o_ref):
    z1 = (_mm(h[...], w1a[...]) + _mm(a0[...] + a1[...], w1b[...]) + b1[...])
    o_ref[...] = h[...] + _mlp_tail(z1, w2, b2, w3, b3, g, be, True)


def _dec_body(x, w1, b1, w2, b2, w3, b3, o_ref):
    z1 = _mm(x[...], w1[...]) + b1[...]
    o_ref[...] = _mlp_tail(z1, w2, b2, w3, b3, None, None, False)


def _row_spec(width):
    return pl.BlockSpec((_TILE, width), lambda r: (r, 0))


def _fix_spec(shape):
    return pl.BlockSpec(shape, lambda r: (0,) * len(shape))


def _mlp_call(body, rows, in_arrays, n_row_args, n_out):
    grid = rows // _TILE
    in_specs = []
    for i, a in enumerate(in_arrays):
        if i < n_row_args:
            in_specs.append(_row_spec(a.shape[1]))
        else:
            in_specs.append(_fix_spec(a.shape))
    out_shape = [jax.ShapeDtypeStruct((rows, LATENT), jnp.float32)
                 for _ in range(n_out)]
    out_specs = [_row_spec(LATENT) for _ in range(n_out)]
    if n_out == 1:
        out_shape, out_specs = out_shape[0], out_specs[0]
    return pl.pallas_call(
        body,
        grid=(grid,),
        in_specs=in_specs,
        out_specs=out_specs,
        out_shape=out_shape,
        compiler_params=pltpu.CompilerParams(
            dimension_semantics=("arbitrary",)),
    )(*in_arrays)



_MESH = dict(core_axis_name="c", subcore_axis_name="s")


def _sc_gather_fn():
    mesh = plsc.VectorSubcoreMesh(**_MESH)

    @functools.partial(
        pl.kernel,
        out_type=(jax.ShapeDtypeStruct((EP, LATENT), jnp.float32),
                  jax.ShapeDtypeStruct((EP, LATENT), jnp.float32)),
        mesh=mesh,
        scratch_types=[
            pltpu.VMEM((CHUNK,), jnp.int32),
            pltpu.VMEM((CHUNK,), jnp.int32),
            pltpu.VMEM((CHUNK, LATENT), jnp.float32),
            pltpu.VMEM((CHUNK, LATENT), jnp.float32),
            pltpu.SemaphoreType.DMA,
            pltpu.SemaphoreType.DMA,
        ],
    )
    def k(h_hbm, src_hbm, dst_hbm, hs_hbm, hd_hbm,
          idx_s, idx_d, rows_s, rows_d, sem_s, sem_d):
        cid = lax.axis_index("c")
        sid = lax.axis_index("s")
        wid = sid * NCORES + cid
        base0 = wid * EPW

        def chunk(c, carry):
            base = pl.multiple_of(base0 + c * CHUNK, CHUNK)
            pltpu.sync_copy(src_hbm.at[pl.ds(base, CHUNK)], idx_s)
            pltpu.sync_copy(dst_hbm.at[pl.ds(base, CHUNK)], idx_d)
            cs = pltpu.async_copy(h_hbm.at[idx_s], rows_s, sem_s)
            cd = pltpu.async_copy(h_hbm.at[idx_d], rows_d, sem_d)
            cs.wait()
            pltpu.sync_copy(rows_s, hs_hbm.at[pl.ds(base, CHUNK)])
            cd.wait()
            pltpu.sync_copy(rows_d, hd_hbm.at[pl.ds(base, CHUNK)])
            return carry

        lax.fori_loop(0, NCH, chunk, 0)

    return k


def _sc_scatter_fn():
    mesh = plsc.VectorSubcoreMesh(**_MESH)

    @functools.partial(
        pl.kernel,
        out_type=jax.ShapeDtypeStruct((NCORES, NP, LATENT), jnp.float32),
        mesh=mesh,
        scratch_types=[
            pltpu.VMEM((CHUNK,), jnp.int32),
            pltpu.VMEM((CHUNK, LATENT), jnp.float32),
            pltpu.VMEM_SHARED((NP, LATENT), jnp.float32),
        ],
    )
    def k(enew_hbm, dst_hbm, zeros_hbm, agg_hbm, idx_v, rows_v, agg_sh):
        cid = lax.axis_index("c")
        sid = lax.axis_index("s")
        wid = sid * NCORES + cid
        base0 = wid * EPW
        rbase = pl.multiple_of(sid * ROWS_PER_TILE, CHUNK)

        pltpu.sync_copy(zeros_hbm.at[pl.ds(rbase, ROWS_PER_TILE)],
                        agg_sh.at[pl.ds(rbase, ROWS_PER_TILE)])
        plsc.subcore_barrier()

        def chunk(c, carry):
            base = pl.multiple_of(base0 + c * CHUNK, CHUNK)
            pltpu.sync_copy(dst_hbm.at[pl.ds(base, CHUNK)], idx_v)
            pltpu.sync_copy(enew_hbm.at[pl.ds(base, CHUNK)], rows_v)
            pltpu.sync_copy(rows_v, agg_sh.at[idx_v], add=True)
            return carry

        lax.fori_loop(0, NCH, chunk, 0)
        plsc.subcore_barrier()
        pltpu.sync_copy(agg_sh.at[pl.ds(rbase, ROWS_PER_TILE)],
                        agg_hbm.at[cid, pl.ds(rbase, ROWS_PER_TILE)])

    return k



def _b(v):
    return v.reshape(1, -1)


def kernel(x, edge_index, edge_features, params):
    src = edge_index[0]
    dst = edge_index[1]
    x_p = jnp.pad(x, ((0, NP - N), (0, 0)))
    ef_p = jnp.pad(edge_features, ((0, EP - E), (0, 0)))
    src_p = jnp.pad(src, (0, EP - E))
    dst_p = jnp.pad(dst, (0, EP - E), constant_values=N)
    zeros_np = jnp.zeros((NP, LATENT), jnp.float32)

    pe = params['enc_node']
    h = _mlp_call(_enc_body, NP,
                  [x_p, pe['W'][0], _b(pe['b'][0]), pe['W'][1], _b(pe['b'][1]),
                   pe['W'][2], _b(pe['b'][2]), _b(pe['g']), _b(pe['be'])],
                  1, 1)
    pe = params['enc_edge']
    e = _mlp_call(_enc_body, EP,
                  [ef_p, pe['W'][0], _b(pe['b'][0]), pe['W'][1], _b(pe['b'][1]),
                   pe['W'][2], _b(pe['b'][2]), _b(pe['g']), _b(pe['be'])],
                  1, 1)

    gather = _sc_gather_fn()
    scatter = _sc_scatter_fn()

    for blk in params['proc']:
        hs, hd = gather(h, src_p, dst_p)
        pb = blk['edge']
        w1 = pb['W'][0]
        e_new, e = _mlp_call(
            _edge_body, EP,
            [hs, hd, e,
             w1[:LATENT], w1[LATENT:2 * LATENT], w1[2 * LATENT:],
             _b(pb['b'][0]), pb['W'][1], _b(pb['b'][1]), pb['W'][2],
             _b(pb['b'][2]), _b(pb['g']), _b(pb['be'])],
            3, 2)
        agg2 = scatter(e_new, dst_p, zeros_np)
        pb = blk['node']
        w1 = pb['W'][0]
        h = _mlp_call(
            _node_body, NP,
            [h, agg2[0], agg2[1],
             w1[:LATENT], w1[LATENT:],
             _b(pb['b'][0]), pb['W'][1], _b(pb['b'][1]), pb['W'][2],
             _b(pb['b'][2]), _b(pb['g']), _b(pb['be'])],
            3, 1)

    pd = params['dec_node']
    w3 = jnp.pad(pd['W'][2], ((0, 0), (0, LATENT - NODE_OUT)))
    b3 = jnp.pad(pd['b'][2], (0, LATENT - NODE_OUT))
    out_node = _mlp_call(
        _dec_body, NP,
        [h, pd['W'][0], _b(pd['b'][0]), pd['W'][1], _b(pd['b'][1]),
         w3, _b(b3)],
        1, 1)[:N, :NODE_OUT]
    pd = params['dec_edge']
    w3 = jnp.pad(pd['W'][2], ((0, 0), (0, LATENT - EDGE_OUT)))
    b3 = jnp.pad(pd['b'][2], (0, LATENT - EDGE_OUT))
    out_edge = _mlp_call(
        _dec_body, EP,
        [e, pd['W'][0], _b(pd['b'][0]), pd['W'][1], _b(pd['b'][1]),
         w3, _b(b3)],
        1, 1)[:E, :EDGE_OUT]
    return (out_node, out_edge)

# --- scband reference (transcript-rebuilt; emitter-appended) ---
"""Pipeline reference for scband-mpnn-37203006717964 (READ-ONLY COPY).

The authoritative reference and input builder live on the scoring server;
editing this copy changes nothing except your own understanding.
"""

import jax, jax.numpy as jnp
import numpy as np

N = 10000
E = 160000
NODE_IN = 128
EDGE_IN = 16
LATENT = 128
HIDDEN = 128
NHL = 2
NODE_OUT = 3
EDGE_OUT = 1
STEPS = 4


def mlp_init(key, in_size, hidden, n_hidden, out_size, use_ln):
    sizes = [in_size] + [hidden] * n_hidden + [out_size]
    Ws, bs = [], []
    for i in range(len(sizes) - 1):
        key, k = jax.random.split(key)
        Ws.append(jax.random.normal(k, (sizes[i], sizes[i + 1]), jnp.float32) / np.sqrt(sizes[i]))
        bs.append(jnp.zeros((sizes[i + 1],), jnp.float32))
    p = {'W': Ws, 'b': bs}
    if use_ln:
        p['g'] = jnp.ones((out_size,), jnp.float32)
        p['be'] = jnp.zeros((out_size,), jnp.float32)
    return p


def mlp_apply(p, x):
    h = x
    n = len(p['W'])
    for i in range(n):
        h = h @ p['W'][i] + p['b'][i]
        if i < n - 1:
            h = jax.nn.relu(h)
    if 'g' in p:
        mu = h.mean(-1, keepdims=True)
        var = h.var(-1, keepdims=True)
        h = (h - mu) / jnp.sqrt(var + 1e-5) * p['g'] + p['be']
    return h


def setup_inputs(seed: int = 0):
    key = jax.random.key(seed)
    k1, k2, k3, kp = jax.random.split(key, 4)
    x = jax.random.normal(k1, (N, NODE_IN), jnp.float32)
    edge_index = jax.random.randint(k2, (2, E), 0, N, dtype=jnp.int32)
    edge_features = jax.random.normal(k3, (E, EDGE_IN), jnp.float32)
    ks = jax.random.split(kp, 2 * STEPS + 4)
    params = {
        'enc_node': mlp_init(ks[0], NODE_IN, HIDDEN, NHL, LATENT, True),
        'enc_edge': mlp_init(ks[1], EDGE_IN, HIDDEN, NHL, LATENT, True),
        'proc': [{'edge': mlp_init(ks[2 + 2 * i], 3 * LATENT, HIDDEN, NHL, LATENT, True),
                  'node': mlp_init(ks[3 + 2 * i], 2 * LATENT, HIDDEN, NHL, LATENT, True)}
                 for i in range(STEPS)],
        'dec_node': mlp_init(ks[2 + 2 * STEPS], LATENT, HIDDEN, NHL, NODE_OUT, False),
        'dec_edge': mlp_init(ks[3 + 2 * STEPS], LATENT, HIDDEN, NHL, EDGE_OUT, False),
    }
    return {'x': x, 'edge_index': edge_index, 'edge_features': edge_features, 'params': params}


def reference(x, edge_index, edge_features, params):
    # Encoder
    h = mlp_apply(params['enc_node'], x)
    e = mlp_apply(params['enc_edge'], edge_features)
    src = edge_index[0]
    dst = edge_index[1]
    # Processor: GNS-style interaction blocks with add aggregation + residuals
    for blk in params['proc']:
        e_in = jnp.concatenate([h[src], h[dst], e], axis=-1)
        e_new = mlp_apply(blk['edge'], e_in)
        agg = jax.ops.segment_sum(e_new, dst, num_segments=h.shape[0])
        n_in = jnp.concatenate([h, agg], axis=-1)
        h_new = mlp_apply(blk['node'], n_in)
        h = h + h_new
        e = e + e_new
    # Decoder
    out_node = mlp_apply(params['dec_node'], h)
    out_edge = mlp_apply(params['dec_edge'], e)
    return (out_node, out_edge)

if __name__ == "__main__":
    import jax
    _d = setup_inputs()
    print(jax.jit(kernel)(*tuple(_d.values())))

</pallas_src>

<mosaic_0001>
#map = affine_map<(d0, d1) -> (0, 0)>
#map1 = affine_map<(d0, d1) -> (0)>
#map2 = affine_map<(d0, d1) -> (0, 0, 0)>
module attributes {stable_mosaic.version = 14 : i64} {
  func.func @k(%arg0: i32, %arg1: i32, %arg2: memref<163840x128xf32, #tpu.memory_space<hbm>>, %arg3: memref<163840xi32, #tpu.memory_space<hbm>>, %arg4: memref<10240x128xf32, #tpu.memory_space<hbm>>, %arg5: memref<2x10240x128xf32, #tpu.memory_space<hbm>>, %arg6: memref<128xi32, #tpu.memory_space<vmem>>, %arg7: memref<128x128xf32, #tpu.memory_space<vmem>>, %arg8: memref<10240x128xf32, #tpu.memory_space<vmem_shared>>) attributes {dimension_semantics = [#tpu.dimension_semantics<core_parallel>, #tpu.dimension_semantics<subcore_parallel>], iteration_bounds = array<i64: 2, 16>, scalar_prefetch = 0 : i64, scratch_operands = 3 : i64, tpu.core_type = #tpu.core_type<sc_vector_subcore>, window_params = [{transform_indices = #map}, {transform_indices = #map1}, {transform_indices = #map}, {transform_indices = #map2}]} {
    %mul3A = arith.constant 2 : i32
    %mul3A_0 = arith.muli %arg1, %mul3A : i32
    %add3A = arith.addi %mul3A_0, %arg0 : i32
    %mul3A_1 = arith.constant 5120 : i32
    %mul3A_2 = arith.muli %add3A, %mul3A_1 : i32
    %mul3A_3 = arith.constant 640 : i32
    %mul3A_4 = arith.muli %arg1, %mul3A_3 : i32
    %multiple_of3A = tpu.assume_multiple %mul3A_4, 128 : i32
    "tpu.region"() ({
      %run_scoped3A = tpu.sem_alloc : memref<!tpu.dma_semaphore, #tpu.memory_space<semaphore_mem>>
      %dma_start3A = arith.constant 0 : i32
      %dma_start3A_11 = tpu.memref_slice %arg8[%multiple_of3A, %dma_start3A] : memref<10240x128xf32, #tpu.memory_space<vmem_shared>> -> memref<640x128xf32, #tpu.memory_space<vmem_shared>>
      %dma_start3A_12 = arith.constant 0 : i32
      %dma_start3A_13 = tpu.memref_slice %arg4[%multiple_of3A, %dma_start3A_12] : memref<10240x128xf32, #tpu.memory_space<hbm>> -> memref<640x128xf32, #tpu.memory_space<hbm>>
      tpu.enqueue_dma source(%dma_start3A_13 : memref<640x128xf32, #tpu.memory_space<hbm>>) target(%dma_start3A_11 : memref<640x128xf32, #tpu.memory_space<vmem_shared>>) target_semaphore(%run_scoped3A : memref<!tpu.dma_semaphore, #tpu.memory_space<semaphore_mem>>)
      %dma_wait3A = arith.constant 0 : i32
      %dma_wait3A_14 = tpu.memref_slice %arg8[%multiple_of3A, %dma_wait3A] : memref<10240x128xf32, #tpu.memory_space<vmem_shared>> -> memref<640x128xf32, #tpu.memory_space<vmem_shared>>
      %dma_wait3A_15 = arith.constant 0 : i32
      %dma_wait3A_16 = tpu.memref_slice %arg4[%multiple_of3A, %dma_wait3A_15] : memref<10240x128xf32, #tpu.memory_space<hbm>> -> memref<640x128xf32, #tpu.memory_space<hbm>>
      tpu.wait_dma2 semaphore(%run_scoped3A : memref<!tpu.dma_semaphore, #tpu.memory_space<semaphore_mem>>) src(%dma_wait3A_16 : memref<640x128xf32, #tpu.memory_space<hbm>>) dst(%dma_wait3A_14 : memref<640x128xf32, #tpu.memory_space<vmem_shared>>)
      tpu.yield
    }) : () -> ()
    %barrier3A = arith.constant 0 : index
    tpu.barrier barrier_id(%barrier3A)
    %scan3A = arith.constant 0 : i32
    %scan3A_5 = arith.constant 0 : i32
    %scan3A_6 = arith.constant 40 : i32
    %scan3A_7 = arith.addi %scan3A_5, %scan3A_6 : i32
    %scan3A_8 = arith.constant 1 : i32
    scf.for %scan3A_11 = %scan3A_5 to %scan3A_7 step %scan3A_8  : i32 {
      %mul3A_12 = arith.constant 128 : i32
      %mul3A_13 = arith.muli %scan3A_11, %mul3A_12 : i32
      %add3A_14 = arith.addi %mul3A_2, %mul3A_13 : i32
      %multiple_of3A_15 = tpu.assume_multiple %add3A_14, 128 : i32
      "tpu.region"() ({
        %run_scoped3A = tpu.sem_alloc : memref<!tpu.dma_semaphore, #tpu.memory_space<semaphore_mem>>
        %dma_start3A = tpu.memref_slice %arg3[%multiple_of3A_15] : memref<163840xi32, #tpu.memory_space<hbm>> -> memref<128xi32, #tpu.memory_space<hbm>>
        %dma_start3A_16 = tpu.memref_slice %arg3[%multiple_of3A_15] : memref<163840xi32, #tpu.memory_space<hbm>> -> memref<128xi32, #tpu.memory_space<hbm>>
        tpu.enqueue_dma source(%dma_start3A_16 : memref<128xi32, #tpu.memory_space<hbm>>) target(%arg6 : memref<128xi32, #tpu.memory_space<vmem>>) target_semaphore(%run_scoped3A : memref<!tpu.dma_semaphore, #tpu.memory_space<semaphore_mem>>)
        %dma_wait3A = tpu.memref_slice %arg3[%multiple_of3A_15] : memref<163840xi32, #tpu.memory_space<hbm>> -> memref<128xi32, #tpu.memory_space<hbm>>
        %dma_wait3A_17 = tpu.memref_slice %arg3[%multiple_of3A_15] : memref<163840xi32, #tpu.memory_space<hbm>> -> memref<128xi32, #tpu.memory_space<hbm>>
        tpu.wait_dma2 semaphore(%run_scoped3A : memref<!tpu.dma_semaphore, #tpu.memory_space<semaphore_mem>>) src(%dma_wait3A_17 : memref<128xi32, #tpu.memory_space<hbm>>) dst(%arg6 : memref<128xi32, #tpu.memory_space<vmem>>)
        tpu.yield
      }) : () -> ()
      "tpu.region"() ({
        %run_scoped3A = tpu.sem_alloc : memref<!tpu.dma_semaphore, #tpu.memory_space<semaphore_mem>>
        %dma_start3A = arith.constant 0 : i32
        %dma_start3A_16 = tpu.memref_slice %arg2[%multiple_of3A_15, %dma_start3A] : memref<163840x128xf32, #tpu.memory_space<hbm>> -> memref<128x128xf32, #tpu.memory_space<hbm>>
        %dma_start3A_17 = arith.constant 0 : i32
        %dma_start3A_18 = tpu.memref_slice %arg2[%multiple_of3A_15, %dma_start3A_17] : memref<163840x128xf32, #tpu.memory_space<hbm>> -> memref<128x128xf32, #tpu.memory_space<hbm>>
        tpu.enqueue_dma source(%dma_start3A_18 : memref<128x128xf32, #tpu.memory_space<hbm>>) target(%arg7 : memref<128x128xf32, #tpu.memory_space<vmem>>) target_semaphore(%run_scoped3A : memref<!tpu.dma_semaphore, #tpu.memory_space<semaphore_mem>>)
        %dma_wait3A = arith.constant 0 : i32
        %dma_wait3A_19 = tpu.memref_slice %arg2[%multiple_of3A_15, %dma_wait3A] : memref<163840x128xf32, #tpu.memory_space<hbm>> -> memref<128x128xf32, #tpu.memory_space<hbm>>
        %dma_wait3A_20 = arith.constant 0 : i32
        %dma_wait3A_21 = tpu.memref_slice %arg2[%multiple_of3A_15, %dma_wait3A_20] : memref<163840x128xf32, #tpu.memory_space<hbm>> -> memref<128x128xf32, #tpu.memory_space<hbm>>
        tpu.wait_dma2 semaphore(%run_scoped3A : memref<!tpu.dma_semaphore, #tpu.memory_space<semaphore_mem>>) src(%dma_wait3A_21 : memref<128x128xf32, #tpu.memory_space<hbm>>) dst(%arg7 : memref<128x128xf32, #tpu.memory_space<vmem>>)
        tpu.yield
      }) : () -> ()
      "tpu.region"() ({
        %run_scoped3A = tpu.sem_alloc : memref<!tpu.dma_semaphore, #tpu.memory_space<semaphore_mem>>
        %dma_start3A = arith.constant 0 : i32
        %dma_start3A_16 = arith.constant 0 : i32
        %dma_start3A_17 = tpu.memref_slice %arg8[%dma_start3A, %dma_start3A_16] : memref<10240x128xf32, #tpu.memory_space<vmem_shared>> -> memref<10240x128xf32, #tpu.memory_space<vmem_shared>>
        tpu.enqueue_indirect_dma source(%arg7 : memref<128x128xf32, #tpu.memory_space<vmem>>) target(%dma_start3A_17 : memref<10240x128xf32, #tpu.memory_space<vmem_shared>>) offsets(%arg6 : memref<128xi32, #tpu.memory_space<vmem>>) semaphore(%run_scoped3A : memref<!tpu.dma_semaphore, #tpu.memory_space<semaphore_mem>>) {add = true}
        %dma_wait3A = arith.constant 0 : i32
        %dma_wait3A_18 = arith.constant 0 : i32
        %dma_wait3A_19 = tpu.memref_slice %arg8[%dma_wait3A, %dma_wait3A_18] : memref<10240x128xf32, #tpu.memory_space<vmem_shared>> -> memref<10240x128xf32, #tpu.memory_space<vmem_shared>>
        tpu.wait_indirect_dma semaphore(%run_scoped3A : memref<!tpu.dma_semaphore, #tpu.memory_space<semaphore_mem>>) src(%arg7 : memref<128x128xf32, #tpu.memory_space<vmem>>) dst(%dma_wait3A_19 : memref<10240x128xf32, #tpu.memory_space<vmem_shared>>)
        tpu.yield
      }) : () -> ()
    }
    %scan3A_9 = arith.constant 40 : i32
    %barrier3A_10 = arith.constant 0 : index
    tpu.barrier barrier_id(%barrier3A_10)
    "tpu.region"() ({
      %run_scoped3A = tpu.sem_alloc : memref<!tpu.dma_semaphore, #tpu.memory_space<semaphore_mem>>
      %dma_start3A = arith.constant 0 : i32
      %dma_start3A_11 = tpu.memref_slice %arg5[%arg0, %multiple_of3A, %dma_start3A] : memref<2x10240x128xf32, #tpu.memory_space<hbm>> -> memref<1x640x128xf32, #tpu.memory_space<hbm>>
      %dma_start3A_12 = tpu.memref_squeeze %dma_start3A_11 : memref<1x640x128xf32, #tpu.memory_space<hbm>> -> memref<640x128xf32, #tpu.memory_space<hbm>>
      %dma_start3A_13 = arith.constant 0 : i32
      %dma_start3A_14 = tpu.memref_slice %arg8[%multiple_of3A, %dma_start3A_13] : memref<10240x128xf32, #tpu.memory_space<vmem_shared>> -> memref<640x128xf32, #tpu.memory_space<vmem_shared>>
      tpu.enqueue_dma source(%dma_start3A_14 : memref<640x128xf32, #tpu.memory_space<vmem_shared>>) target(%dma_start3A_12 : memref<640x128xf32, #tpu.memory_space<hbm>>) target_semaphore(%run_scoped3A : memref<!tpu.dma_semaphore, #tpu.memory_space<semaphore_mem>>)
      %dma_wait3A = arith.constant 0 : i32
      %dma_wait3A_15 = tpu.memref_slice %arg5[%arg0, %multiple_of3A, %dma_wait3A] : memref<2x10240x128xf32, #tpu.memory_space<hbm>> -> memref<1x640x128xf32, #tpu.memory_space<hbm>>
      %dma_wait3A_16 = tpu.memref_squeeze %dma_wait3A_15 : memref<1x640x128xf32, #tpu.memory_space<hbm>> -> memref<640x128xf32, #tpu.memory_space<hbm>>
      %dma_wait3A_17 = arith.constant 0 : i32
      %dma_wait3A_18 = tpu.memref_slice %arg8[%multiple_of3A, %dma_wait3A_17] : memref<10240x128xf32, #tpu.memory_space<vmem_shared>> -> memref<640x128xf32, #tpu.memory_space<vmem_shared>>
      tpu.wait_dma2 semaphore(%run_scoped3A : memref<!tpu.dma_semaphore, #tpu.memory_space<semaphore_mem>>) src(%dma_wait3A_18 : memref<640x128xf32, #tpu.memory_space<vmem_shared>>) dst(%dma_wait3A_16 : memref<640x128xf32, #tpu.memory_space<hbm>>)
      tpu.yield
    }) : () -> ()
    return
  }
}

#map = affine_map<(d0, d1) -> (0, 0)>
#map1 = affine_map<(d0, d1) -> (0)>
module attributes {stable_mosaic.version = 14 : i64} {
  func.func @k(%arg0: i32, %arg1: i32, %arg2: memref<10240x128xf32, #tpu.memory_space<hbm>>, %arg3: memref<163840xi32, #tpu.memory_space<hbm>>, %arg4: memref<163840xi32, #tpu.memory_space<hbm>>, %arg5: memref<163840x128xf32, #tpu.memory_space<hbm>>, %arg6: memref<163840x128xf32, #tpu.memory_space<hbm>>, %arg7: memref<128xi32, #tpu.memory_space<vmem>>, %arg8: memref<128xi32, #tpu.memory_space<vmem>>, %arg9: memref<128x128xf32, #tpu.memory_space<vmem>>, %arg10: memref<128x128xf32, #tpu.memory_space<vmem>>, %arg11: memref<!tpu.dma_semaphore, #tpu.memory_space<semaphore_mem>>, %arg12: memref<!tpu.dma_semaphore, #tpu.memory_space<semaphore_mem>>) attributes {dimension_semantics = [#tpu.dimension_semantics<core_parallel>, #tpu.dimension_semantics<subcore_parallel>], iteration_bounds = array<i64: 2, 16>, scalar_prefetch = 0 : i64, scratch_operands = 6 : i64, tpu.core_type = #tpu.core_type<sc_vector_subcore>, window_params = [{transform_indices = #map}, {transform_indices = #map1}, {transform_indices = #map1}, {transform_indices = #map}, {transform_indices = #map}]} {
    %mul3A = arith.constant 2 : i32
    %mul3A_0 = arith.muli %arg1, %mul3A : i32
    %add3A = arith.addi %mul3A_0, %arg0 : i32
    %mul3A_1 = arith.constant 5120 : i32
    %mul3A_2 = arith.muli %add3A, %mul3A_1 : i32
    %scan3A = arith.constant 0 : i32
    %scan3A_3 = arith.constant 0 : i32
    %scan3A_4 = arith.constant 40 : i32
    %scan3A_5 = arith.addi %scan3A_3, %scan3A_4 : i32
    %scan3A_6 = arith.constant 1 : i32
    scf.for %scan3A_8 = %scan3A_3 to %scan3A_5 step %scan3A_6  : i32 {
      %mul3A_9 = arith.constant 128 : i32
      %mul3A_10 = arith.muli %scan3A_8, %mul3A_9 : i32
      %add3A_11 = arith.addi %mul3A_2, %mul3A_10 : i32
      %multiple_of3A = tpu.assume_multiple %add3A_11, 128 : i32
      "tpu.region"() ({
        %run_scoped3A = tpu.sem_alloc : memref<!tpu.dma_semaphore, #tpu.memory_space<semaphore_mem>>
        %dma_start3A_22 = tpu.memref_slice %arg3[%multiple_of3A] : memref<163840xi32, #tpu.memory_space<hbm>> -> memref<128xi32, #tpu.memory_space<hbm>>
        %dma_start3A_23 = tpu.memref_slice %arg3[%multiple_of3A] : memref<163840xi32, #tpu.memory_space<hbm>> -> memref<128xi32, #tpu.memory_space<hbm>>
        tpu.enqueue_dma source(%dma_start3A_23 : memref<128xi32, #tpu.memory_space<hbm>>) target(%arg7 : memref<128xi32, #tpu.memory_space<vmem>>) target_semaphore(%run_scoped3A : memref<!tpu.dma_semaphore, #tpu.memory_space<semaphore_mem>>)
        %dma_wait3A_24 = tpu.memref_slice %arg3[%multiple_of3A] : memref<163840xi32, #tpu.memory_space<hbm>> -> memref<128xi32, #tpu.memory_space<hbm>>
        %dma_wait3A_25 = tpu.memref_slice %arg3[%multiple_of3A] : memref<163840xi32, #tpu.memory_space<hbm>> -> memref<128xi32, #tpu.memory_space<hbm>>
        tpu.wait_dma2 semaphore(%run_scoped3A : memref<!tpu.dma_semaphore, #tpu.memory_space<semaphore_mem>>) src(%dma_wait3A_25 : memref<128xi32, #tpu.memory_space<hbm>>) dst(%arg7 : memref<128xi32, #tpu.memory_space<vmem>>)
        tpu.yield
      }) : () -> ()
      "tpu.region"() ({
        %run_scoped3A = tpu.sem_alloc : memref<!tpu.dma_semaphore, #tpu.memory_space<semaphore_mem>>
        %dma_start3A_22 = tpu.memref_slice %arg4[%multiple_of3A] : memref<163840xi32, #tpu.memory_space<hbm>> -> memref<128xi32, #tpu.memory_space<hbm>>
        %dma_start3A_23 = tpu.memref_slice %arg4[%multiple_of3A] : memref<163840xi32, #tpu.memory_space<hbm>> -> memref<128xi32, #tpu.memory_space<hbm>>
        tpu.enqueue_dma source(%dma_start3A_23 : memref<128xi32, #tpu.memory_space<hbm>>) target(%arg8 : memref<128xi32, #tpu.memory_space<vmem>>) target_semaphore(%run_scoped3A : memref<!tpu.dma_semaphore, #tpu.memory_space<semaphore_mem>>)
        %dma_wait3A_24 = tpu.memref_slice %arg4[%multiple_of3A] : memref<163840xi32, #tpu.memory_space<hbm>> -> memref<128xi32, #tpu.memory_space<hbm>>
        %dma_wait3A_25 = tpu.memref_slice %arg4[%multiple_of3A] : memref<163840xi32, #tpu.memory_space<hbm>> -> memref<128xi32, #tpu.memory_space<hbm>>
        tpu.wait_dma2 semaphore(%run_scoped3A : memref<!tpu.dma_semaphore, #tpu.memory_space<semaphore_mem>>) src(%dma_wait3A_25 : memref<128xi32, #tpu.memory_space<hbm>>) dst(%arg8 : memref<128xi32, #tpu.memory_space<vmem>>)
        tpu.yield
      }) : () -> ()
      %dma_start3A = arith.constant 0 : i32
      %dma_start3A_12 = arith.constant 0 : i32
      %dma_start3A_13 = tpu.memref_slice %arg2[%dma_start3A, %dma_start3A_12] : memref<10240x128xf32, #tpu.memory_space<hbm>> -> memref<10240x128xf32, #tpu.memory_space<hbm>>
      tpu.enqueue_indirect_dma source(%dma_start3A_13 : memref<10240x128xf32, #tpu.memory_space<hbm>>) target(%arg9 : memref<128x128xf32, #tpu.memory_space<vmem>>) offsets(%arg7 : memref<128xi32, #tpu.memory_space<vmem>>) semaphore(%arg11 : memref<!tpu.dma_semaphore, #tpu.memory_space<semaphore_mem>>)
      %dma_start3A_14 = arith.constant 0 : i32
      %dma_start3A_15 = arith.constant 0 : i32
      %dma_start3A_16 = tpu.memref_slice %arg2[%dma_start3A_14, %dma_start3A_15] : memref<10240x128xf32, #tpu.memory_space<hbm>> -> memref<10240x128xf32, #tpu.memory_space<hbm>>
      tpu.enqueue_indirect_dma source(%dma_start3A_16 : memref<10240x128xf32, #tpu.memory_space<hbm>>) target(%arg10 : memref<128x128xf32, #tpu.memory_space<vmem>>) offsets(%arg8 : memref<128xi32, #tpu.memory_space<vmem>>) semaphore(%arg12 : memref<!tpu.dma_semaphore, #tpu.memory_space<semaphore_mem>>)
      %dma_wait3A = arith.constant 0 : i32
      %dma_wait3A_17 = arith.constant 0 : i32
      %dma_wait3A_18 = tpu.memref_slice %arg2[%dma_wait3A, %dma_wait3A_17] : memref<10240x128xf32, #tpu.memory_space<hbm>> -> memref<10240x128xf32, #tpu.memory_space<hbm>>
      tpu.wait_indirect_dma semaphore(%arg11 : memref<!tpu.dma_semaphore, #tpu.memory_space<semaphore_mem>>) src(%dma_wait3A_18 : memref<10240x128xf32, #tpu.memory_space<hbm>>) dst(%arg9 : memref<128x128xf32, #tpu.memory_space<vmem>>)
      "tpu.region"() ({
        %run_scoped3A = tpu.sem_alloc : memref<!tpu.dma_semaphore, #tpu.memory_space<semaphore_mem>>
        %dma_start3A_22 = arith.constant 0 : i32
        %dma_start3A_23 = tpu.memref_slice %arg5[%multiple_of3A, %dma_start3A_22] : memref<163840x128xf32, #tpu.memory_space<hbm>> -> memref<128x128xf32, #tpu.memory_space<hbm>>
        %dma_start3A_24 = arith.constant 0 : i32
        %dma_start3A_25 = tpu.memref_slice %arg5[%multiple_of3A, %dma_start3A_24] : memref<163840x128xf32, #tpu.memory_space<hbm>> -> memref<128x128xf32, #tpu.memory_space<hbm>>
        tpu.enqueue_dma source(%arg9 : memref<128x128xf32, #tpu.memory_space<vmem>>) target(%dma_start3A_25 : memref<128x128xf32, #tpu.memory_space<hbm>>) target_semaphore(%run_scoped3A : memref<!tpu.dma_semaphore, #tpu.memory_space<semaphore_mem>>)
        %dma_wait3A_26 = arith.constant 0 : i32
        %dma_wait3A_27 = tpu.memref_slice %arg5[%multiple_of3A, %dma_wait3A_26] : memref<163840x128xf32, #tpu.memory_space<hbm>> -> memref<128x128xf32, #tpu.memory_space<hbm>>
        %dma_wait3A_28 = arith.constant 0 : i32
        %dma_wait3A_29 = tpu.memref_slice %arg5[%multiple_of3A, %dma_wait3A_28] : memref<163840x128xf32, #tpu.memory_space<hbm>> -> memref<128x128xf32, #tpu.memory_space<hbm>>
        tpu.wait_dma2 semaphore(%run_scoped3A : memref<!tpu.dma_semaphore, #tpu.memory_space<semaphore_mem>>) src(%arg9 : memref<128x128xf32, #tpu.memory_space<vmem>>) dst(%dma_wait3A_29 : memref<128x128xf32, #tpu.memory_space<hbm>>)
        tpu.yield
      }) : () -> ()
      %dma_wait3A_19 = arith.constant 0 : i32
      %dma_wait3A_20 = arith.constant 0 : i32
      %dma_wait3A_21 = tpu.memref_slice %arg2[%dma_wait3A_19, %dma_wait3A_20] : memref<10240x128xf32, #tpu.memory_space<hbm>> -> memref<10240x128xf32, #tpu.memory_space<hbm>>
      tpu.wait_indirect_dma semaphore(%arg12 : memref<!tpu.dma_semaphore, #tpu.memory_space<semaphore_mem>>) src(%dma_wait3A_21 : memref<10240x128xf32, #tpu.memory_space<hbm>>) dst(%arg10 : memref<128x128xf32, #tpu.memory_space<vmem>>)
      "tpu.region"() ({
        %run_scoped3A = tpu.sem_alloc : memref<!tpu.dma_semaphore, #tpu.memory_space<semaphore_mem>>
        %dma_start3A_22 = arith.constant 0 : i32
        %dma_start3A_23 = tpu.memref_slice %arg6[%multiple_of3A, %dma_start3A_22] : memref<163840x128xf32, #tpu.memory_space<hbm>> -> memref<128x128xf32, #tpu.memory_space<hbm>>
        %dma_start3A_24 = arith.constant 0 : i32
        %dma_start3A_25 = tpu.memref_slice %arg6[%multiple_of3A, %dma_start3A_24] : memref<163840x128xf32, #tpu.memory_space<hbm>> -> memref<128x128xf32, #tpu.memory_space<hbm>>
        tpu.enqueue_dma source(%arg10 : memref<128x128xf32, #tpu.memory_space<vmem>>) target(%dma_start3A_25 : memref<128x128xf32, #tpu.memory_space<hbm>>) target_semaphore(%run_scoped3A : memref<!tpu.dma_semaphore, #tpu.memory_space<semaphore_mem>>)
        %dma_wait3A_26 = arith.constant 0 : i32
        %dma_wait3A_27 = tpu.memref_slice %arg6[%multiple_of3A, %dma_wait3A_26] : memref<163840x128xf32, #tpu.memory_space<hbm>> -> memref<128x128xf32, #tpu.memory_space<hbm>>
        %dma_wait3A_28 = arith.constant 0 : i32
        %dma_wait3A_29 = tpu.memref_slice %arg6[%multiple_of3A, %dma_wait3A_28] : memref<163840x128xf32, #tpu.memory_space<hbm>> -> memref<128x128xf32, #tpu.memory_space<hbm>>
        tpu.wait_dma2 semaphore(%run_scoped3A : memref<!tpu.dma_semaphore, #tpu.memory_space<semaphore_mem>>) src(%arg10 : memref<128x128xf32, #tpu.memory_space<vmem>>) dst(%dma_wait3A_29 : memref<128x128xf32, #tpu.memory_space<hbm>>)
        tpu.yield
      }) : () -> ()
    }
    %scan3A_7 = arith.constant 40 : i32
    return
  }
}

#map = affine_map<(d0, d1) -> (0, 0)>
#map1 = affine_map<(d0, d1) -> (0)>
module attributes {stable_mosaic.version = 14 : i64} {
  func.func @k(%arg0: i32, %arg1: i32, %arg2: memref<10240x128xf32, #tpu.memory_space<hbm>>, %arg3: memref<163840xi32, #tpu.memory_space<hbm>>, %arg4: memref<163840xi32, #tpu.memory_space<hbm>>, %arg5: memref<163840x128xf32, #tpu.memory_space<hbm>>, %arg6: memref<163840x128xf32, #tpu.memory_space<hbm>>, %arg7: memref<128xi32, #tpu.memory_space<vmem>>, %arg8: memref<128xi32, #tpu.memory_space<vmem>>, %arg9: memref<128x128xf32, #tpu.memory_space<vmem>>, %arg10: memref<128x128xf32, #tpu.memory_space<vmem>>, %arg11: memref<!tpu.dma_semaphore, #tpu.memory_space<semaphore_mem>>, %arg12: memref<!tpu.dma_semaphore, #tpu.memory_space<semaphore_mem>>) attributes {dimension_semantics = [#tpu.dimension_semantics<core_parallel>, #tpu.dimension_semantics<subcore_parallel>], iteration_bounds = array<i64: 2, 16>, scalar_prefetch = 0 : i64, scratch_operands = 6 : i64, tpu.core_type = #tpu.core_type<sc_vector_subcore>, window_params = [{transform_indices = #map}, {transform_indices = #map1}, {transform_indices = #map1}, {transform_indices = #map}, {transform_indices = #map}]} {
    %mul3A = arith.constant 2 : i32
    %mul3A_0 = arith.muli %arg1, %mul3A : i32
    %add3A = arith.addi %mul3A_0, %arg0 : i32
    %mul3A_1 = arith.constant 5120 : i32
    %mul3A_2 = arith.muli %add3A, %mul3A_1 : i32
    %scan3A = arith.constant 0 : i32
    %scan3A_3 = arith.constant 0 : i32
    %scan3A_4 = arith.constant 40 : i32
    %scan3A_5 = arith.addi %scan3A_3, %scan3A_4 : i32
    %scan3A_6 = arith.constant 1 : i32
    scf.for %scan3A_8 = %scan3A_3 to %scan3A_5 step %scan3A_6  : i32 {
      %mul3A_9 = arith.constant 128 : i32
      %mul3A_10 = arith.muli %scan3A_8, %mul3A_9 : i32
      %add3A_11 = arith.addi %mul3A_2, %mul3A_10 : i32
      %multiple_of3A = tpu.assume_multiple %add3A_11, 128 : i32
      "tpu.region"() ({
        %run_scoped3A = tpu.sem_alloc : memref<!tpu.dma_semaphore, #tpu.memory_space<semaphore_mem>>
        %dma_start3A_22 = tpu.memref_slice %arg3[%multiple_of3A] : memref<163840xi32, #tpu.memory_space<hbm>> -> memref<128xi32, #tpu.memory_space<hbm>>
        %dma_start3A_23 = tpu.memref_slice %arg3[%multiple_of3A] : memref<163840xi32, #tpu.memory_space<hbm>> -> memref<128xi32, #tpu.memory_space<hbm>>
        tpu.enqueue_dma source(%dma_start3A_23 : memref<128xi32, #tpu.memory_space<hbm>>) target(%arg7 : memref<128xi32, #tpu.memory_space<vmem>>) target_semaphore(%run_scoped3A : memref<!tpu.dma_semaphore, #tpu.memory_space<semaphore_mem>>)
        %dma_wait3A_24 = tpu.memref_slice %arg3[%multiple_of3A] : memref<163840xi32, #tpu.memory_space<hbm>> -> memref<128xi32, #tpu.memory_space<hbm>>
        %dma_wait3A_25 = tpu.memref_slice %arg3[%multiple_of3A] : memref<163840xi32, #tpu.memory_space<hbm>> -> memref<128xi32, #tpu.memory_space<hbm>>
        tpu.wait_dma2 semaphore(%run_scoped3A : memref<!tpu.dma_semaphore, #tpu.memory_space<semaphore_mem>>) src(%dma_wait3A_25 : memref<128xi32, #tpu.memory_space<hbm>>) dst(%arg7 : memref<128xi32, #tpu.memory_space<vmem>>)
        tpu.yield
      }) : () -> ()
      "tpu.region"() ({
        %run_scoped3A = tpu.sem_alloc : memref<!tpu.dma_semaphore, #tpu.memory_space<semaphore_mem>>
        %dma_start3A_22 = tpu.memref_slice %arg4[%multiple_of3A] : memref<163840xi32, #tpu.memory_space<hbm>> -> memref<128xi32, #tpu.memory_space<hbm>>
        %dma_start3A_23 = tpu.memref_slice %arg4[%multiple_of3A] : memref<163840xi32, #tpu.memory_space<hbm>> -> memref<128xi32, #tpu.memory_space<hbm>>
        tpu.enqueue_dma source(%dma_start3A_23 : memref<128xi32, #tpu.memory_space<hbm>>) target(%arg8 : memref<128xi32, #tpu.memory_space<vmem>>) target_semaphore(%run_scoped3A : memref<!tpu.dma_semaphore, #tpu.memory_space<semaphore_mem>>)
        %dma_wait3A_24 = tpu.memref_slice %arg4[%multiple_of3A] : memref<163840xi32, #tpu.memory_space<hbm>> -> memref<128xi32, #tpu.memory_space<hbm>>
        %dma_wait3A_25 = tpu.memref_slice %arg4[%multiple_of3A] : memref<163840xi32, #tpu.memory_space<hbm>> -> memref<128xi32, #tpu.memory_space<hbm>>
        tpu.wait_dma2 semaphore(%run_scoped3A : memref<!tpu.dma_semaphore, #tpu.memory_space<semaphore_mem>>) src(%dma_wait3A_25 : memref<128xi32, #tpu.memory_space<hbm>>) dst(%arg8 : memref<128xi32, #tpu.memory_space<vmem>>)
        tpu.yield
      }) : () -> ()
      %dma_start3A = arith.constant 0 : i32
      %dma_start3A_12 = arith.constant 0 : i32
      %dma_start3A_13 = tpu.memref_slice %arg2[%dma_start3A, %dma_start3A_12] : memref<10240x128xf32, #tpu.memory_space<hbm>> -> memref<10240x128xf32, #tpu.memory_space<hbm>>
      tpu.enqueue_indirect_dma source(%dma_start3A_13 : memref<10240x128xf32, #tpu.memory_space<hbm>>) target(%arg9 : memref<128x128xf32, #tpu.memory_space<vmem>>) offsets(%arg7 : memref<128xi32, #tpu.memory_space<vmem>>) semaphore(%arg11 : memref<!tpu.dma_semaphore, #tpu.memory_space<semaphore_mem>>)
      %dma_start3A_14 = arith.constant 0 : i32
      %dma_start3A_15 = arith.constant 0 : i32
      %dma_start3A_16 = tpu.memref_slice %arg2[%dma_start3A_14, %dma_start3A_15] : memref<10240x128xf32, #tpu.memory_space<hbm>> -> memref<10240x128xf32, #tpu.memory_space<hbm>>
      tpu.enqueue_indirect_dma source(%dma_start3A_16 : memref<10240x128xf32, #tpu.memory_space<hbm>>) target(%arg10 : memref<128x128xf32, #tpu.memory_space<vmem>>) offsets(%arg8 : memref<128xi32, #tpu.memory_space<vmem>>) semaphore(%arg12 : memref<!tpu.dma_semaphore, #tpu.memory_space<semaphore_mem>>)
      %dma_wait3A = arith.constant 0 : i32
      %dma_wait3A_17 = arith.constant 0 : i32
      %dma_wait3A_18 = tpu.memref_slice %arg2[%dma_wait3A, %dma_wait3A_17] : memref<10240x128xf32, #tpu.memory_space<hbm>> -> memref<10240x128xf32, #tpu.memory_space<hbm>>
      tpu.wait_indirect_dma semaphore(%arg11 : memref<!tpu.dma_semaphore, #tpu.memory_space<semaphore_mem>>) src(%dma_wait3A_18 : memref<10240x128xf32, #tpu.memory_space<hbm>>) dst(%arg9 : memref<128x128xf32, #tpu.memory_space<vmem>>)
      "tpu.region"() ({
        %run_scoped3A = tpu.sem_alloc : memref<!tpu.dma_semaphore, #tpu.memory_space<semaphore_mem>>
        %dma_start3A_22 = arith.constant 0 : i32
        %dma_start3A_23 = tpu.memref_slice %arg5[%multiple_of3A, %dma_start3A_22] : memref<163840x128xf32, #tpu.memory_space<hbm>> -> memref<128x128xf32, #tpu.memory_space<hbm>>
        %dma_start3A_24 = arith.constant 0 : i32
        %dma_start3A_25 = tpu.memref_slice %arg5[%multiple_of3A, %dma_start3A_24] : memref<163840x128xf32, #tpu.memory_space<hbm>> -> memref<128x128xf32, #tpu.memory_space<hbm>>
        tpu.enqueue_dma source(%arg9 : memref<128x128xf32, #tpu.memory_space<vmem>>) target(%dma_start3A_25 : memref<128x128xf32, #tpu.memory_space<hbm>>) target_semaphore(%run_scoped3A : memref<!tpu.dma_semaphore, #tpu.memory_space<semaphore_mem>>)
        %dma_wait3A_26 = arith.constant 0 : i32
        %dma_wait3A_27 = tpu.memref_slice %arg5[%multiple_of3A, %dma_wait3A_26] : memref<163840x128xf32, #tpu.memory_space<hbm>> -> memref<128x128xf32, #tpu.memory_space<hbm>>
        %dma_wait3A_28 = arith.constant 0 : i32
        %dma_wait3A_29 = tpu.memref_slice %arg5[%multiple_of3A, %dma_wait3A_28] : memref<163840x128xf32, #tpu.memory_space<hbm>> -> memref<128x128xf32, #tpu.memory_space<hbm>>
        tpu.wait_dma2 semaphore(%run_scoped3A : memref<!tpu.dma_semaphore, #tpu.memory_space<semaphore_mem>>) src(%arg9 : memref<128x128xf32, #tpu.memory_space<vmem>>) dst(%dma_wait3A_29 : memref<128x128xf32, #tpu.memory_space<hbm>>)
        tpu.yield
      }) : () -> ()
      %dma_wait3A_19 = arith.constant 0 : i32
      %dma_wait3A_20 = arith.constant 0 : i32
      %dma_wait3A_21 = tpu.memref_slice %arg2[%dma_wait3A_19, %dma_wait3A_20] : memref<10240x128xf32, #tpu.memory_space<hbm>> -> memref<10240x128xf32, #tpu.memory_space<hbm>>
      tpu.wait_indirect_dma semaphore(%arg12 : memref<!tpu.dma_semaphore, #tpu.memory_space<semaphore_mem>>) src(%dma_wait3A_21 : memref<10240x128xf32, #tpu.memory_space<hbm>>) dst(%arg10 : memref<128x128xf32, #tpu.memory_space<vmem>>)
      "tpu.region"() ({
        %run_scoped3A = tpu.sem_alloc : memref<!tpu.dma_semaphore, #tpu.memory_space<semaphore_mem>>
        %dma_start3A_22 = arith.constant 0 : i32
        %dma_start3A_23 = tpu.memref_slice %arg6[%multiple_of3A, %dma_start3A_22] : memref<163840x128xf32, #tpu.memory_space<hbm>> -> memref<128x128xf32, #tpu.memory_space<hbm>>
        %dma_start3A_24 = arith.constant 0 : i32
        %dma_start3A_25 = tpu.memref_slice %arg6[%multiple_of3A, %dma_start3A_24] : memref<163840x128xf32, #tpu.memory_space<hbm>> -> memref<128x128xf32, #tpu.memory_space<hbm>>
        tpu.enqueue_dma source(%arg10 : memref<128x128xf32, #tpu.memory_space<vmem>>) target(%dma_start3A_25 : memref<128x128xf32, #tpu.memory_space<hbm>>) target_semaphore(%run_scoped3A : memref<!tpu.dma_semaphore, #tpu.memory_space<semaphore_mem>>)
        %dma_wait3A_26 = arith.constant 0 : i32
        %dma_wait3A_27 = tpu.memref_slice %arg6[%multiple_of3A, %dma_wait3A_26] : memref<163840x128xf32, #tpu.memory_space<hbm>> -> memref<128x128xf32, #tpu.memory_space<hbm>>
        %dma_wait3A_28 = arith.constant 0 : i32
        %dma_wait3A_29 = tpu.memref_slice %arg6[%multiple_of3A, %dma_wait3A_28] : memref<163840x128xf32, #tpu.memory_space<hbm>> -> memref<128x128xf32, #tpu.memory_space<hbm>>
        tpu.wait_dma2 semaphore(%run_scoped3A : memref<!tpu.dma_semaphore, #tpu.memory_space<semaphore_mem>>) src(%arg10 : memref<128x128xf32, #tpu.memory_space<vmem>>) dst(%dma_wait3A_29 : memref<128x128xf32, #tpu.memory_space<hbm>>)
        tpu.yield
      }) : () -> ()
    }
    %scan3A_7 = arith.constant 40 : i32
    return
  }
}

#map = affine_map<(d0, d1) -> (0, 0)>
#map1 = affine_map<(d0, d1) -> (0)>
#map2 = affine_map<(d0, d1) -> (0, 0, 0)>
module attributes {stable_mosaic.version = 14 : i64} {
  func.func @k(%arg0: i32, %arg1: i32, %arg2: memref<163840x128xf32, #tpu.memory_space<hbm>>, %arg3: memref<163840xi32, #tpu.memory_space<hbm>>, %arg4: memref<10240x128xf32, #tpu.memory_space<hbm>>, %arg5: memref<2x10240x128xf32, #tpu.memory_space<hbm>>, %arg6: memref<128xi32, #tpu.memory_space<vmem>>, %arg7: memref<128x128xf32, #tpu.memory_space<vmem>>, %arg8: memref<10240x128xf32, #tpu.memory_space<vmem_shared>>) attributes {dimension_semantics = [#tpu.dimension_semantics<core_parallel>, #tpu.dimension_semantics<subcore_parallel>], iteration_bounds = array<i64: 2, 16>, scalar_prefetch = 0 : i64, scratch_operands = 3 : i64, tpu.core_type = #tpu.core_type<sc_vector_subcore>, window_params = [{transform_indices = #map}, {transform_indices = #map1}, {transform_indices = #map}, {transform_indices = #map2}]} {
    %mul3A = arith.constant 2 : i32
    %mul3A_0 = arith.muli %arg1, %mul3A : i32
    %add3A = arith.addi %mul3A_0, %arg0 : i32
    %mul3A_1 = arith.constant 5120 : i32
    %mul3A_2 = arith.muli %add3A, %mul3A_1 : i32
    %mul3A_3 = arith.constant 640 : i32
    %mul3A_4 = arith.muli %arg1, %mul3A_3 : i32
    %multiple_of3A = tpu.assume_multiple %mul3A_4, 128 : i32
    "tpu.region"() ({
      %run_scoped3A = tpu.sem_alloc : memref<!tpu.dma_semaphore, #tpu.memory_space<semaphore_mem>>
      %dma_start3A = arith.constant 0 : i32
      %dma_start3A_11 = tpu.memref_slice %arg8[%multiple_of3A, %dma_start3A] : memref<10240x128xf32, #tpu.memory_space<vmem_shared>> -> memref<640x128xf32, #tpu.memory_space<vmem_shared>>
      %dma_start3A_12 = arith.constant 0 : i32
      %dma_start3A_13 = tpu.memref_slice %arg4[%multiple_of3A, %dma_start3A_12] : memref<10240x128xf32, #tpu.memory_space<hbm>> -> memref<640x128xf32, #tpu.memory_space<hbm>>
      tpu.enqueue_dma source(%dma_start3A_13 : memref<640x128xf32, #tpu.memory_space<hbm>>) target(%dma_start3A_11 : memref<640x128xf32, #tpu.memory_space<vmem_shared>>) target_semaphore(%run_scoped3A : memref<!tpu.dma_semaphore, #tpu.memory_space<semaphore_mem>>)
      %dma_wait3A = arith.constant 0 : i32
      %dma_wait3A_14 = tpu.memref_slice %arg8[%multiple_of3A, %dma_wait3A] : memref<10240x128xf32, #tpu.memory_space<vmem_shared>> -> memref<640x128xf32, #tpu.memory_space<vmem_shared>>
      %dma_wait3A_15 = arith.constant 0 : i32
      %dma_wait3A_16 = tpu.memref_slice %arg4[%multiple_of3A, %dma_wait3A_15] : memref<10240x128xf32, #tpu.memory_space<hbm>> -> memref<640x128xf32, #tpu.memory_space<hbm>>
      tpu.wait_dma2 semaphore(%run_scoped3A : memref<!tpu.dma_semaphore, #tpu.memory_space<semaphore_mem>>) src(%dma_wait3A_16 : memref<640x128xf32, #tpu.memory_space<hbm>>) dst(%dma_wait3A_14 : memref<640x128xf32, #tpu.memory_space<vmem_shared>>)
      tpu.yield
    }) : () -> ()
    %barrier3A = arith.constant 0 : index
    tpu.barrier barrier_id(%barrier3A)
    %scan3A = arith.constant 0 : i32
    %scan3A_5 = arith.constant 0 : i32
    %scan3A_6 = arith.constant 40 : i32
    %scan3A_7 = arith.addi %scan3A_5, %scan3A_6 : i32
    %scan3A_8 = arith.constant 1 : i32
    scf.for %scan3A_11 = %scan3A_5 to %scan3A_7 step %scan3A_8  : i32 {
      %mul3A_12 = arith.constant 128 : i32
      %mul3A_13 = arith.muli %scan3A_11, %mul3A_12 : i32
      %add3A_14 = arith.addi %mul3A_2, %mul3A_13 : i32
      %multiple_of3A_15 = tpu.assume_multiple %add3A_14, 128 : i32
      "tpu.region"() ({
        %run_scoped3A = tpu.sem_alloc : memref<!tpu.dma_semaphore, #tpu.memory_space<semaphore_mem>>
        %dma_start3A = tpu.memref_slice %arg3[%multiple_of3A_15] : memref<163840xi32, #tpu.memory_space<hbm>> -> memref<128xi32, #tpu.memory_space<hbm>>
        %dma_start3A_16 = tpu.memref_slice %arg3[%multiple_of3A_15] : memref<163840xi32, #tpu.memory_space<hbm>> -> memref<128xi32, #tpu.memory_space<hbm>>
        tpu.enqueue_dma source(%dma_start3A_16 : memref<128xi32, #tpu.memory_space<hbm>>) target(%arg6 : memref<128xi32, #tpu.memory_space<vmem>>) target_semaphore(%run_scoped3A : memref<!tpu.dma_semaphore, #tpu.memory_space<semaphore_mem>>)
        %dma_wait3A = tpu.memref_slice %arg3[%multiple_of3A_15] : memref<163840xi32, #tpu.memory_space<hbm>> -> memref<128xi32, #tpu.memory_space<hbm>>
        %dma_wait3A_17 = tpu.memref_slice %arg3[%multiple_of3A_15] : memref<163840xi32, #tpu.memory_space<hbm>> -> memref<128xi32, #tpu.memory_space<hbm>>
        tpu.wait_dma2 semaphore(%run_scoped3A : memref<!tpu.dma_semaphore, #tpu.memory_space<semaphore_mem>>) src(%dma_wait3A_17 : memref<128xi32, #tpu.memory_space<hbm>>) dst(%arg6 : memref<128xi32, #tpu.memory_space<vmem>>)
        tpu.yield
      }) : () -> ()
      "tpu.region"() ({
        %run_scoped3A = tpu.sem_alloc : memref<!tpu.dma_semaphore, #tpu.memory_space<semaphore_mem>>
        %dma_start3A = arith.constant 0 : i32
        %dma_start3A_16 = tpu.memref_slice %arg2[%multiple_of3A_15, %dma_start3A] : memref<163840x128xf32, #tpu.memory_space<hbm>> -> memref<128x128xf32, #tpu.memory_space<hbm>>
        %dma_start3A_17 = arith.constant 0 : i32
        %dma_start3A_18 = tpu.memref_slice %arg2[%multiple_of3A_15, %dma_start3A_17] : memref<163840x128xf32, #tpu.memory_space<hbm>> -> memref<128x128xf32, #tpu.memory_space<hbm>>
        tpu.enqueue_dma source(%dma_start3A_18 : memref<128x128xf32, #tpu.memory_space<hbm>>) target(%arg7 : memref<128x128xf32, #tpu.memory_space<vmem>>) target_semaphore(%run_scoped3A : memref<!tpu.dma_semaphore, #tpu.memory_space<semaphore_mem>>)
        %dma_wait3A = arith.constant 0 : i32
        %dma_wait3A_19 = tpu.memref_slice %arg2[%multiple_of3A_15, %dma_wait3A] : memref<163840x128xf32, #tpu.memory_space<hbm>> -> memref<128x128xf32, #tpu.memory_space<hbm>>
        %dma_wait3A_20 = arith.constant 0 : i32
        %dma_wait3A_21 = tpu.memref_slice %arg2[%multiple_of3A_15, %dma_wait3A_20] : memref<163840x128xf32, #tpu.memory_space<hbm>> -> memref<128x128xf32, #tpu.memory_space<hbm>>
        tpu.wait_dma2 semaphore(%run_scoped3A : memref<!tpu.dma_semaphore, #tpu.memory_space<semaphore_mem>>) src(%dma_wait3A_21 : memref<128x128xf32, #tpu.memory_space<hbm>>) dst(%arg7 : memref<128x128xf32, #tpu.memory_space<vmem>>)
        tpu.yield
      }) : () -> ()
      "tpu.region"() ({
        %run_scoped3A = tpu.sem_alloc : memref<!tpu.dma_semaphore, #tpu.memory_space<semaphore_mem>>
        %dma_start3A = arith.constant 0 : i32
        %dma_start3A_16 = arith.constant 0 : i32
        %dma_start3A_17 = tpu.memref_slice %arg8[%dma_start3A, %dma_start3A_16] : memref<10240x128xf32, #tpu.memory_space<vmem_shared>> -> memref<10240x128xf32, #tpu.memory_space<vmem_shared>>
        tpu.enqueue_indirect_dma source(%arg7 : memref<128x128xf32, #tpu.memory_space<vmem>>) target(%dma_start3A_17 : memref<10240x128xf32, #tpu.memory_space<vmem_shared>>) offsets(%arg6 : memref<128xi32, #tpu.memory_space<vmem>>) semaphore(%run_scoped3A : memref<!tpu.dma_semaphore, #tpu.memory_space<semaphore_mem>>) {add = true}
        %dma_wait3A = arith.constant 0 : i32
        %dma_wait3A_18 = arith.constant 0 : i32
        %dma_wait3A_19 = tpu.memref_slice %arg8[%dma_wait3A, %dma_wait3A_18] : memref<10240x128xf32, #tpu.memory_space<vmem_shared>> -> memref<10240x128xf32, #tpu.memory_space<vmem_shared>>
        tpu.wait_indirect_dma semaphore(%run_scoped3A : memref<!tpu.dma_semaphore, #tpu.memory_space<semaphore_mem>>) src(%arg7 : memref<128x128xf32, #tpu.memory_space<vmem>>) dst(%dma_wait3A_19 : memref<10240x128xf32, #tpu.memory_space<vmem_shared>>)
        tpu.yield
      }) : () -> ()
    }
    %scan3A_9 = arith.constant 40 : i32
    %barrier3A_10 = arith.constant 0 : index
    tpu.barrier barrier_id(%barrier3A_10)
    "tpu.region"() ({
      %run_scoped3A = tpu.sem_alloc : memref<!tpu.dma_semaphore, #tpu.memory_space<semaphore_mem>>
      %dma_start3A = arith.constant 0 : i32
      %dma_start3A_11 = tpu.memref_slice %arg5[%arg0, %multiple_of3A, %dma_start3A] : memref<2x10240x128xf32, #tpu.memory_space<hbm>> -> memref<1x640x128xf32, #tpu.memory_space<hbm>>
      %dma_start3A_12 = tpu.memref_squeeze %dma_start3A_11 : memref<1x640x128xf32, #tpu.memory_space<hbm>> -> memref<640x128xf32, #tpu.memory_space<hbm>>
      %dma_start3A_13 = arith.constant 0 : i32
      %dma_start3A_14 = tpu.memref_slice %arg8[%multiple_of3A, %dma_start3A_13] : memref<10240x128xf32, #tpu.memory_space<vmem_shared>> -> memref<640x128xf32, #tpu.memory_space<vmem_shared>>
      tpu.enqueue_dma source(%dma_start3A_14 : memref<640x128xf32, #tpu.memory_space<vmem_shared>>) target(%dma_start3A_12 : memref<640x128xf32, #tpu.memory_space<hbm>>) target_semaphore(%run_scoped3A : memref<!tpu.dma_semaphore, #tpu.memory_space<semaphore_mem>>)
      %dma_wait3A = arith.constant 0 : i32
      %dma_wait3A_15 = tpu.memref_slice %arg5[%arg0, %multiple_of3A, %dma_wait3A] : memref<2x10240x128xf32, #tpu.memory_space<hbm>> -> memref<1x640x128xf32, #tpu.memory_space<hbm>>
      %dma_wait3A_16 = tpu.memref_squeeze %dma_wait3A_15 : memref<1x640x128xf32, #tpu.memory_space<hbm>> -> memref<640x128xf32, #tpu.memory_space<hbm>>
      %dma_wait3A_17 = arith.constant 0 : i32
      %dma_wait3A_18 = tpu.memref_slice %arg8[%multiple_of3A, %dma_wait3A_17] : memref<10240x128xf32, #tpu.memory_space<vmem_shared>> -> memref<640x128xf32, #tpu.memory_space<vmem_shared>>
      tpu.wait_dma2 semaphore(%run_scoped3A : memref<!tpu.dma_semaphore, #tpu.memory_space<semaphore_mem>>) src(%dma_wait3A_18 : memref<640x128xf32, #tpu.memory_space<vmem_shared>>) dst(%dma_wait3A_16 : memref<640x128xf32, #tpu.memory_space<hbm>>)
      tpu.yield
    }) : () -> ()
    return
  }
}

#map = affine_map<(d0, d1) -> (0, 0)>
#map1 = affine_map<(d0, d1) -> (0)>
#map2 = affine_map<(d0, d1) -> (0, 0, 0)>
module attributes {stable_mosaic.version = 14 : i64} {
  func.func @k(%arg0: i32, %arg1: i32, %arg2: memref<163840x128xf32, #tpu.memory_space<hbm>>, %arg3: memref<163840xi32, #tpu.memory_space<hbm>>, %arg4: memref<10240x128xf32, #tpu.memory_space<hbm>>, %arg5: memref<2x10240x128xf32, #tpu.memory_space<hbm>>, %arg6: memref<128xi32, #tpu.memory_space<vmem>>, %arg7: memref<128x128xf32, #tpu.memory_space<vmem>>, %arg8: memref<10240x128xf32, #tpu.memory_space<vmem_shared>>) attributes {dimension_semantics = [#tpu.dimension_semantics<core_parallel>, #tpu.dimension_semantics<subcore_parallel>], iteration_bounds = array<i64: 2, 16>, scalar_prefetch = 0 : i64, scratch_operands = 3 : i64, tpu.core_type = #tpu.core_type<sc_vector_subcore>, window_params = [{transform_indices = #map}, {transform_indices = #map1}, {transform_indices = #map}, {transform_indices = #map2}]} {
    %mul3A = arith.constant 2 : i32
    %mul3A_0 = arith.muli %arg1, %mul3A : i32
    %add3A = arith.addi %mul3A_0, %arg0 : i32
    %mul3A_1 = arith.constant 5120 : i32
    %mul3A_2 = arith.muli %add3A, %mul3A_1 : i32
    %mul3A_3 = arith.constant 640 : i32
    %mul3A_4 = arith.muli %arg1, %mul3A_3 : i32
    %multiple_of3A = tpu.assume_multiple %mul3A_4, 128 : i32
    "tpu.region"() ({
      %run_scoped3A = tpu.sem_alloc : memref<!tpu.dma_semaphore, #tpu.memory_space<semaphore_mem>>
      %dma_start3A = arith.constant 0 : i32
      %dma_start3A_11 = tpu.memref_slice %arg8[%multiple_of3A, %dma_start3A] : memref<10240x128xf32, #tpu.memory_space<vmem_shared>> -> memref<640x128xf32, #tpu.memory_space<vmem_shared>>
      %dma_start3A_12 = arith.constant 0 : i32
      %dma_start3A_13 = tpu.memref_slice %arg4[%multiple_of3A, %dma_start3A_12] : memref<10240x128xf32, #tpu.memory_space<hbm>> -> memref<640x128xf32, #tpu.memory_space<hbm>>
      tpu.enqueue_dma source(%dma_start3A_13 : memref<640x128xf32, #tpu.memory_space<hbm>>) target(%dma_start3A_11 : memref<640x128xf32, #tpu.memory_space<vmem_shared>>) target_semaphore(%run_scoped3A : memref<!tpu.dma_semaphore, #tpu.memory_space<semaphore_mem>>)
      %dma_wait3A = arith.constant 0 : i32
      %dma_wait3A_14 = tpu.memref_slice %arg8[%multiple_of3A, %dma_wait3A] : memref<10240x128xf32, #tpu.memory_space<vmem_shared>> -> memref<640x128xf32, #tpu.memory_space<vmem_shared>>
      %dma_wait3A_15 = arith.constant 0 : i32
      %dma_wait3A_16 = tpu.memref_slice %arg4[%multiple_of3A, %dma_wait3A_15] : memref<10240x128xf32, #tpu.memory_space<hbm>> -> memref<640x128xf32, #tpu.memory_space<hbm>>
      tpu.wait_dma2 semaphore(%run_scoped3A : memref<!tpu.dma_semaphore, #tpu.memory_space<semaphore_mem>>) src(%dma_wait3A_16 : memref<640x128xf32, #tpu.memory_space<hbm>>) dst(%dma_wait3A_14 : memref<640x128xf32, #tpu.memory_space<vmem_shared>>)
      tpu.yield
    }) : () -> ()
    %barrier3A = arith.constant 0 : index
    tpu.barrier barrier_id(%barrier3A)
    %scan3A = arith.constant 0 : i32
    %scan3A_5 = arith.constant 0 : i32
    %scan3A_6 = arith.constant 40 : i32
    %scan3A_7 = arith.addi %scan3A_5, %scan3A_6 : i32
    %scan3A_8 = arith.constant 1 : i32
    scf.for %scan3A_11 = %scan3A_5 to %scan3A_7 step %scan3A_8  : i32 {
      %mul3A_12 = arith.constant 128 : i32
      %mul3A_13 = arith.muli %scan3A_11, %mul3A_12 : i32
      %add3A_14 = arith.addi %mul3A_2, %mul3A_13 : i32
      %multiple_of3A_15 = tpu.assume_multiple %add3A_14, 128 : i32
      "tpu.region"() ({
        %run_scoped3A = tpu.sem_alloc : memref<!tpu.dma_semaphore, #tpu.memory_space<semaphore_mem>>
        %dma_start3A = tpu.memref_slice %arg3[%multiple_of3A_15] : memref<163840xi32, #tpu.memory_space<hbm>> -> memref<128xi32, #tpu.memory_space<hbm>>
        %dma_start3A_16 = tpu.memref_slice %arg3[%multiple_of3A_15] : memref<163840xi32, #tpu.memory_space<hbm>> -> memref<128xi32, #tpu.memory_space<hbm>>
        tpu.enqueue_dma source(%dma_start3A_16 : memref<128xi32, #tpu.memory_space<hbm>>) target(%arg6 : memref<128xi32, #tpu.memory_space<vmem>>) target_semaphore(%run_scoped3A : memref<!tpu.dma_semaphore, #tpu.memory_space<semaphore_mem>>)
        %dma_wait3A = tpu.memref_slice %arg3[%multiple_of3A_15] : memref<163840xi32, #tpu.memory_space<hbm>> -> memref<128xi32, #tpu.memory_space<hbm>>
        %dma_wait3A_17 = tpu.memref_slice %arg3[%multiple_of3A_15] : memref<163840xi32, #tpu.memory_space<hbm>> -> memref<128xi32, #tpu.memory_space<hbm>>
        tpu.wait_dma2 semaphore(%run_scoped3A : memref<!tpu.dma_semaphore, #tpu.memory_space<semaphore_mem>>) src(%dma_wait3A_17 : memref<128xi32, #tpu.memory_space<hbm>>) dst(%arg6 : memref<128xi32, #tpu.memory_space<vmem>>)
        tpu.yield
      }) : () -> ()
      "tpu.region"() ({
        %run_scoped3A = tpu.sem_alloc : memref<!tpu.dma_semaphore, #tpu.memory_space<semaphore_mem>>
        %dma_start3A = arith.constant 0 : i32
        %dma_start3A_16 = tpu.memref_slice %arg2[%multiple_of3A_15, %dma_start3A] : memref<163840x128xf32, #tpu.memory_space<hbm>> -> memref<128x128xf32, #tpu.memory_space<hbm>>
        %dma_start3A_17 = arith.constant 0 : i32
        %dma_start3A_18 = tpu.memref_slice %arg2[%multiple_of3A_15, %dma_start3A_17] : memref<163840x128xf32, #tpu.memory_space<hbm>> -> memref<128x128xf32, #tpu.memory_space<hbm>>
        tpu.enqueue_dma source(%dma_start3A_18 : memref<128x128xf32, #tpu.memory_space<hbm>>) target(%arg7 : memref<128x128xf32, #tpu.memory_space<vmem>>) target_semaphore(%run_scoped3A : memref<!tpu.dma_semaphore, #tpu.memory_space<semaphore_mem>>)
        %dma_wait3A = arith.constant 0 : i32
        %dma_wait3A_19 = tpu.memref_slice %arg2[%multiple_of3A_15, %dma_wait3A] : memref<163840x128xf32, #tpu.memory_space<hbm>> -> memref<128x128xf32, #tpu.memory_space<hbm>>
        %dma_wait3A_20 = arith.constant 0 : i32
        %dma_wait3A_21 = tpu.memref_slice %arg2[%multiple_of3A_15, %dma_wait3A_20] : memref<163840x128xf32, #tpu.memory_space<hbm>> -> memref<128x128xf32, #tpu.memory_space<hbm>>
        tpu.wait_dma2 semaphore(%run_scoped3A : memref<!tpu.dma_semaphore, #tpu.memory_space<semaphore_mem>>) src(%dma_wait3A_21 : memref<128x128xf32, #tpu.memory_space<hbm>>) dst(%arg7 : memref<128x128xf32, #tpu.memory_space<vmem>>)
        tpu.yield
      }) : () -> ()
      "tpu.region"() ({
        %run_scoped3A = tpu.sem_alloc : memref<!tpu.dma_semaphore, #tpu.memory_space<semaphore_mem>>
        %dma_start3A = arith.constant 0 : i32
        %dma_start3A_16 = arith.constant 0 : i32
        %dma_start3A_17 = tpu.memref_slice %arg8[%dma_start3A, %dma_start3A_16] : memref<10240x128xf32, #tpu.memory_space<vmem_shared>> -> memref<10240x128xf32, #tpu.memory_space<vmem_shared>>
        tpu.enqueue_indirect_dma source(%arg7 : memref<128x128xf32, #tpu.memory_space<vmem>>) target(%dma_start3A_17 : memref<10240x128xf32, #tpu.memory_space<vmem_shared>>) offsets(%arg6 : memref<128xi32, #tpu.memory_space<vmem>>) semaphore(%run_scoped3A : memref<!tpu.dma_semaphore, #tpu.memory_space<semaphore_mem>>) {add = true}
        %dma_wait3A = arith.constant 0 : i32
        %dma_wait3A_18 = arith.constant 0 : i32
        %dma_wait3A_19 = tpu.memref_slice %arg8[%dma_wait3A, %dma_wait3A_18] : memref<10240x128xf32, #tpu.memory_space<vmem_shared>> -> memref<10240x128xf32, #tpu.memory_space<vmem_shared>>
        tpu.wait_indirect_dma semaphore(%run_scoped3A : memref<!tpu.dma_semaphore, #tpu.memory_space<semaphore_mem>>) src(%arg7 : memref<128x128xf32, #tpu.memory_space<vmem>>) dst(%dma_wait3A_19 : memref<10240x128xf32, #tpu.memory_space<vmem_shared>>)
        tpu.yield
      }) : () -> ()
    }
    %scan3A_9 = arith.constant 40 : i32
    %barrier3A_10 = arith.constant 0 : index
    tpu.barrier barrier_id(%barrier3A_10)
    "tpu.region"() ({
      %run_scoped3A = tpu.sem_alloc : memref<!tpu.dma_semaphore, #tpu.memory_space<semaphore_mem>>
      %dma_start3A = arith.constant 0 : i32
      %dma_start3A_11 = tpu.memref_slice %arg5[%arg0, %multiple_of3A, %dma_start3A] : memref<2x10240x128xf32, #tpu.memory_space<hbm>> -> memref<1x640x128xf32, #tpu.memory_space<hbm>>
      %dma_start3A_12 = tpu.memref_squeeze %dma_start3A_11 : memref<1x640x128xf32, #tpu.memory_space<hbm>> -> memref<640x128xf32, #tpu.memory_space<hbm>>
      %dma_start3A_13 = arith.constant 0 : i32
      %dma_start3A_14 = tpu.memref_slice %arg8[%multiple_of3A, %dma_start3A_13] : memref<10240x128xf32, #tpu.memory_space<vmem_shared>> -> memref<640x128xf32, #tpu.memory_space<vmem_shared>>
      tpu.enqueue_dma source(%dma_start3A_14 : memref<640x128xf32, #tpu.memory_space<vmem_shared>>) target(%dma_start3A_12 : memref<640x128xf32, #tpu.memory_space<hbm>>) target_semaphore(%run_scoped3A : memref<!tpu.dma_semaphore, #tpu.memory_space<semaphore_mem>>)
      %dma_wait3A = arith.constant 0 : i32
      %dma_wait3A_15 = tpu.memref_slice %arg5[%arg0, %multiple_of3A, %dma_wait3A] : memref<2x10240x128xf32, #tpu.memory_space<hbm>> -> memref<1x640x128xf32, #tpu.memory_space<hbm>>
      %dma_wait3A_16 = tpu.memref_squeeze %dma_wait3A_15 : memref<1x640x128xf32, #tpu.memory_space<hbm>> -> memref<640x128xf32, #tpu.memory_space<hbm>>
      %dma_wait3A_17 = arith.constant 0 : i32
      %dma_wait3A_18 = tpu.memref_slice %arg8[%multiple_of3A, %dma_wait3A_17] : memref<10240x128xf32, #tpu.memory_space<vmem_shared>> -> memref<640x128xf32, #tpu.memory_space<vmem_shared>>
      tpu.wait_dma2 semaphore(%run_scoped3A : memref<!tpu.dma_semaphore, #tpu.memory_space<semaphore_mem>>) src(%dma_wait3A_18 : memref<640x128xf32, #tpu.memory_space<vmem_shared>>) dst(%dma_wait3A_16 : memref<640x128xf32, #tpu.memory_space<hbm>>)
      tpu.yield
    }) : () -> ()
    return
  }
}

#map = affine_map<(d0, d1) -> (0, 0)>
#map1 = affine_map<(d0, d1) -> (0)>
module attributes {stable_mosaic.version = 14 : i64} {
  func.func @k(%arg0: i32, %arg1: i32, %arg2: memref<10240x128xf32, #tpu.memory_space<hbm>>, %arg3: memref<163840xi32, #tpu.memory_space<hbm>>, %arg4: memref<163840xi32, #tpu.memory_space<hbm>>, %arg5: memref<163840x128xf32, #tpu.memory_space<hbm>>, %arg6: memref<163840x128xf32, #tpu.memory_space<hbm>>, %arg7: memref<128xi32, #tpu.memory_space<vmem>>, %arg8: memref<128xi32, #tpu.memory_space<vmem>>, %arg9: memref<128x128xf32, #tpu.memory_space<vmem>>, %arg10: memref<128x128xf32, #tpu.memory_space<vmem>>, %arg11: memref<!tpu.dma_semaphore, #tpu.memory_space<semaphore_mem>>, %arg12: memref<!tpu.dma_semaphore, #tpu.memory_space<semaphore_mem>>) attributes {dimension_semantics = [#tpu.dimension_semantics<core_parallel>, #tpu.dimension_semantics<subcore_parallel>], iteration_bounds = array<i64: 2, 16>, scalar_prefetch = 0 : i64, scratch_operands = 6 : i64, tpu.core_type = #tpu.core_type<sc_vector_subcore>, window_params = [{transform_indices = #map}, {transform_indices = #map1}, {transform_indices = #map1}, {transform_indices = #map}, {transform_indices = #map}]} {
    %mul3A = arith.constant 2 : i32
    %mul3A_0 = arith.muli %arg1, %mul3A : i32
    %add3A = arith.addi %mul3A_0, %arg0 : i32
    %mul3A_1 = arith.constant 5120 : i32
    %mul3A_2 = arith.muli %add3A, %mul3A_1 : i32
    %scan3A = arith.constant 0 : i32
    %scan3A_3 = arith.constant 0 : i32
    %scan3A_4 = arith.constant 40 : i32
    %scan3A_5 = arith.addi %scan3A_3, %scan3A_4 : i32
    %scan3A_6 = arith.constant 1 : i32
    scf.for %scan3A_8 = %scan3A_3 to %scan3A_5 step %scan3A_6  : i32 {
      %mul3A_9 = arith.constant 128 : i32
      %mul3A_10 = arith.muli %scan3A_8, %mul3A_9 : i32
      %add3A_11 = arith.addi %mul3A_2, %mul3A_10 : i32
      %multiple_of3A = tpu.assume_multiple %add3A_11, 128 : i32
      "tpu.region"() ({
        %run_scoped3A = tpu.sem_alloc : memref<!tpu.dma_semaphore, #tpu.memory_space<semaphore_mem>>
        %dma_start3A_22 = tpu.memref_slice %arg3[%multiple_of3A] : memref<163840xi32, #tpu.memory_space<hbm>> -> memref<128xi32, #tpu.memory_space<hbm>>
        %dma_start3A_23 = tpu.memref_slice %arg3[%multiple_of3A] : memref<163840xi32, #tpu.memory_space<hbm>> -> memref<128xi32, #tpu.memory_space<hbm>>
        tpu.enqueue_dma source(%dma_start3A_23 : memref<128xi32, #tpu.memory_space<hbm>>) target(%arg7 : memref<128xi32, #tpu.memory_space<vmem>>) target_semaphore(%run_scoped3A : memref<!tpu.dma_semaphore, #tpu.memory_space<semaphore_mem>>)
        %dma_wait3A_24 = tpu.memref_slice %arg3[%multiple_of3A] : memref<163840xi32, #tpu.memory_space<hbm>> -> memref<128xi32, #tpu.memory_space<hbm>>
        %dma_wait3A_25 = tpu.memref_slice %arg3[%multiple_of3A] : memref<163840xi32, #tpu.memory_space<hbm>> -> memref<128xi32, #tpu.memory_space<hbm>>
        tpu.wait_dma2 semaphore(%run_scoped3A : memref<!tpu.dma_semaphore, #tpu.memory_space<semaphore_mem>>) src(%dma_wait3A_25 : memref<128xi32, #tpu.memory_space<hbm>>) dst(%arg7 : memref<128xi32, #tpu.memory_space<vmem>>)
        tpu.yield
      }) : () -> ()
      "tpu.region"() ({
        %run_scoped3A = tpu.sem_alloc : memref<!tpu.dma_semaphore, #tpu.memory_space<semaphore_mem>>
        %dma_start3A_22 = tpu.memref_slice %arg4[%multiple_of3A] : memref<163840xi32, #tpu.memory_space<hbm>> -> memref<128xi32, #tpu.memory_space<hbm>>
        %dma_start3A_23 = tpu.memref_slice %arg4[%multiple_of3A] : memref<163840xi32, #tpu.memory_space<hbm>> -> memref<128xi32, #tpu.memory_space<hbm>>
        tpu.enqueue_dma source(%dma_start3A_23 : memref<128xi32, #tpu.memory_space<hbm>>) target(%arg8 : memref<128xi32, #tpu.memory_space<vmem>>) target_semaphore(%run_scoped3A : memref<!tpu.dma_semaphore, #tpu.memory_space<semaphore_mem>>)
        %dma_wait3A_24 = tpu.memref_slice %arg4[%multiple_of3A] : memref<163840xi32, #tpu.memory_space<hbm>> -> memref<128xi32, #tpu.memory_space<hbm>>
        %dma_wait3A_25 = tpu.memref_slice %arg4[%multiple_of3A] : memref<163840xi32, #tpu.memory_space<hbm>> -> memref<128xi32, #tpu.memory_space<hbm>>
        tpu.wait_dma2 semaphore(%run_scoped3A : memref<!tpu.dma_semaphore, #tpu.memory_space<semaphore_mem>>) src(%dma_wait3A_25 : memref<128xi32, #tpu.memory_space<hbm>>) dst(%arg8 : memref<128xi32, #tpu.memory_space<vmem>>)
        tpu.yield
      }) : () -> ()
      %dma_start3A = arith.constant 0 : i32
      %dma_start3A_12 = arith.constant 0 : i32
      %dma_start3A_13 = tpu.memref_slice %arg2[%dma_start3A, %dma_start3A_12] : memref<10240x128xf32, #tpu.memory_space<hbm>> -> memref<10240x128xf32, #tpu.memory_space<hbm>>
      tpu.enqueue_indirect_dma source(%dma_start3A_13 : memref<10240x128xf32, #tpu.memory_space<hbm>>) target(%arg9 : memref<128x128xf32, #tpu.memory_space<vmem>>) offsets(%arg7 : memref<128xi32, #tpu.memory_space<vmem>>) semaphore(%arg11 : memref<!tpu.dma_semaphore, #tpu.memory_space<semaphore_mem>>)
      %dma_start3A_14 = arith.constant 0 : i32
      %dma_start3A_15 = arith.constant 0 : i32
      %dma_start3A_16 = tpu.memref_slice %arg2[%dma_start3A_14, %dma_start3A_15] : memref<10240x128xf32, #tpu.memory_space<hbm>> -> memref<10240x128xf32, #tpu.memory_space<hbm>>
      tpu.enqueue_indirect_dma source(%dma_start3A_16 : memref<10240x128xf32, #tpu.memory_space<hbm>>) target(%arg10 : memref<128x128xf32, #tpu.memory_space<vmem>>) offsets(%arg8 : memref<128xi32, #tpu.memory_space<vmem>>) semaphore(%arg12 : memref<!tpu.dma_semaphore, #tpu.memory_space<semaphore_mem>>)
      %dma_wait3A = arith.constant 0 : i32
      %dma_wait3A_17 = arith.constant 0 : i32
      %dma_wait3A_18 = tpu.memref_slice %arg2[%dma_wait3A, %dma_wait3A_17] : memref<10240x128xf32, #tpu.memory_space<hbm>> -> memref<10240x128xf32, #tpu.memory_space<hbm>>
      tpu.wait_indirect_dma semaphore(%arg11 : memref<!tpu.dma_semaphore, #tpu.memory_space<semaphore_mem>>) src(%dma_wait3A_18 : memref<10240x128xf32, #tpu.memory_space<hbm>>) dst(%arg9 : memref<128x128xf32, #tpu.memory_space<vmem>>)
      "tpu.region"() ({
        %run_scoped3A = tpu.sem_alloc : memref<!tpu.dma_semaphore, #tpu.memory_space<semaphore_mem>>
        %dma_start3A_22 = arith.constant 0 : i32
        %dma_start3A_23 = tpu.memref_slice %arg5[%multiple_of3A, %dma_start3A_22] : memref<163840x128xf32, #tpu.memory_space<hbm>> -> memref<128x128xf32, #tpu.memory_space<hbm>>
        %dma_start3A_24 = arith.constant 0 : i32
        %dma_start3A_25 = tpu.memref_slice %arg5[%multiple_of3A, %dma_start3A_24] : memref<163840x128xf32, #tpu.memory_space<hbm>> -> memref<128x128xf32, #tpu.memory_space<hbm>>
        tpu.enqueue_dma source(%arg9 : memref<128x128xf32, #tpu.memory_space<vmem>>) target(%dma_start3A_25 : memref<128x128xf32, #tpu.memory_space<hbm>>) target_semaphore(%run_scoped3A : memref<!tpu.dma_semaphore, #tpu.memory_space<semaphore_mem>>)
        %dma_wait3A_26 = arith.constant 0 : i32
        %dma_wait3A_27 = tpu.memref_slice %arg5[%multiple_of3A, %dma_wait3A_26] : memref<163840x128xf32, #tpu.memory_space<hbm>> -> memref<128x128xf32, #tpu.memory_space<hbm>>
        %dma_wait3A_28 = arith.constant 0 : i32
        %dma_wait3A_29 = tpu.memref_slice %arg5[%multiple_of3A, %dma_wait3A_28] : memref<163840x128xf32, #tpu.memory_space<hbm>> -> memref<128x128xf32, #tpu.memory_space<hbm>>
        tpu.wait_dma2 semaphore(%run_scoped3A : memref<!tpu.dma_semaphore, #tpu.memory_space<semaphore_mem>>) src(%arg9 : memref<128x128xf32, #tpu.memory_space<vmem>>) dst(%dma_wait3A_29 : memref<128x128xf32, #tpu.memory_space<hbm>>)
        tpu.yield
      }) : () -> ()
      %dma_wait3A_19 = arith.constant 0 : i32
      %dma_wait3A_20 = arith.constant 0 : i32
      %dma_wait3A_21 = tpu.memref_slice %arg2[%dma_wait3A_19, %dma_wait3A_20] : memref<10240x128xf32, #tpu.memory_space<hbm>> -> memref<10240x128xf32, #tpu.memory_space<hbm>>
      tpu.wait_indirect_dma semaphore(%arg12 : memref<!tpu.dma_semaphore, #tpu.memory_space<semaphore_mem>>) src(%dma_wait3A_21 : memref<10240x128xf32, #tpu.memory_space<hbm>>) dst(%arg10 : memref<128x128xf32, #tpu.memory_space<vmem>>)
      "tpu.region"() ({
        %run_scoped3A = tpu.sem_alloc : memref<!tpu.dma_semaphore, #tpu.memory_space<semaphore_mem>>
        %dma_start3A_22 = arith.constant 0 : i32
        %dma_start3A_23 = tpu.memref_slice %arg6[%multiple_of3A, %dma_start3A_22] : memref<163840x128xf32, #tpu.memory_space<hbm>> -> memref<128x128xf32, #tpu.memory_space<hbm>>
        %dma_start3A_24 = arith.constant 0 : i32
        %dma_start3A_25 = tpu.memref_slice %arg6[%multiple_of3A, %dma_start3A_24] : memref<163840x128xf32, #tpu.memory_space<hbm>> -> memref<128x128xf32, #tpu.memory_space<hbm>>
        tpu.enqueue_dma source(%arg10 : memref<128x128xf32, #tpu.memory_space<vmem>>) target(%dma_start3A_25 : memref<128x128xf32, #tpu.memory_space<hbm>>) target_semaphore(%run_scoped3A : memref<!tpu.dma_semaphore, #tpu.memory_space<semaphore_mem>>)
        %dma_wait3A_26 = arith.constant 0 : i32
        %dma_wait3A_27 = tpu.memref_slice %arg6[%multiple_of3A, %dma_wait3A_26] : memref<163840x128xf32, #tpu.memory_space<hbm>> -> memref<128x128xf32, #tpu.memory_space<hbm>>
        %dma_wait3A_28 = arith.constant 0 : i32
        %dma_wait3A_29 = tpu.memref_slice %arg6[%multiple_of3A, %dma_wait3A_28] : memref<163840x128xf32, #tpu.memory_space<hbm>> -> memref<128x128xf32, #tpu.memory_space<hbm>>
        tpu.wait_dma2 semaphore(%run_scoped3A : memref<!tpu.dma_semaphore, #tpu.memory_space<semaphore_mem>>) src(%arg10 : memref<128x128xf32, #tpu.memory_space<vmem>>) dst(%dma_wait3A_29 : memref<128x128xf32, #tpu.memory_space<hbm>>)
        tpu.yield
      }) : () -> ()
    }
    %scan3A_7 = arith.constant 40 : i32
    return
  }
}

#map = affine_map<(d0, d1) -> (0, 0)>
#map1 = affine_map<(d0, d1) -> (0)>
module attributes {stable_mosaic.version = 14 : i64} {
  func.func @k(%arg0: i32, %arg1: i32, %arg2: memref<10240x128xf32, #tpu.memory_space<hbm>>, %arg3: memref<163840xi32, #tpu.memory_space<hbm>>, %arg4: memref<163840xi32, #tpu.memory_space<hbm>>, %arg5: memref<163840x128xf32, #tpu.memory_space<hbm>>, %arg6: memref<163840x128xf32, #tpu.memory_space<hbm>>, %arg7: memref<128xi32, #tpu.memory_space<vmem>>, %arg8: memref<128xi32, #tpu.memory_space<vmem>>, %arg9: memref<128x128xf32, #tpu.memory_space<vmem>>, %arg10: memref<128x128xf32, #tpu.memory_space<vmem>>, %arg11: memref<!tpu.dma_semaphore, #tpu.memory_space<semaphore_mem>>, %arg12: memref<!tpu.dma_semaphore, #tpu.memory_space<semaphore_mem>>) attributes {dimension_semantics = [#tpu.dimension_semantics<core_parallel>, #tpu.dimension_semantics<subcore_parallel>], iteration_bounds = array<i64: 2, 16>, scalar_prefetch = 0 : i64, scratch_operands = 6 : i64, tpu.core_type = #tpu.core_type<sc_vector_subcore>, window_params = [{transform_indices = #map}, {transform_indices = #map1}, {transform_indices = #map1}, {transform_indices = #map}, {transform_indices = #map}]} {
    %mul3A = arith.constant 2 : i32
    %mul3A_0 = arith.muli %arg1, %mul3A : i32
    %add3A = arith.addi %mul3A_0, %arg0 : i32
    %mul3A_1 = arith.constant 5120 : i32
    %mul3A_2 = arith.muli %add3A, %mul3A_1 : i32
    %scan3A = arith.constant 0 : i32
    %scan3A_3 = arith.constant 0 : i32
    %scan3A_4 = arith.constant 40 : i32
    %scan3A_5 = arith.addi %scan3A_3, %scan3A_4 : i32
    %scan3A_6 = arith.constant 1 : i32
    scf.for %scan3A_8 = %scan3A_3 to %scan3A_5 step %scan3A_6  : i32 {
      %mul3A_9 = arith.constant 128 : i32
      %mul3A_10 = arith.muli %scan3A_8, %mul3A_9 : i32
      %add3A_11 = arith.addi %mul3A_2, %mul3A_10 : i32
      %multiple_of3A = tpu.assume_multiple %add3A_11, 128 : i32
      "tpu.region"() ({
        %run_scoped3A = tpu.sem_alloc : memref<!tpu.dma_semaphore, #tpu.memory_space<semaphore_mem>>
        %dma_start3A_22 = tpu.memref_slice %arg3[%multiple_of3A] : memref<163840xi32, #tpu.memory_space<hbm>> -> memref<128xi32, #tpu.memory_space<hbm>>
        %dma_start3A_23 = tpu.memref_slice %arg3[%multiple_of3A] : memref<163840xi32, #tpu.memory_space<hbm>> -> memref<128xi32, #tpu.memory_space<hbm>>
        tpu.enqueue_dma source(%dma_start3A_23 : memref<128xi32, #tpu.memory_space<hbm>>) target(%arg7 : memref<128xi32, #tpu.memory_space<vmem>>) target_semaphore(%run_scoped3A : memref<!tpu.dma_semaphore, #tpu.memory_space<semaphore_mem>>)
        %dma_wait3A_24 = tpu.memref_slice %arg3[%multiple_of3A] : memref<163840xi32, #tpu.memory_space<hbm>> -> memref<128xi32, #tpu.memory_space<hbm>>
        %dma_wait3A_25 = tpu.memref_slice %arg3[%multiple_of3A] : memref<163840xi32, #tpu.memory_space<hbm>> -> memref<128xi32, #tpu.memory_space<hbm>>
        tpu.wait_dma2 semaphore(%run_scoped3A : memref<!tpu.dma_semaphore, #tpu.memory_space<semaphore_mem>>) src(%dma_wait3A_25 : memref<128xi32, #tpu.memory_space<hbm>>) dst(%arg7 : memref<128xi32, #tpu.memory_space<vmem>>)
        tpu.yield
      }) : () -> ()
      "tpu.region"() ({
        %run_scoped3A = tpu.sem_alloc : memref<!tpu.dma_semaphore, #tpu.memory_space<semaphore_mem>>
        %dma_start3A_22 = tpu.memref_slice %arg4[%multiple_of3A] : memref<163840xi32, #tpu.memory_space<hbm>> -> memref<128xi32, #tpu.memory_space<hbm>>
        %dma_start3A_23 = tpu.memref_slice %arg4[%multiple_of3A] : memref<163840xi32, #tpu.memory_space<hbm>> -> memref<128xi32, #tpu.memory_space<hbm>>
        tpu.enqueue_dma source(%dma_start3A_23 : memref<128xi32, #tpu.memory_space<hbm>>) target(%arg8 : memref<128xi32, #tpu.memory_space<vmem>>) target_semaphore(%run_scoped3A : memref<!tpu.dma_semaphore, #tpu.memory_space<semaphore_mem>>)
        %dma_wait3A_24 = tpu.memref_slice %arg4[%multiple_of3A] : memref<163840xi32, #tpu.memory_space<hbm>> -> memref<128xi32, #tpu.memory_space<hbm>>
        %dma_wait3A_25 = tpu.memref_slice %arg4[%multiple_of3A] : memref<163840xi32, #tpu.memory_space<hbm>> -> memref<128xi32, #tpu.memory_space<hbm>>
        tpu.wait_dma2 semaphore(%run_scoped3A : memref<!tpu.dma_semaphore, #tpu.memory_space<semaphore_mem>>) src(%dma_wait3A_25 : memref<128xi32, #tpu.memory_space<hbm>>) dst(%arg8 : memref<128xi32, #tpu.memory_space<vmem>>)
        tpu.yield
      }) : () -> ()
      %dma_start3A = arith.constant 0 : i32
      %dma_start3A_12 = arith.constant 0 : i32
      %dma_start3A_13 = tpu.memref_slice %arg2[%dma_start3A, %dma_start3A_12] : memref<10240x128xf32, #tpu.memory_space<hbm>> -> memref<10240x128xf32, #tpu.memory_space<hbm>>
      tpu.enqueue_indirect_dma source(%dma_start3A_13 : memref<10240x128xf32, #tpu.memory_space<hbm>>) target(%arg9 : memref<128x128xf32, #tpu.memory_space<vmem>>) offsets(%arg7 : memref<128xi32, #tpu.memory_space<vmem>>) semaphore(%arg11 : memref<!tpu.dma_semaphore, #tpu.memory_space<semaphore_mem>>)
      %dma_start3A_14 = arith.constant 0 : i32
      %dma_start3A_15 = arith.constant 0 : i32
      %dma_start3A_16 = tpu.memref_slice %arg2[%dma_start3A_14, %dma_start3A_15] : memref<10240x128xf32, #tpu.memory_space<hbm>> -> memref<10240x128xf32, #tpu.memory_space<hbm>>
      tpu.enqueue_indirect_dma source(%dma_start3A_16 : memref<10240x128xf32, #tpu.memory_space<hbm>>) target(%arg10 : memref<128x128xf32, #tpu.memory_space<vmem>>) offsets(%arg8 : memref<128xi32, #tpu.memory_space<vmem>>) semaphore(%arg12 : memref<!tpu.dma_semaphore, #tpu.memory_space<semaphore_mem>>)
      %dma_wait3A = arith.constant 0 : i32
      %dma_wait3A_17 = arith.constant 0 : i32
      %dma_wait3A_18 = tpu.memref_slice %arg2[%dma_wait3A, %dma_wait3A_17] : memref<10240x128xf32, #tpu.memory_space<hbm>> -> memref<10240x128xf32, #tpu.memory_space<hbm>>
      tpu.wait_indirect_dma semaphore(%arg11 : memref<!tpu.dma_semaphore, #tpu.memory_space<semaphore_mem>>) src(%dma_wait3A_18 : memref<10240x128xf32, #tpu.memory_space<hbm>>) dst(%arg9 : memref<128x128xf32, #tpu.memory_space<vmem>>)
      "tpu.region"() ({
        %run_scoped3A = tpu.sem_alloc : memref<!tpu.dma_semaphore, #tpu.memory_space<semaphore_mem>>
        %dma_start3A_22 = arith.constant 0 : i32
        %dma_start3A_23 = tpu.memref_slice %arg5[%multiple_of3A, %dma_start3A_22] : memref<163840x128xf32, #tpu.memory_space<hbm>> -> memref<128x128xf32, #tpu.memory_space<hbm>>
        %dma_start3A_24 = arith.constant 0 : i32
        %dma_start3A_25 = tpu.memref_slice %arg5[%multiple_of3A, %dma_start3A_24] : memref<163840x128xf32, #tpu.memory_space<hbm>> -> memref<128x128xf32, #tpu.memory_space<hbm>>
        tpu.enqueue_dma source(%arg9 : memref<128x128xf32, #tpu.memory_space<vmem>>) target(%dma_start3A_25 : memref<128x128xf32, #tpu.memory_space<hbm>>) target_semaphore(%run_scoped3A : memref<!tpu.dma_semaphore, #tpu.memory_space<semaphore_mem>>)
        %dma_wait3A_26 = arith.constant 0 : i32
        %dma_wait3A_27 = tpu.memref_slice %arg5[%multiple_of3A, %dma_wait3A_26] : memref<163840x128xf32, #tpu.memory_space<hbm>> -> memref<128x128xf32, #tpu.memory_space<hbm>>
        %dma_wait3A_28 = arith.constant 0 : i32
        %dma_wait3A_29 = tpu.memref_slice %arg5[%multiple_of3A, %dma_wait3A_28] : memref<163840x128xf32, #tpu.memory_space<hbm>> -> memref<128x128xf32, #tpu.memory_space<hbm>>
        tpu.wait_dma2 semaphore(%run_scoped3A : memref<!tpu.dma_semaphore, #tpu.memory_space<semaphore_mem>>) src(%arg9 : memref<128x128xf32, #tpu.memory_space<vmem>>) dst(%dma_wait3A_29 : memref<128x128xf32, #tpu.memory_space<hbm>>)
        tpu.yield
      }) : () -> ()
      %dma_wait3A_19 = arith.constant 0 : i32
      %dma_wait3A_20 = arith.constant 0 : i32
      %dma_wait3A_21 = tpu.memref_slice %arg2[%dma_wait3A_19, %dma_wait3A_20] : memref<10240x128xf32, #tpu.memory_space<hbm>> -> memref<10240x128xf32, #tpu.memory_space<hbm>>
      tpu.wait_indirect_dma semaphore(%arg12 : memref<!tpu.dma_semaphore, #tpu.memory_space<semaphore_mem>>) src(%dma_wait3A_21 : memref<10240x128xf32, #tpu.memory_space<hbm>>) dst(%arg10 : memref<128x128xf32, #tpu.memory_space<vmem>>)
      "tpu.region"() ({
        %run_scoped3A = tpu.sem_alloc : memref<!tpu.dma_semaphore, #tpu.memory_space<semaphore_mem>>
        %dma_start3A_22 = arith.constant 0 : i32
        %dma_start3A_23 = tpu.memref_slice %arg6[%multiple_of3A, %dma_start3A_22] : memref<163840x128xf32, #tpu.memory_space<hbm>> -> memref<128x128xf32, #tpu.memory_space<hbm>>
        %dma_start3A_24 = arith.constant 0 : i32
        %dma_start3A_25 = tpu.memref_slice %arg6[%multiple_of3A, %dma_start3A_24] : memref<163840x128xf32, #tpu.memory_space<hbm>> -> memref<128x128xf32, #tpu.memory_space<hbm>>
        tpu.enqueue_dma source(%arg10 : memref<128x128xf32, #tpu.memory_space<vmem>>) target(%dma_start3A_25 : memref<128x128xf32, #tpu.memory_space<hbm>>) target_semaphore(%run_scoped3A : memref<!tpu.dma_semaphore, #tpu.memory_space<semaphore_mem>>)
        %dma_wait3A_26 = arith.constant 0 : i32
        %dma_wait3A_27 = tpu.memref_slice %arg6[%multiple_of3A, %dma_wait3A_26] : memref<163840x128xf32, #tpu.memory_space<hbm>> -> memref<128x128xf32, #tpu.memory_space<hbm>>
        %dma_wait3A_28 = arith.constant 0 : i32
        %dma_wait3A_29 = tpu.memref_slice %arg6[%multiple_of3A, %dma_wait3A_28] : memref<163840x128xf32, #tpu.memory_space<hbm>> -> memref<128x128xf32, #tpu.memory_space<hbm>>
        tpu.wait_dma2 semaphore(%run_scoped3A : memref<!tpu.dma_semaphore, #tpu.memory_space<semaphore_mem>>) src(%arg10 : memref<128x128xf32, #tpu.memory_space<vmem>>) dst(%dma_wait3A_29 : memref<128x128xf32, #tpu.memory_space<hbm>>)
        tpu.yield
      }) : () -> ()
    }
    %scan3A_7 = arith.constant 40 : i32
    return
  }
}

#map = affine_map<(d0, d1) -> (0, 0)>
#map1 = affine_map<(d0, d1) -> (0)>
#map2 = affine_map<(d0, d1) -> (0, 0, 0)>
module attributes {stable_mosaic.version = 14 : i64} {
  func.func @k(%arg0: i32, %arg1: i32, %arg2: memref<163840x128xf32, #tpu.memory_space<hbm>>, %arg3: memref<163840xi32, #tpu.memory_space<hbm>>, %arg4: memref<10240x128xf32, #tpu.memory_space<hbm>>, %arg5: memref<2x10240x128xf32, #tpu.memory_space<hbm>>, %arg6: memref<128xi32, #tpu.memory_space<vmem>>, %arg7: memref<128x128xf32, #tpu.memory_space<vmem>>, %arg8: memref<10240x128xf32, #tpu.memory_space<vmem_shared>>) attributes {dimension_semantics = [#tpu.dimension_semantics<core_parallel>, #tpu.dimension_semantics<subcore_parallel>], iteration_bounds = array<i64: 2, 16>, scalar_prefetch = 0 : i64, scratch_operands = 3 : i64, tpu.core_type = #tpu.core_type<sc_vector_subcore>, window_params = [{transform_indices = #map}, {transform_indices = #map1}, {transform_indices = #map}, {transform_indices = #map2}]} {
    %mul3A = arith.constant 2 : i32
    %mul3A_0 = arith.muli %arg1, %mul3A : i32
    %add3A = arith.addi %mul3A_0, %arg0 : i32
    %mul3A_1 = arith.constant 5120 : i32
    %mul3A_2 = arith.muli %add3A, %mul3A_1 : i32
    %mul3A_3 = arith.constant 640 : i32
    %mul3A_4 = arith.muli %arg1, %mul3A_3 : i32
    %multiple_of3A = tpu.assume_multiple %mul3A_4, 128 : i32
    "tpu.region"() ({
      %run_scoped3A = tpu.sem_alloc : memref<!tpu.dma_semaphore, #tpu.memory_space<semaphore_mem>>
      %dma_start3A = arith.constant 0 : i32
      %dma_start3A_11 = tpu.memref_slice %arg8[%multiple_of3A, %dma_start3A] : memref<10240x128xf32, #tpu.memory_space<vmem_shared>> -> memref<640x128xf32, #tpu.memory_space<vmem_shared>>
      %dma_start3A_12 = arith.constant 0 : i32
      %dma_start3A_13 = tpu.memref_slice %arg4[%multiple_of3A, %dma_start3A_12] : memref<10240x128xf32, #tpu.memory_space<hbm>> -> memref<640x128xf32, #tpu.memory_space<hbm>>
      tpu.enqueue_dma source(%dma_start3A_13 : memref<640x128xf32, #tpu.memory_space<hbm>>) target(%dma_start3A_11 : memref<640x128xf32, #tpu.memory_space<vmem_shared>>) target_semaphore(%run_scoped3A : memref<!tpu.dma_semaphore, #tpu.memory_space<semaphore_mem>>)
      %dma_wait3A = arith.constant 0 : i32
      %dma_wait3A_14 = tpu.memref_slice %arg8[%multiple_of3A, %dma_wait3A] : memref<10240x128xf32, #tpu.memory_space<vmem_shared>> -> memref<640x128xf32, #tpu.memory_space<vmem_shared>>
      %dma_wait3A_15 = arith.constant 0 : i32
      %dma_wait3A_16 = tpu.memref_slice %arg4[%multiple_of3A, %dma_wait3A_15] : memref<10240x128xf32, #tpu.memory_space<hbm>> -> memref<640x128xf32, #tpu.memory_space<hbm>>
      tpu.wait_dma2 semaphore(%run_scoped3A : memref<!tpu.dma_semaphore, #tpu.memory_space<semaphore_mem>>) src(%dma_wait3A_16 : memref<640x128xf32, #tpu.memory_space<hbm>>) dst(%dma_wait3A_14 : memref<640x128xf32, #tpu.memory_space<vmem_shared>>)
      tpu.yield
    }) : () -> ()
    %barrier3A = arith.constant 0 : index
    tpu.barrier barrier_id(%barrier3A)
    %scan3A = arith.constant 0 : i32
    %scan3A_5 = arith.constant 0 : i32
    %scan3A_6 = arith.constant 40 : i32
    %scan3A_7 = arith.addi %scan3A_5, %scan3A_6 : i32
    %scan3A_8 = arith.constant 1 : i32
    scf.for %scan3A_11 = %scan3A_5 to %scan3A_7 step %scan3A_8  : i32 {
      %mul3A_12 = arith.constant 128 : i32
      %mul3A_13 = arith.muli %scan3A_11, %mul3A_12 : i32
      %add3A_14 = arith.addi %mul3A_2, %mul3A_13 : i32
      %multiple_of3A_15 = tpu.assume_multiple %add3A_14, 128 : i32
      "tpu.region"() ({
        %run_scoped3A = tpu.sem_alloc : memref<!tpu.dma_semaphore, #tpu.memory_space<semaphore_mem>>
        %dma_start3A = tpu.memref_slice %arg3[%multiple_of3A_15] : memref<163840xi32, #tpu.memory_space<hbm>> -> memref<128xi32, #tpu.memory_space<hbm>>
        %dma_start3A_16 = tpu.memref_slice %arg3[%multiple_of3A_15] : memref<163840xi32, #tpu.memory_space<hbm>> -> memref<128xi32, #tpu.memory_space<hbm>>
        tpu.enqueue_dma source(%dma_start3A_16 : memref<128xi32, #tpu.memory_space<hbm>>) target(%arg6 : memref<128xi32, #tpu.memory_space<vmem>>) target_semaphore(%run_scoped3A : memref<!tpu.dma_semaphore, #tpu.memory_space<semaphore_mem>>)
        %dma_wait3A = tpu.memref_slice %arg3[%multiple_of3A_15] : memref<163840xi32, #tpu.memory_space<hbm>> -> memref<128xi32, #tpu.memory_space<hbm>>
        %dma_wait3A_17 = tpu.memref_slice %arg3[%multiple_of3A_15] : memref<163840xi32, #tpu.memory_space<hbm>> -> memref<128xi32, #tpu.memory_space<hbm>>
        tpu.wait_dma2 semaphore(%run_scoped3A : memref<!tpu.dma_semaphore, #tpu.memory_space<semaphore_mem>>) src(%dma_wait3A_17 : memref<128xi32, #tpu.memory_space<hbm>>) dst(%arg6 : memref<128xi32, #tpu.memory_space<vmem>>)
        tpu.yield
      }) : () -> ()
      "tpu.region"() ({
        %run_scoped3A = tpu.sem_alloc : memref<!tpu.dma_semaphore, #tpu.memory_space<semaphore_mem>>
        %dma_start3A = arith.constant 0 : i32
        %dma_start3A_16 = tpu.memref_slice %arg2[%multiple_of3A_15, %dma_start3A] : memref<163840x128xf32, #tpu.memory_space<hbm>> -> memref<128x128xf32, #tpu.memory_space<hbm>>
        %dma_start3A_17 = arith.constant 0 : i32
        %dma_start3A_18 = tpu.memref_slice %arg2[%multiple_of3A_15, %dma_start3A_17] : memref<163840x128xf32, #tpu.memory_space<hbm>> -> memref<128x128xf32, #tpu.memory_space<hbm>>
        tpu.enqueue_dma source(%dma_start3A_18 : memref<128x128xf32, #tpu.memory_space<hbm>>) target(%arg7 : memref<128x128xf32, #tpu.memory_space<vmem>>) target_semaphore(%run_scoped3A : memref<!tpu.dma_semaphore, #tpu.memory_space<semaphore_mem>>)
        %dma_wait3A = arith.constant 0 : i32
        %dma_wait3A_19 = tpu.memref_slice %arg2[%multiple_of3A_15, %dma_wait3A] : memref<163840x128xf32, #tpu.memory_space<hbm>> -> memref<128x128xf32, #tpu.memory_space<hbm>>
        %dma_wait3A_20 = arith.constant 0 : i32
        %dma_wait3A_21 = tpu.memref_slice %arg2[%multiple_of3A_15, %dma_wait3A_20] : memref<163840x128xf32, #tpu.memory_space<hbm>> -> memref<128x128xf32, #tpu.memory_space<hbm>>
        tpu.wait_dma2 semaphore(%run_scoped3A : memref<!tpu.dma_semaphore, #tpu.memory_space<semaphore_mem>>) src(%dma_wait3A_21 : memref<128x128xf32, #tpu.memory_space<hbm>>) dst(%arg7 : memref<128x128xf32, #tpu.memory_space<vmem>>)
        tpu.yield
      }) : () -> ()
      "tpu.region"() ({
        %run_scoped3A = tpu.sem_alloc : memref<!tpu.dma_semaphore, #tpu.memory_space<semaphore_mem>>
        %dma_start3A = arith.constant 0 : i32
        %dma_start3A_16 = arith.constant 0 : i32
        %dma_start3A_17 = tpu.memref_slice %arg8[%dma_start3A, %dma_start3A_16] : memref<10240x128xf32, #tpu.memory_space<vmem_shared>> -> memref<10240x128xf32, #tpu.memory_space<vmem_shared>>
        tpu.enqueue_indirect_dma source(%arg7 : memref<128x128xf32, #tpu.memory_space<vmem>>) target(%dma_start3A_17 : memref<10240x128xf32, #tpu.memory_space<vmem_shared>>) offsets(%arg6 : memref<128xi32, #tpu.memory_space<vmem>>) semaphore(%run_scoped3A : memref<!tpu.dma_semaphore, #tpu.memory_space<semaphore_mem>>) {add = true}
        %dma_wait3A = arith.constant 0 : i32
        %dma_wait3A_18 = arith.constant 0 : i32
        %dma_wait3A_19 = tpu.memref_slice %arg8[%dma_wait3A, %dma_wait3A_18] : memref<10240x128xf32, #tpu.memory_space<vmem_shared>> -> memref<10240x128xf32, #tpu.memory_space<vmem_shared>>
        tpu.wait_indirect_dma semaphore(%run_scoped3A : memref<!tpu.dma_semaphore, #tpu.memory_space<semaphore_mem>>) src(%arg7 : memref<128x128xf32, #tpu.memory_space<vmem>>) dst(%dma_wait3A_19 : memref<10240x128xf32, #tpu.memory_space<vmem_shared>>)
        tpu.yield
      }) : () -> ()
    }
    %scan3A_9 = arith.constant 40 : i32
    %barrier3A_10 = arith.constant 0 : index
    tpu.barrier barrier_id(%barrier3A_10)
    "tpu.region"() ({
      %run_scoped3A = tpu.sem_alloc : memref<!tpu.dma_semaphore, #tpu.memory_space<semaphore_mem>>
      %dma_start3A = arith.constant 0 : i32
      %dma_start3A_11 = tpu.memref_slice %arg5[%arg0, %multiple_of3A, %dma_start3A] : memref<2x10240x128xf32, #tpu.memory_space<hbm>> -> memref<1x640x128xf32, #tpu.memory_space<hbm>>
      %dma_start3A_12 = tpu.memref_squeeze %dma_start3A_11 : memref<1x640x128xf32, #tpu.memory_space<hbm>> -> memref<640x128xf32, #tpu.memory_space<hbm>>
      %dma_start3A_13 = arith.constant 0 : i32
      %dma_start3A_14 = tpu.memref_slice %arg8[%multiple_of3A, %dma_start3A_13] : memref<10240x128xf32, #tpu.memory_space<vmem_shared>> -> memref<640x128xf32, #tpu.memory_space<vmem_shared>>
      tpu.enqueue_dma source(%dma_start3A_14 : memref<640x128xf32, #tpu.memory_space<vmem_shared>>) target(%dma_start3A_12 : memref<640x128xf32, #tpu.memory_space<hbm>>) target_semaphore(%run_scoped3A : memref<!tpu.dma_semaphore, #tpu.memory_space<semaphore_mem>>)
      %dma_wait3A = arith.constant 0 : i32
      %dma_wait3A_15 = tpu.memref_slice %arg5[%arg0, %multiple_of3A, %dma_wait3A] : memref<2x10240x128xf32, #tpu.memory_space<hbm>> -> memref<1x640x128xf32, #tpu.memory_space<hbm>>
      %dma_wait3A_16 = tpu.memref_squeeze %dma_wait3A_15 : memref<1x640x128xf32, #tpu.memory_space<hbm>> -> memref<640x128xf32, #tpu.memory_space<hbm>>
      %dma_wait3A_17 = arith.constant 0 : i32
      %dma_wait3A_18 = tpu.memref_slice %arg8[%multiple_of3A, %dma_wait3A_17] : memref<10240x128xf32, #tpu.memory_space<vmem_shared>> -> memref<640x128xf32, #tpu.memory_space<vmem_shared>>
      tpu.wait_dma2 semaphore(%run_scoped3A : memref<!tpu.dma_semaphore, #tpu.memory_space<semaphore_mem>>) src(%dma_wait3A_18 : memref<640x128xf32, #tpu.memory_space<vmem_shared>>) dst(%dma_wait3A_16 : memref<640x128xf32, #tpu.memory_space<hbm>>)
      tpu.yield
    }) : () -> ()
    return
  }
}

module attributes {stable_mosaic.version = 14 : i64} {
  func.func @_enc_body(%arg0: i32, %arg1: memref<512x128xf32, #tpu.memory_space<vmem>>, %arg2: memref<128x128xf32, #tpu.memory_space<vmem>>, %arg3: memref<1x128xf32, #tpu.memory_space<vmem>>, %arg4: memref<128x128xf32, #tpu.memory_space<vmem>>, %arg5: memref<1x128xf32, #tpu.memory_space<vmem>>, %arg6: memref<128x128xf32, #tpu.memory_space<vmem>>, %arg7: memref<1x128xf32, #tpu.memory_space<vmem>>, %arg8: memref<1x128xf32, #tpu.memory_space<vmem>>, %arg9: memref<1x128xf32, #tpu.memory_space<vmem>>, %arg10: memref<512x128xf32, #tpu.memory_space<vmem>>) attributes {dimension_semantics = [#tpu.dimension_semantics<arbitrary>], iteration_bounds = array<i64: 20>, scalar_prefetch = 0 : i64, scratch_operands = 0 : i64, tpu.core_type = #tpu.core_type<tc>, window_params = [{transform_indices = @transform_0, window_bounds = array<i64: 512, 128>}, {pipeline_mode = #tpu.pipeline_mode<synchronous>, transform_indices = @transform_1, window_bounds = array<i64: 128, 128>}, {pipeline_mode = #tpu.pipeline_mode<synchronous>, transform_indices = @transform_2, window_bounds = array<i64: 1, 128>}, {pipeline_mode = #tpu.pipeline_mode<synchronous>, transform_indices = @transform_3, window_bounds = array<i64: 128, 128>}, {pipeline_mode = #tpu.pipeline_mode<synchronous>, transform_indices = @transform_4, window_bounds = array<i64: 1, 128>}, {pipeline_mode = #tpu.pipeline_mode<synchronous>, transform_indices = @transform_5, window_bounds = array<i64: 128, 128>}, {pipeline_mode = #tpu.pipeline_mode<synchronous>, transform_indices = @transform_6, window_bounds = array<i64: 1, 128>}, {pipeline_mode = #tpu.pipeline_mode<synchronous>, transform_indices = @transform_7, window_bounds = array<i64: 1, 128>}, {pipeline_mode = #tpu.pipeline_mode<synchronous>, transform_indices = @transform_8, window_bounds = array<i64: 1, 128>}, {transform_indices = @transform_9, window_bounds = array<i64: 512, 128>}]} {
    %get3A = arith.constant 0 : index
    %get3A_0 = arith.constant 0 : index
    %get3A_1 = vector.load %arg1[%get3A, %get3A_0] : memref<512x128xf32, #tpu.memory_space<vmem>>, vector<512x128xf32>
    %get3A_2 = arith.constant 0 : index
    %get3A_3 = arith.constant 0 : index
    %get3A_4 = vector.load %arg2[%get3A_2, %get3A_3] : memref<128x128xf32, #tpu.memory_space<vmem>>, vector<128x128xf32>
    %dot_general3A = arith.constant dense<0.000000e+00> : vector<512x128xf32>
    %dot_general3A_5 = tpu.matmul %get3A_1, %get3A_4, %dot_general3A {dimension_numbers = #tpu.dot_dimension_numbers<[1], [0], [0], [1], [0, 0, 1, 1], [], []>, transpose_lhs_hint = false} : vector<512x128xf32>, vector<128x128xf32>, vector<512x128xf32> -> vector<512x128xf32>
    %get3A_6 = arith.constant 0 : index
    %get3A_7 = arith.constant 0 : index
    %get3A_8 = vector.load %arg3[%get3A_6, %get3A_7] : memref<1x128xf32, #tpu.memory_space<vmem>>, vector<1x128xf32>
    %add3A = vector.broadcast %get3A_8 : vector<1x128xf32> to vector<512x128xf32>
    %add3A_9 = arith.addf %dot_general3A_5, %add3A : vector<512x128xf32>
    %max3A = arith.constant 0.000000e+00 : f32
    %max3A_10 = vector.broadcast %max3A : f32 to vector<512x128xf32>
    %max3A_11 = arith.maximumf %add3A_9, %max3A_10 : vector<512x128xf32>
    %get3A_12 = arith.constant 0 : index
    %get3A_13 = arith.constant 0 : index
    %get3A_14 = vector.load %arg4[%get3A_12, %get3A_13] : memref<128x128xf32, #tpu.memory_space<vmem>>, vector<128x128xf32>
    %dot_general3A_15 = arith.constant dense<0.000000e+00> : vector<512x128xf32>
    %dot_general3A_16 = tpu.matmul %max3A_11, %get3A_14, %dot_general3A_15 {dimension_numbers = #tpu.dot_dimension_numbers<[1], [0], [0], [1], [0, 0, 1, 1], [], []>, transpose_lhs_hint = false} : vector<512x128xf32>, vector<128x128xf32>, vector<512x128xf32> -> vector<512x128xf32>
    %get3A_17 = arith.constant 0 : index
    %get3A_18 = arith.constant 0 : index
    %get3A_19 = vector.load %arg5[%get3A_17, %get3A_18] : memref<1x128xf32, #tpu.memory_space<vmem>>, vector<1x128xf32>
    %add3A_20 = vector.broadcast %get3A_19 : vector<1x128xf32> to vector<512x128xf32>
    %add3A_21 = arith.addf %dot_general3A_16, %add3A_20 : vector<512x128xf32>
    %max3A_22 = arith.constant 0.000000e+00 : f32
    %max3A_23 = vector.broadcast %max3A_22 : f32 to vector<512x128xf32>
    %max3A_24 = arith.maximumf %add3A_21, %max3A_23 : vector<512x128xf32>
    %get3A_25 = arith.constant 0 : index
    %get3A_26 = arith.constant 0 : index
    %get3A_27 = vector.load %arg6[%get3A_25, %get3A_26] : memref<128x128xf32, #tpu.memory_space<vmem>>, vector<128x128xf32>
    %dot_general3A_28 = arith.constant dense<0.000000e+00> : vector<512x128xf32>
    %dot_general3A_29 = tpu.matmul %max3A_24, %get3A_27, %dot_general3A_28 {dimension_numbers = #tpu.dot_dimension_numbers<[1], [0], [0], [1], [0, 0, 1, 1], [], []>, transpose_lhs_hint = false} : vector<512x128xf32>, vector<128x128xf32>, vector<512x128xf32> -> vector<512x128xf32>
    %get3A_30 = arith.constant 0 : index
    %get3A_31 = arith.constant 0 : index
    %get3A_32 = vector.load %arg7[%get3A_30, %get3A_31] : memref<1x128xf32, #tpu.memory_space<vmem>>, vector<1x128xf32>
    %add3A_33 = vector.broadcast %get3A_32 : vector<1x128xf32> to vector<512x128xf32>
    %add3A_34 = arith.addf %dot_general3A_29, %add3A_33 : vector<512x128xf32>
    %reduce_sum3A = arith.constant dense<0.000000e+00> : vector<512xf32>
    %reduce_sum3A_35 = vector.multi_reduction <add>, %add3A_34, %reduce_sum3A [1] : vector<512x128xf32> to vector<512xf32>
    %broadcast_in_dim3A = vector.shape_cast %reduce_sum3A_35 : vector<512xf32> to vector<512x1xf32>
    %div3A = arith.constant 1.280000e+02 : f32
    %div3A_36 = vector.broadcast %div3A : f32 to vector<512x1xf32>
    %div3A_37 = arith.divf %broadcast_in_dim3A, %div3A_36 : vector<512x1xf32>
    %sub3A = vector.broadcast %div3A_37 : vector<512x1xf32> to vector<512x128xf32>
    %sub3A_38 = arith.subf %add3A_34, %sub3A : vector<512x128xf32>
    %square3A = arith.mulf %sub3A_38, %sub3A_38 : vector<512x128xf32>
    %reduce_sum3A_39 = arith.constant dense<0.000000e+00> : vector<512xf32>
    %reduce_sum3A_40 = vector.multi_reduction <add>, %square3A, %reduce_sum3A_39 [1] : vector<512x128xf32> to vector<512xf32>
    %broadcast_in_dim3A_41 = vector.shape_cast %reduce_sum3A_40 : vector<512xf32> to vector<512x1xf32>
    %div3A_42 = arith.constant 1.280000e+02 : f32
    %div3A_43 = vector.broadcast %div3A_42 : f32 to vector<512x1xf32>
    %div3A_44 = arith.divf %broadcast_in_dim3A_41, %div3A_43 : vector<512x1xf32>
    %sub3A_45 = vector.broadcast %div3A_37 : vector<512x1xf32> to vector<512x128xf32>
    %sub3A_46 = arith.subf %add3A_34, %sub3A_45 : vector<512x128xf32>
    %add3A_47 = arith.constant 9.99999974E-6 : f32
    %add3A_48 = vector.broadcast %add3A_47 : f32 to vector<512x1xf32>
    %add3A_49 = arith.addf %div3A_44, %add3A_48 : vector<512x1xf32>
    %rsqrt3A = math.rsqrt %add3A_49 : vector<512x1xf32>
    %mul3A = vector.broadcast %rsqrt3A : vector<512x1xf32> to vector<512x128xf32>
    %mul3A_50 = arith.mulf %sub3A_46, %mul3A : vector<512x128xf32>
    %get3A_51 = arith.constant 0 : index
    %get3A_52 = arith.constant 0 : index
    %get3A_53 = vector.load %arg8[%get3A_51, %get3A_52] : memref<1x128xf32, #tpu.memory_space<vmem>>, vector<1x128xf32>
    %mul3A_54 = vector.broadcast %get3A_53 : vector<1x128xf32> to vector<512x128xf32>
    %mul3A_55 = arith.mulf %mul3A_50, %mul3A_54 : vector<512x128xf32>
    %get3A_56 = arith.constant 0 : index
    %get3A_57 = arith.constant 0 : index
    %get3A_58 = vector.load %arg9[%get3A_56, %get3A_57] : memref<1x128xf32, #tpu.memory_space<vmem>>, vector<1x128xf32>
    %add3A_59 = vector.broadcast %get3A_58 : vector<1x128xf32> to vector<512x128xf32>
    %add3A_60 = arith.addf %mul3A_55, %add3A_59 : vector<512x128xf32>
    %swap3A = arith.constant 0 : index
    %swap3A_61 = arith.constant 0 : index
    %swap3A_62 = vector.load %arg10[%swap3A, %swap3A_61] : memref<512x128xf32, #tpu.memory_space<vmem>>, vector<512x128xf32>
    tpu.vector_store %arg10[%swap3A, %swap3A_61], %add3A_60 {strides = array<i32>} : memref<512x128xf32, #tpu.memory_space<vmem>>, vector<512x128xf32>,
    return
  }
  func.func @transform_0(%arg0: i32) -> (i32, i32) {
    %c0_i32 = arith.constant 0 : i32
    %c0_i32_0 = arith.constant 0 : i32
    return %arg0, %c0_i32 : i32, i32
  }
  func.func @transform_1(%arg0: i32) -> (i32, i32) {
    %c0_i32 = arith.constant 0 : i32
    %c0_i32_0 = arith.constant 0 : i32
    %c0_i32_1 = arith.constant 0 : i32
    return %c0_i32, %c0_i32_0 : i32, i32
  }
  func.func @transform_2(%arg0: i32) -> (i32, i32) {
    %c0_i32 = arith.constant 0 : i32
    %c0_i32_0 = arith.constant 0 : i32
    %c0_i32_1 = arith.constant 0 : i32
    return %c0_i32, %c0_i32_0 : i32, i32
  }
  func.func @transform_3(%arg0: i32) -> (i32, i32) {
    %c0_i32 = arith.constant 0 : i32
    %c0_i32_0 = arith.constant 0 : i32
    %c0_i32_1 = arith.constant 0 : i32
    return %c0_i32, %c0_i32_0 : i32, i32
  }
  func.func @transform_4(%arg0: i32) -> (i32, i32) {
    %c0_i32 = arith.constant 0 : i32
    %c0_i32_0 = arith.constant 0 : i32
    %c0_i32_1 = arith.constant 0 : i32
    return %c0_i32, %c0_i32_0 : i32, i32
  }
  func.func @transform_5(%arg0: i32) -> (i32, i32) {
    %c0_i32 = arith.constant 0 : i32
    %c0_i32_0 = arith.constant 0 : i32
    %c0_i32_1 = arith.constant 0 : i32
    return %c0_i32, %c0_i32_0 : i32, i32
  }
  func.func @transform_6(%arg0: i32) -> (i32, i32) {
    %c0_i32 = arith.constant 0 : i32
    %c0_i32_0 = arith.constant 0 : i32
    %c0_i32_1 = arith.constant 0 : i32
    return %c0_i32, %c0_i32_0 : i32, i32
  }
  func.func @transform_7(%arg0: i32) -> (i32, i32) {
    %c0_i32 = arith.constant 0 : i32
    %c0_i32_0 = arith.constant 0 : i32
    %c0_i32_1 = arith.constant 0 : i32
    return %c0_i32, %c0_i32_0 : i32, i32
  }
  func.func @transform_8(%arg0: i32) -> (i32, i32) {
    %c0_i32 = arith.constant 0 : i32
    %c0_i32_0 = arith.constant 0 : i32
    %c0_i32_1 = arith.constant 0 : i32
    return %c0_i32, %c0_i32_0 : i32, i32
  }
  func.func @transform_9(%arg0: i32) -> (i32, i32) {
    %c0_i32 = arith.constant 0 : i32
    %c0_i32_0 = arith.constant 0 : i32
    return %arg0, %c0_i32 : i32, i32
  }
}

module attributes {stable_mosaic.version = 14 : i64} {
  func.func @_enc_body(%arg0: i32, %arg1: memref<512x16xf32, #tpu.memory_space<vmem>>, %arg2: memref<16x128xf32, #tpu.memory_space<vmem>>, %arg3: memref<1x128xf32, #tpu.memory_space<vmem>>, %arg4: memref<128x128xf32, #tpu.memory_space<vmem>>, %arg5: memref<1x128xf32, #tpu.memory_space<vmem>>, %arg6: memref<128x128xf32, #tpu.memory_space<vmem>>, %arg7: memref<1x128xf32, #tpu.memory_space<vmem>>, %arg8: memref<1x128xf32, #tpu.memory_space<vmem>>, %arg9: memref<1x128xf32, #tpu.memory_space<vmem>>, %arg10: memref<512x128xf32, #tpu.memory_space<vmem>>) attributes {dimension_semantics = [#tpu.dimension_semantics<arbitrary>], iteration_bounds = array<i64: 320>, scalar_prefetch = 0 : i64, scratch_operands = 0 : i64, tpu.core_type = #tpu.core_type<tc>, window_params = [{transform_indices = @transform_0, window_bounds = array<i64: 512, 16>}, {pipeline_mode = #tpu.pipeline_mode<synchronous>, transform_indices = @transform_1, window_bounds = array<i64: 16, 128>}, {pipeline_mode = #tpu.pipeline_mode<synchronous>, transform_indices = @transform_2, window_bounds = array<i64: 1, 128>}, {pipeline_mode = #tpu.pipeline_mode<synchronous>, transform_indices = @transform_3, window_bounds = array<i64: 128, 128>}, {pipeline_mode = #tpu.pipeline_mode<synchronous>, transform_indices = @transform_4, window_bounds = array<i64: 1, 128>}, {pipeline_mode = #tpu.pipeline_mode<synchronous>, transform_indices = @transform_5, window_bounds = array<i64: 128, 128>}, {pipeline_mode = #tpu.pipeline_mode<synchronous>, transform_indices = @transform_6, window_bounds = array<i64: 1, 128>}, {pipeline_mode = #tpu.pipeline_mode<synchronous>, transform_indices = @transform_7, window_bounds = array<i64: 1, 128>}, {pipeline_mode = #tpu.pipeline_mode<synchronous>, transform_indices = @transform_8, window_bounds = array<i64: 1, 128>}, {transform_indices = @transform_9, window_bounds = array<i64: 512, 128>}]} {
    %get3A = arith.constant 0 : index
    %get3A_0 = arith.constant 0 : index
    %get3A_1 = vector.load %arg1[%get3A, %get3A_0] : memref<512x16xf32, #tpu.memory_space<vmem>>, vector<512x16xf32>
    %get3A_2 = arith.constant 0 : index
    %get3A_3 = arith.constant 0 : index
    %get3A_4 = vector.load %arg2[%get3A_2, %get3A_3] : memref<16x128xf32, #tpu.memory_space<vmem>>, vector<16x128xf32>
    %dot_general3A = arith.constant dense<0.000000e+00> : vector<512x128xf32>
    %dot_general3A_5 = tpu.matmul %get3A_1, %get3A_4, %dot_general3A {dimension_numbers = #tpu.dot_dimension_numbers<[1], [0], [0], [1], [0, 0, 1, 1], [], []>, transpose_lhs_hint = false} : vector<512x16xf32>, vector<16x128xf32>, vector<512x128xf32> -> vector<512x128xf32>
    %get3A_6 = arith.constant 0 : index
    %get3A_7 = arith.constant 0 : index
    %get3A_8 = vector.load %arg3[%get3A_6, %get3A_7] : memref<1x128xf32, #tpu.memory_space<vmem>>, vector<1x128xf32>
    %add3A = vector.broadcast %get3A_8 : vector<1x128xf32> to vector<512x128xf32>
    %add3A_9 = arith.addf %dot_general3A_5, %add3A : vector<512x128xf32>
    %max3A = arith.constant 0.000000e+00 : f32
    %max3A_10 = vector.broadcast %max3A : f32 to vector<512x128xf32>
    %max3A_11 = arith.maximumf %add3A_9, %max3A_10 : vector<512x128xf32>
    %get3A_12 = arith.constant 0 : index
    %get3A_13 = arith.constant 0 : index
    %get3A_14 = vector.load %arg4[%get3A_12, %get3A_13] : memref<128x128xf32, #tpu.memory_space<vmem>>, vector<128x128xf32>
    %dot_general3A_15 = arith.constant dense<0.000000e+00> : vector<512x128xf32>
    %dot_general3A_16 = tpu.matmul %max3A_11, %get3A_14, %dot_general3A_15 {dimension_numbers = #tpu.dot_dimension_numbers<[1], [0], [0], [1], [0, 0, 1, 1], [], []>, transpose_lhs_hint = false} : vector<512x128xf32>, vector<128x128xf32>, vector<512x128xf32> -> vector<512x128xf32>
    %get3A_17 = arith.constant 0 : index
    %get3A_18 = arith.constant 0 : index
    %get3A_19 = vector.load %arg5[%get3A_17, %get3A_18] : memref<1x128xf32, #tpu.memory_space<vmem>>, vector<1x128xf32>
    %add3A_20 = vector.broadcast %get3A_19 : vector<1x128xf32> to vector<512x128xf32>
    %add3A_21 = arith.addf %dot_general3A_16, %add3A_20 : vector<512x128xf32>
    %max3A_22 = arith.constant 0.000000e+00 : f32
    %max3A_23 = vector.broadcast %max3A_22 : f32 to vector<512x128xf32>
    %max3A_24 = arith.maximumf %add3A_21, %max3A_23 : vector<512x128xf32>
    %get3A_25 = arith.constant 0 : index
    %get3A_26 = arith.constant 0 : index
    %get3A_27 = vector.load %arg6[%get3A_25, %get3A_26] : memref<128x128xf32, #tpu.memory_space<vmem>>, vector<128x128xf32>
    %dot_general3A_28 = arith.constant dense<0.000000e+00> : vector<512x128xf32>
    %dot_general3A_29 = tpu.matmul %max3A_24, %get3A_27, %dot_general3A_28 {dimension_numbers = #tpu.dot_dimension_numbers<[1], [0], [0], [1], [0, 0, 1, 1], [], []>, transpose_lhs_hint = false} : vector<512x128xf32>, vector<128x128xf32>, vector<512x128xf32> -> vector<512x128xf32>
    %get3A_30 = arith.constant 0 : index
    %get3A_31 = arith.constant 0 : index
    %get3A_32 = vector.load %arg7[%get3A_30, %get3A_31] : memref<1x128xf32, #tpu.memory_space<vmem>>, vector<1x128xf32>
    %add3A_33 = vector.broadcast %get3A_32 : vector<1x128xf32> to vector<512x128xf32>
    %add3A_34 = arith.addf %dot_general3A_29, %add3A_33 : vector<512x128xf32>
    %reduce_sum3A = arith.constant dense<0.000000e+00> : vector<512xf32>
    %reduce_sum3A_35 = vector.multi_reduction <add>, %add3A_34, %reduce_sum3A [1] : vector<512x128xf32> to vector<512xf32>
    %broadcast_in_dim3A = vector.shape_cast %reduce_sum3A_35 : vector<512xf32> to vector<512x1xf32>
    %div3A = arith.constant 1.280000e+02 : f32
    %div3A_36 = vector.broadcast %div3A : f32 to vector<512x1xf32>
    %div3A_37 = arith.divf %broadcast_in_dim3A, %div3A_36 : vector<512x1xf32>
    %sub3A = vector.broadcast %div3A_37 : vector<512x1xf32> to vector<512x128xf32>
    %sub3A_38 = arith.subf %add3A_34, %sub3A : vector<512x128xf32>
    %square3A = arith.mulf %sub3A_38, %sub3A_38 : vector<512x128xf32>
    %reduce_sum3A_39 = arith.constant dense<0.000000e+00> : vector<512xf32>
    %reduce_sum3A_40 = vector.multi_reduction <add>, %square3A, %reduce_sum3A_39 [1] : vector<512x128xf32> to vector<512xf32>
    %broadcast_in_dim3A_41 = vector.shape_cast %reduce_sum3A_40 : vector<512xf32> to vector<512x1xf32>
    %div3A_42 = arith.constant 1.280000e+02 : f32
    %div3A_43 = vector.broadcast %div3A_42 : f32 to vector<512x1xf32>
    %div3A_44 = arith.divf %broadcast_in_dim3A_41, %div3A_43 : vector<512x1xf32>
    %sub3A_45 = vector.broadcast %div3A_37 : vector<512x1xf32> to vector<512x128xf32>
    %sub3A_46 = arith.subf %add3A_34, %sub3A_45 : vector<512x128xf32>
    %add3A_47 = arith.constant 9.99999974E-6 : f32
    %add3A_48 = vector.broadcast %add3A_47 : f32 to vector<512x1xf32>
    %add3A_49 = arith.addf %div3A_44, %add3A_48 : vector<512x1xf32>
    %rsqrt3A = math.rsqrt %add3A_49 : vector<512x1xf32>
    %mul3A = vector.broadcast %rsqrt3A : vector<512x1xf32> to vector<512x128xf32>
    %mul3A_50 = arith.mulf %sub3A_46, %mul3A : vector<512x128xf32>
    %get3A_51 = arith.constant 0 : index
    %get3A_52 = arith.constant 0 : index
    %get3A_53 = vector.load %arg8[%get3A_51, %get3A_52] : memref<1x128xf32, #tpu.memory_space<vmem>>, vector<1x128xf32>
    %mul3A_54 = vector.broadcast %get3A_53 : vector<1x128xf32> to vector<512x128xf32>
    %mul3A_55 = arith.mulf %mul3A_50, %mul3A_54 : vector<512x128xf32>
    %get3A_56 = arith.constant 0 : index
    %get3A_57 = arith.constant 0 : index
    %get3A_58 = vector.load %arg9[%get3A_56, %get3A_57] : memref<1x128xf32, #tpu.memory_space<vmem>>, vector<1x128xf32>
    %add3A_59 = vector.broadcast %get3A_58 : vector<1x128xf32> to vector<512x128xf32>
    %add3A_60 = arith.addf %mul3A_55, %add3A_59 : vector<512x128xf32>
    %swap3A = arith.constant 0 : index
    %swap3A_61 = arith.constant 0 : index
    %swap3A_62 = vector.load %arg10[%swap3A, %swap3A_61] : memref<512x128xf32, #tpu.memory_space<vmem>>, vector<512x128xf32>
    tpu.vector_store %arg10[%swap3A, %swap3A_61], %add3A_60 {strides = array<i32>} : memref<512x128xf32, #tpu.memory_space<vmem>>, vector<512x128xf32>,
    return
  }
  func.func @transform_0(%arg0: i32) -> (i32, i32) {
    %c0_i32 = arith.constant 0 : i32
    %c0_i32_0 = arith.constant 0 : i32
    return %arg0, %c0_i32 : i32, i32
  }
  func.func @transform_1(%arg0: i32) -> (i32, i32) {
    %c0_i32 = arith.constant 0 : i32
    %c0_i32_0 = arith.constant 0 : i32
    %c0_i32_1 = arith.constant 0 : i32
    return %c0_i32, %c0_i32_0 : i32, i32
  }
  func.func @transform_2(%arg0: i32) -> (i32, i32) {
    %c0_i32 = arith.constant 0 : i32
    %c0_i32_0 = arith.constant 0 : i32
    %c0_i32_1 = arith.constant 0 : i32
    return %c0_i32, %c0_i32_0 : i32, i32
  }
  func.func @transform_3(%arg0: i32) -> (i32, i32) {
    %c0_i32 = arith.constant 0 : i32
    %c0_i32_0 = arith.constant 0 : i32
    %c0_i32_1 = arith.constant 0 : i32
    return %c0_i32, %c0_i32_0 : i32, i32
  }
  func.func @transform_4(%arg0: i32) -> (i32, i32) {
    %c0_i32 = arith.constant 0 : i32
    %c0_i32_0 = arith.constant 0 : i32
    %c0_i32_1 = arith.constant 0 : i32
    return %c0_i32, %c0_i32_0 : i32, i32
  }
  func.func @transform_5(%arg0: i32) -> (i32, i32) {
    %c0_i32 = arith.constant 0 : i32
    %c0_i32_0 = arith.constant 0 : i32
    %c0_i32_1 = arith.constant 0 : i32
    return %c0_i32, %c0_i32_0 : i32, i32
  }
  func.func @transform_6(%arg0: i32) -> (i32, i32) {
    %c0_i32 = arith.constant 0 : i32
    %c0_i32_0 = arith.constant 0 : i32
    %c0_i32_1 = arith.constant 0 : i32
    return %c0_i32, %c0_i32_0 : i32, i32
  }
  func.func @transform_7(%arg0: i32) -> (i32, i32) {
    %c0_i32 = arith.constant 0 : i32
    %c0_i32_0 = arith.constant 0 : i32
    %c0_i32_1 = arith.constant 0 : i32
    return %c0_i32, %c0_i32_0 : i32, i32
  }
  func.func @transform_8(%arg0: i32) -> (i32, i32) {
    %c0_i32 = arith.constant 0 : i32
    %c0_i32_0 = arith.constant 0 : i32
    %c0_i32_1 = arith.constant 0 : i32
    return %c0_i32, %c0_i32_0 : i32, i32
  }
  func.func @transform_9(%arg0: i32) -> (i32, i32) {
    %c0_i32 = arith.constant 0 : i32
    %c0_i32_0 = arith.constant 0 : i32
    return %arg0, %c0_i32 : i32, i32
  }
}

module attributes {stable_mosaic.version = 14 : i64} {
  func.func @_edge_body(%arg0: i32, %arg1: memref<512x128xf32, #tpu.memory_space<vmem>>, %arg2: memref<512x128xf32, #tpu.memory_space<vmem>>, %arg3: memref<512x128xf32, #tpu.memory_space<vmem>>, %arg4: memref<128x128xf32, #tpu.memory_space<vmem>>, %arg5: memref<128x128xf32, #tpu.memory_space<vmem>>, %arg6: memref<128x128xf32, #tpu.memory_space<vmem>>, %arg7: memref<1x128xf32, #tpu.memory_space<vmem>>, %arg8: memref<128x128xf32, #tpu.memory_space<vmem>>, %arg9: memref<1x128xf32, #tpu.memory_space<vmem>>, %arg10: memref<128x128xf32, #tpu.memory_space<vmem>>, %arg11: memref<1x128xf32, #tpu.memory_space<vmem>>, %arg12: memref<1x128xf32, #tpu.memory_space<vmem>>, %arg13: memref<1x128xf32, #tpu.memory_space<vmem>>, %arg14: memref<512x128xf32, #tpu.memory_space<vmem>>, %arg15: memref<512x128xf32, #tpu.memory_space<vmem>>) attributes {dimension_semantics = [#tpu.dimension_semantics<arbitrary>], iteration_bounds = array<i64: 320>, scalar_prefetch = 0 : i64, scratch_operands = 0 : i64, tpu.core_type = #tpu.core_type<tc>, window_params = [{transform_indices = @transform_0, window_bounds = array<i64: 512, 128>}, {transform_indices = @transform_1, window_bounds = array<i64: 512, 128>}, {transform_indices = @transform_2, window_bounds = array<i64: 512, 128>}, {pipeline_mode = #tpu.pipeline_mode<synchronous>, transform_indices = @transform_3, window_bounds = array<i64: 128, 128>}, {pipeline_mode = #tpu.pipeline_mode<synchronous>, transform_indices = @transform_4, window_bounds = array<i64: 128, 128>}, {pipeline_mode = #tpu.pipeline_mode<synchronous>, transform_indices = @transform_5, window_bounds = array<i64: 128, 128>}, {pipeline_mode = #tpu.pipeline_mode<synchronous>, transform_indices = @transform_6, window_bounds = array<i64: 1, 128>}, {pipeline_mode = #tpu.pipeline_mode<synchronous>, transform_indices = @transform_7, window_bounds = array<i64: 128, 128>}, {pipeline_mode = #tpu.pipeline_mode<synchronous>, transform_indices = @transform_8, window_bounds = array<i64: 1, 128>}, {pipeline_mode = #tpu.pipeline_mode<synchronous>, transform_indices = @transform_9, window_bounds = array<i64: 128, 128>}, {pipeline_mode = #tpu.pipeline_mode<synchronous>, transform_indices = @transform_10, window_bounds = array<i64: 1, 128>}, {pipeline_mode = #tpu.pipeline_mode<synchronous>, transform_indices = @transform_11, window_bounds = array<i64: 1, 128>}, {pipeline_mode = #tpu.pipeline_mode<synchronous>, transform_indices = @transform_12, window_bounds = array<i64: 1, 128>}, {transform_indices = @transform_13, window_bounds = array<i64: 512, 128>}, {transform_indices = @transform_14, window_bounds = array<i64: 512, 128>}]} {
    %get3A = arith.constant 0 : index
    %get3A_0 = arith.constant 0 : index
    %get3A_1 = vector.load %arg1[%get3A, %get3A_0] : memref<512x128xf32, #tpu.memory_space<vmem>>, vector<512x128xf32>
    %get3A_2 = arith.constant 0 : index
    %get3A_3 = arith.constant 0 : index
    %get3A_4 = vector.load %arg4[%get3A_2, %get3A_3] : memref<128x128xf32, #tpu.memory_space<vmem>>, vector<128x128xf32>
    %dot_general3A = arith.constant dense<0.000000e+00> : vector<512x128xf32>
    %dot_general3A_5 = tpu.matmul %get3A_1, %get3A_4, %dot_general3A {dimension_numbers = #tpu.dot_dimension_numbers<[1], [0], [0], [1], [0, 0, 1, 1], [], []>, transpose_lhs_hint = false} : vector<512x128xf32>, vector<128x128xf32>, vector<512x128xf32> -> vector<512x128xf32>
    %get3A_6 = arith.constant 0 : index
    %get3A_7 = arith.constant 0 : index
    %get3A_8 = vector.load %arg2[%get3A_6, %get3A_7] : memref<512x128xf32, #tpu.memory_space<vmem>>, vector<512x128xf32>
    %get3A_9 = arith.constant 0 : index
    %get3A_10 = arith.constant 0 : index
    %get3A_11 = vector.load %arg5[%get3A_9, %get3A_10] : memref<128x128xf32, #tpu.memory_space<vmem>>, vector<128x128xf32>
    %dot_general3A_12 = arith.constant dense<0.000000e+00> : vector<512x128xf32>
    %dot_general3A_13 = tpu.matmul %get3A_8, %get3A_11, %dot_general3A_12 {dimension_numbers = #tpu.dot_dimension_numbers<[1], [0], [0], [1], [0, 0, 1, 1], [], []>, transpose_lhs_hint = false} : vector<512x128xf32>, vector<128x128xf32>, vector<512x128xf32> -> vector<512x128xf32>
    %add3A = arith.addf %dot_general3A_5, %dot_general3A_13 : vector<512x128xf32>
    %get3A_14 = arith.constant 0 : index
    %get3A_15 = arith.constant 0 : index
    %get3A_16 = vector.load %arg3[%get3A_14, %get3A_15] : memref<512x128xf32, #tpu.memory_space<vmem>>, vector<512x128xf32>
    %get3A_17 = arith.constant 0 : index
    %get3A_18 = arith.constant 0 : index
    %get3A_19 = vector.load %arg6[%get3A_17, %get3A_18] : memref<128x128xf32, #tpu.memory_space<vmem>>, vector<128x128xf32>
    %dot_general3A_20 = arith.constant dense<0.000000e+00> : vector<512x128xf32>
    %dot_general3A_21 = tpu.matmul %get3A_16, %get3A_19, %dot_general3A_20 {dimension_numbers = #tpu.dot_dimension_numbers<[1], [0], [0], [1], [0, 0, 1, 1], [], []>, transpose_lhs_hint = false} : vector<512x128xf32>, vector<128x128xf32>, vector<512x128xf32> -> vector<512x128xf32>
    %add3A_22 = arith.addf %add3A, %dot_general3A_21 : vector<512x128xf32>
    %get3A_23 = arith.constant 0 : index
    %get3A_24 = arith.constant 0 : index
    %get3A_25 = vector.load %arg7[%get3A_23, %get3A_24] : memref<1x128xf32, #tpu.memory_space<vmem>>, vector<1x128xf32>
    %add3A_26 = vector.broadcast %get3A_25 : vector<1x128xf32> to vector<512x128xf32>
    %add3A_27 = arith.addf %add3A_22, %add3A_26 : vector<512x128xf32>
    %max3A = arith.constant 0.000000e+00 : f32
    %max3A_28 = vector.broadcast %max3A : f32 to vector<512x128xf32>
    %max3A_29 = arith.maximumf %add3A_27, %max3A_28 : vector<512x128xf32>
    %get3A_30 = arith.constant 0 : index
    %get3A_31 = arith.constant 0 : index
    %get3A_32 = vector.load %arg8[%get3A_30, %get3A_31] : memref<128x128xf32, #tpu.memory_space<vmem>>, vector<128x128xf32>
    %dot_general3A_33 = arith.constant dense<0.000000e+00> : vector<512x128xf32>
    %dot_general3A_34 = tpu.matmul %max3A_29, %get3A_32, %dot_general3A_33 {dimension_numbers = #tpu.dot_dimension_numbers<[1], [0], [0], [1], [0, 0, 1, 1], [], []>, transpose_lhs_hint = false} : vector<512x128xf32>, vector<128x128xf32>, vector<512x128xf32> -> vector<512x128xf32>
    %get3A_35 = arith.constant 0 : index
    %get3A_36 = arith.constant 0 : index
    %get3A_37 = vector.load %arg9[%get3A_35, %get3A_36] : memref<1x128xf32, #tpu.memory_space<vmem>>, vector<1x128xf32>
    %add3A_38 = vector.broadcast %get3A_37 : vector<1x128xf32> to vector<512x128xf32>
    %add3A_39 = arith.addf %dot_general3A_34, %add3A_38 : vector<512x128xf32>
    %max3A_40 = arith.constant 0.000000e+00 : f32
    %max3A_41 = vector.broadcast %max3A_40 : f32 to vector<512x128xf32>
    %max3A_42 = arith.maximumf %add3A_39, %max3A_41 : vector<512x128xf32>
    %get3A_43 = arith.constant 0 : index
    %get3A_44 = arith.constant 0 : index
    %get3A_45 = vector.load %arg10[%get3A_43, %get3A_44] : memref<128x128xf32, #tpu.memory_space<vmem>>, vector<128x128xf32>
    %dot_general3A_46 = arith.constant dense<0.000000e+00> : vector<512x128xf32>
    %dot_general3A_47 = tpu.matmul %max3A_42, %get3A_45, %dot_general3A_46 {dimension_numbers = #tpu.dot_dimension_numbers<[1], [0], [0], [1], [0, 0, 1, 1], [], []>, transpose_lhs_hint = false} : vector<512x128xf32>, vector<128x128xf32>, vector<512x128xf32> -> vector<512x128xf32>
    %get3A_48 = arith.constant 0 : index
    %get3A_49 = arith.constant 0 : index
    %get3A_50 = vector.load %arg11[%get3A_48, %get3A_49] : memref<1x128xf32, #tpu.memory_space<vmem>>, vector<1x128xf32>
    %add3A_51 = vector.broadcast %get3A_50 : vector<1x128xf32> to vector<512x128xf32>
    %add3A_52 = arith.addf %dot_general3A_47, %add3A_51 : vector<512x128xf32>
    %reduce_sum3A = arith.constant dense<0.000000e+00> : vector<512xf32>
    %reduce_sum3A_53 = vector.multi_reduction <add>, %add3A_52, %reduce_sum3A [1] : vector<512x128xf32> to vector<512xf32>
    %broadcast_in_dim3A = vector.shape_cast %reduce_sum3A_53 : vector<512xf32> to vector<512x1xf32>
    %div3A = arith.constant 1.280000e+02 : f32
    %div3A_54 = vector.broadcast %div3A : f32 to vector<512x1xf32>
    %div3A_55 = arith.divf %broadcast_in_dim3A, %div3A_54 : vector<512x1xf32>
    %sub3A = vector.broadcast %div3A_55 : vector<512x1xf32> to vector<512x128xf32>
    %sub3A_56 = arith.subf %add3A_52, %sub3A : vector<512x128xf32>
    %square3A = arith.mulf %sub3A_56, %sub3A_56 : vector<512x128xf32>
    %reduce_sum3A_57 = arith.constant dense<0.000000e+00> : vector<512xf32>
    %reduce_sum3A_58 = vector.multi_reduction <add>, %square3A, %reduce_sum3A_57 [1] : vector<512x128xf32> to vector<512xf32>
    %broadcast_in_dim3A_59 = vector.shape_cast %reduce_sum3A_58 : vector<512xf32> to vector<512x1xf32>
    %div3A_60 = arith.constant 1.280000e+02 : f32
    %div3A_61 = vector.broadcast %div3A_60 : f32 to vector<512x1xf32>
    %div3A_62 = arith.divf %broadcast_in_dim3A_59, %div3A_61 : vector<512x1xf32>
    %sub3A_63 = vector.broadcast %div3A_55 : vector<512x1xf32> to vector<512x128xf32>
    %sub3A_64 = arith.subf %add3A_52, %sub3A_63 : vector<512x128xf32>
    %add3A_65 = arith.constant 9.99999974E-6 : f32
    %add3A_66 = vector.broadcast %add3A_65 : f32 to vector<512x1xf32>
    %add3A_67 = arith.addf %div3A_62, %add3A_66 : vector<512x1xf32>
    %rsqrt3A = math.rsqrt %add3A_67 : vector<512x1xf32>
    %mul3A = vector.broadcast %rsqrt3A : vector<512x1xf32> to vector<512x128xf32>
    %mul3A_68 = arith.mulf %sub3A_64, %mul3A : vector<512x128xf32>
    %get3A_69 = arith.constant 0 : index
    %get3A_70 = arith.constant 0 : index
    %get3A_71 = vector.load %arg12[%get3A_69, %get3A_70] : memref<1x128xf32, #tpu.memory_space<vmem>>, vector<1x128xf32>
    %mul3A_72 = vector.broadcast %get3A_71 : vector<1x128xf32> to vector<512x128xf32>
    %mul3A_73 = arith.mulf %mul3A_68, %mul3A_72 : vector<512x128xf32>
    %get3A_74 = arith.constant 0 : index
    %get3A_75 = arith.constant 0 : index
    %get3A_76 = vector.load %arg13[%get3A_74, %get3A_75] : memref<1x128xf32, #tpu.memory_space<vmem>>, vector<1x128xf32>
    %add3A_77 = vector.broadcast %get3A_76 : vector<1x128xf32> to vector<512x128xf32>
    %add3A_78 = arith.addf %mul3A_73, %add3A_77 : vector<512x128xf32>
    %swap3A = arith.constant 0 : index
    %swap3A_79 = arith.constant 0 : index
    %swap3A_80 = vector.load %arg14[%swap3A, %swap3A_79] : memref<512x128xf32, #tpu.memory_space<vmem>>, vector<512x128xf32>
    tpu.vector_store %arg14[%swap3A, %swap3A_79], %add3A_78 {strides = array<i32>} : memref<512x128xf32, #tpu.memory_space<vmem>>, vector<512x128xf32>,
    %get3A_81 = arith.constant 0 : index
    %get3A_82 = arith.constant 0 : index
    %get3A_83 = vector.load %arg3[%get3A_81, %get3A_82] : memref<512x128xf32, #tpu.memory_space<vmem>>, vector<512x128xf32>
    %add3A_84 = arith.addf %get3A_83, %add3A_78 : vector<512x128xf32>
    %swap3A_85 = arith.constant 0 : index
    %swap3A_86 = arith.constant 0 : index
    %swap3A_87 = vector.load %arg15[%swap3A_85, %swap3A_86] : memref<512x128xf32, #tpu.memory_space<vmem>>, vector<512x128xf32>
    tpu.vector_store %arg15[%swap3A_85, %swap3A_86], %add3A_84 {strides = array<i32>} : memref<512x128xf32, #tpu.memory_space<vmem>>, vector<512x128xf32>,
    return
  }
  func.func @transform_0(%arg0: i32) -> (i32, i32) {
    %c0_i32 = arith.constant 0 : i32
    %c0_i32_0 = arith.constant 0 : i32
    return %arg0, %c0_i32 : i32, i32
  }
  func.func @transform_1(%arg0: i32) -> (i32, i32) {
    %c0_i32 = arith.constant 0 : i32
    %c0_i32_0 = arith.constant 0 : i32
    return %arg0, %c0_i32 : i32, i32
  }
  func.func @transform_2(%arg0: i32) -> (i32, i32) {
    %c0_i32 = arith.constant 0 : i32
    %c0_i32_0 = arith.constant 0 : i32
    return %arg0, %c0_i32 : i32, i32
  }
  func.func @transform_3(%arg0: i32) -> (i32, i32) {
    %c0_i32 = arith.constant 0 : i32
    %c0_i32_0 = arith.constant 0 : i32
    %c0_i32_1 = arith.constant 0 : i32
    return %c0_i32, %c0_i32_0 : i32, i32
  }
  func.func @transform_4(%arg0: i32) -> (i32, i32) {
    %c0_i32 = arith.constant 0 : i32
    %c0_i32_0 = arith.constant 0 : i32
    %c0_i32_1 = arith.constant 0 : i32
    return %c0_i32, %c0_i32_0 : i32, i32
  }
  func.func @transform_5(%arg0: i32) -> (i32, i32) {
    %c0_i32 = arith.constant 0 : i32
    %c0_i32_0 = arith.constant 0 : i32
    %c0_i32_1 = arith.constant 0 : i32
    return %c0_i32, %c0_i32_0 : i32, i32
  }
  func.func @transform_6(%arg0: i32) -> (i32, i32) {
    %c0_i32 = arith.constant 0 : i32
    %c0_i32_0 = arith.constant 0 : i32
    %c0_i32_1 = arith.constant 0 : i32
    return %c0_i32, %c0_i32_0 : i32, i32
  }
  func.func @transform_7(%arg0: i32) -> (i32, i32) {
    %c0_i32 = arith.constant 0 : i32
    %c0_i32_0 = arith.constant 0 : i32
    %c0_i32_1 = arith.constant 0 : i32
    return %c0_i32, %c0_i32_0 : i32, i32
  }
  func.func @transform_8(%arg0: i32) -> (i32, i32) {
    %c0_i32 = arith.constant 0 : i32
    %c0_i32_0 = arith.constant 0 : i32
    %c0_i32_1 = arith.constant 0 : i32
    return %c0_i32, %c0_i32_0 : i32, i32
  }
  func.func @transform_9(%arg0: i32) -> (i32, i32) {
    %c0_i32 = arith.constant 0 : i32
    %c0_i32_0 = arith.constant 0 : i32
    %c0_i32_1 = arith.constant 0 : i32
    return %c0_i32, %c0_i32_0 : i32, i32
  }
  func.func @transform_10(%arg0: i32) -> (i32, i32) {
    %c0_i32 = arith.constant 0 : i32
    %c0_i32_0 = arith.constant 0 : i32
    %c0_i32_1 = arith.constant 0 : i32
    return %c0_i32, %c0_i32_0 : i32, i32
  }
  func.func @transform_11(%arg0: i32) -> (i32, i32) {
    %c0_i32 = arith.constant 0 : i32
    %c0_i32_0 = arith.constant 0 : i32
    %c0_i32_1 = arith.constant 0 : i32
    return %c0_i32, %c0_i32_0 : i32, i32
  }
  func.func @transform_12(%arg0: i32) -> (i32, i32) {
    %c0_i32 = arith.constant 0 : i32
    %c0_i32_0 = arith.constant 0 : i32
    %c0_i32_1 = arith.constant 0 : i32
    return %c0_i32, %c0_i32_0 : i32, i32
  }
  func.func @transform_13(%arg0: i32) -> (i32, i32) {
    %c0_i32 = arith.constant 0 : i32
    %c0_i32_0 = arith.constant 0 : i32
    return %arg0, %c0_i32 : i32, i32
  }
  func.func @transform_14(%arg0: i32) -> (i32, i32) {
    %c0_i32 = arith.constant 0 : i32
    %c0_i32_0 = arith.constant 0 : i32
    return %arg0, %c0_i32 : i32, i32
  }
}

module attributes {stable_mosaic.version = 14 : i64} {
  func.func @_node_body(%arg0: i32, %arg1: memref<512x128xf32, #tpu.memory_space<vmem>>, %arg2: memref<512x128xf32, #tpu.memory_space<vmem>>, %arg3: memref<512x128xf32, #tpu.memory_space<vmem>>, %arg4: memref<128x128xf32, #tpu.memory_space<vmem>>, %arg5: memref<128x128xf32, #tpu.memory_space<vmem>>, %arg6: memref<1x128xf32, #tpu.memory_space<vmem>>, %arg7: memref<128x128xf32, #tpu.memory_space<vmem>>, %arg8: memref<1x128xf32, #tpu.memory_space<vmem>>, %arg9: memref<128x128xf32, #tpu.memory_space<vmem>>, %arg10: memref<1x128xf32, #tpu.memory_space<vmem>>, %arg11: memref<1x128xf32, #tpu.memory_space<vmem>>, %arg12: memref<1x128xf32, #tpu.memory_space<vmem>>, %arg13: memref<512x128xf32, #tpu.memory_space<vmem>>) attributes {dimension_semantics = [#tpu.dimension_semantics<arbitrary>], iteration_bounds = array<i64: 20>, scalar_prefetch = 0 : i64, scratch_operands = 0 : i64, tpu.core_type = #tpu.core_type<tc>, window_params = [{transform_indices = @transform_0, window_bounds = array<i64: 512, 128>}, {transform_indices = @transform_1, window_bounds = array<i64: 512, 128>}, {transform_indices = @transform_2, window_bounds = array<i64: 512, 128>}, {pipeline_mode = #tpu.pipeline_mode<synchronous>, transform_indices = @transform_3, window_bounds = array<i64: 128, 128>}, {pipeline_mode = #tpu.pipeline_mode<synchronous>, transform_indices = @transform_4, window_bounds = array<i64: 128, 128>}, {pipeline_mode = #tpu.pipeline_mode<synchronous>, transform_indices = @transform_5, window_bounds = array<i64: 1, 128>}, {pipeline_mode = #tpu.pipeline_mode<synchronous>, transform_indices = @transform_6, window_bounds = array<i64: 128, 128>}, {pipeline_mode = #tpu.pipeline_mode<synchronous>, transform_indices = @transform_7, window_bounds = array<i64: 1, 128>}, {pipeline_mode = #tpu.pipeline_mode<synchronous>, transform_indices = @transform_8, window_bounds = array<i64: 128, 128>}, {pipeline_mode = #tpu.pipeline_mode<synchronous>, transform_indices = @transform_9, window_bounds = array<i64: 1, 128>}, {pipeline_mode = #tpu.pipeline_mode<synchronous>, transform_indices = @transform_10, window_bounds = array<i64: 1, 128>}, {pipeline_mode = #tpu.pipeline_mode<synchronous>, transform_indices = @transform_11, window_bounds = array<i64: 1, 128>}, {transform_indices = @transform_12, window_bounds = array<i64: 512, 128>}]} {
    %get3A = arith.constant 0 : index
    %get3A_0 = arith.constant 0 : index
    %get3A_1 = vector.load %arg1[%get3A, %get3A_0] : memref<512x128xf32, #tpu.memory_space<vmem>>, vector<512x128xf32>
    %get3A_2 = arith.constant 0 : index
    %get3A_3 = arith.constant 0 : index
    %get3A_4 = vector.load %arg4[%get3A_2, %get3A_3] : memref<128x128xf32, #tpu.memory_space<vmem>>, vector<128x128xf32>
    %dot_general3A = arith.constant dense<0.000000e+00> : vector<512x128xf32>
    %dot_general3A_5 = tpu.matmul %get3A_1, %get3A_4, %dot_general3A {dimension_numbers = #tpu.dot_dimension_numbers<[1], [0], [0], [1], [0, 0, 1, 1], [], []>, transpose_lhs_hint = false} : vector<512x128xf32>, vector<128x128xf32>, vector<512x128xf32> -> vector<512x128xf32>
    %get3A_6 = arith.constant 0 : index
    %get3A_7 = arith.constant 0 : index
    %get3A_8 = vector.load %arg2[%get3A_6, %get3A_7] : memref<512x128xf32, #tpu.memory_space<vmem>>, vector<512x128xf32>
    %get3A_9 = arith.constant 0 : index
    %get3A_10 = arith.constant 0 : index
    %get3A_11 = vector.load %arg3[%get3A_9, %get3A_10] : memref<512x128xf32, #tpu.memory_space<vmem>>, vector<512x128xf32>
    %add3A = arith.addf %get3A_8, %get3A_11 : vector<512x128xf32>
    %get3A_12 = arith.constant 0 : index
    %get3A_13 = arith.constant 0 : index
    %get3A_14 = vector.load %arg5[%get3A_12, %get3A_13] : memref<128x128xf32, #tpu.memory_space<vmem>>, vector<128x128xf32>
    %dot_general3A_15 = arith.constant dense<0.000000e+00> : vector<512x128xf32>
    %dot_general3A_16 = tpu.matmul %add3A, %get3A_14, %dot_general3A_15 {dimension_numbers = #tpu.dot_dimension_numbers<[1], [0], [0], [1], [0, 0, 1, 1], [], []>, transpose_lhs_hint = false} : vector<512x128xf32>, vector<128x128xf32>, vector<512x128xf32> -> vector<512x128xf32>
    %add3A_17 = arith.addf %dot_general3A_5, %dot_general3A_16 : vector<512x128xf32>
    %get3A_18 = arith.constant 0 : index
    %get3A_19 = arith.constant 0 : index
    %get3A_20 = vector.load %arg6[%get3A_18, %get3A_19] : memref<1x128xf32, #tpu.memory_space<vmem>>, vector<1x128xf32>
    %add3A_21 = vector.broadcast %get3A_20 : vector<1x128xf32> to vector<512x128xf32>
    %add3A_22 = arith.addf %add3A_17, %add3A_21 : vector<512x128xf32>
    %get3A_23 = arith.constant 0 : index
    %get3A_24 = arith.constant 0 : index
    %get3A_25 = vector.load %arg1[%get3A_23, %get3A_24] : memref<512x128xf32, #tpu.memory_space<vmem>>, vector<512x128xf32>
    %max3A = arith.constant 0.000000e+00 : f32
    %max3A_26 = vector.broadcast %max3A : f32 to vector<512x128xf32>
    %max3A_27 = arith.maximumf %add3A_22, %max3A_26 : vector<512x128xf32>
    %get3A_28 = arith.constant 0 : index
    %get3A_29 = arith.constant 0 : index
    %get3A_30 = vector.load %arg7[%get3A_28, %get3A_29] : memref<128x128xf32, #tpu.memory_space<vmem>>, vector<128x128xf32>
    %dot_general3A_31 = arith.constant dense<0.000000e+00> : vector<512x128xf32>
    %dot_general3A_32 = tpu.matmul %max3A_27, %get3A_30, %dot_general3A_31 {dimension_numbers = #tpu.dot_dimension_numbers<[1], [0], [0], [1], [0, 0, 1, 1], [], []>, transpose_lhs_hint = false} : vector<512x128xf32>, vector<128x128xf32>, vector<512x128xf32> -> vector<512x128xf32>
    %get3A_33 = arith.constant 0 : index
    %get3A_34 = arith.constant 0 : index
    %get3A_35 = vector.load %arg8[%get3A_33, %get3A_34] : memref<1x128xf32, #tpu.memory_space<vmem>>, vector<1x128xf32>
    %add3A_36 = vector.broadcast %get3A_35 : vector<1x128xf32> to vector<512x128xf32>
    %add3A_37 = arith.addf %dot_general3A_32, %add3A_36 : vector<512x128xf32>
    %max3A_38 = arith.constant 0.000000e+00 : f32
    %max3A_39 = vector.broadcast %max3A_38 : f32 to vector<512x128xf32>
    %max3A_40 = arith.maximumf %add3A_37, %max3A_39 : vector<512x128xf32>
    %get3A_41 = arith.constant 0 : index
    %get3A_42 = arith.constant 0 : index
    %get3A_43 = vector.load %arg9[%get3A_41, %get3A_42] : memref<128x128xf32, #tpu.memory_space<vmem>>, vector<128x128xf32>
    %dot_general3A_44 = arith.constant dense<0.000000e+00> : vector<512x128xf32>
    %dot_general3A_45 = tpu.matmul %max3A_40, %get3A_43, %dot_general3A_44 {dimension_numbers = #tpu.dot_dimension_numbers<[1], [0], [0], [1], [0, 0, 1, 1], [], []>, transpose_lhs_hint = false} : vector<512x128xf32>, vector<128x128xf32>, vector<512x128xf32> -> vector<512x128xf32>
    %get3A_46 = arith.constant 0 : index
    %get3A_47 = arith.constant 0 : index
    %get3A_48 = vector.load %arg10[%get3A_46, %get3A_47] : memref<1x128xf32, #tpu.memory_space<vmem>>, vector<1x128xf32>
    %add3A_49 = vector.broadcast %get3A_48 : vector<1x128xf32> to vector<512x128xf32>
    %add3A_50 = arith.addf %dot_general3A_45, %add3A_49 : vector<512x128xf32>
    %reduce_sum3A = arith.constant dense<0.000000e+00> : vector<512xf32>
    %reduce_sum3A_51 = vector.multi_reduction <add>, %add3A_50, %reduce_sum3A [1] : vector<512x128xf32> to vector<512xf32>
    %broadcast_in_dim3A = vector.shape_cast %reduce_sum3A_51 : vector<512xf32> to vector<512x1xf32>
    %div3A = arith.constant 1.280000e+02 : f32
    %div3A_52 = vector.broadcast %div3A : f32 to vector<512x1xf32>
    %div3A_53 = arith.divf %broadcast_in_dim3A, %div3A_52 : vector<512x1xf32>
    %sub3A = vector.broadcast %div3A_53 : vector<512x1xf32> to vector<512x128xf32>
    %sub3A_54 = arith.subf %add3A_50, %sub3A : vector<512x128xf32>
    %square3A = arith.mulf %sub3A_54, %sub3A_54 : vector<512x128xf32>
    %reduce_sum3A_55 = arith.constant dense<0.000000e+00> : vector<512xf32>
    %reduce_sum3A_56 = vector.multi_reduction <add>, %square3A, %reduce_sum3A_55 [1] : vector<512x128xf32> to vector<512xf32>
    %broadcast_in_dim3A_57 = vector.shape_cast %reduce_sum3A_56 : vector<512xf32> to vector<512x1xf32>
    %div3A_58 = arith.constant 1.280000e+02 : f32
    %div3A_59 = vector.broadcast %div3A_58 : f32 to vector<512x1xf32>
    %div3A_60 = arith.divf %broadcast_in_dim3A_57, %div3A_59 : vector<512x1xf32>
    %sub3A_61 = vector.broadcast %div3A_53 : vector<512x1xf32> to vector<512x128xf32>
    %sub3A_62 = arith.subf %add3A_50, %sub3A_61 : vector<512x128xf32>
    %add3A_63 = arith.constant 9.99999974E-6 : f32
    %add3A_64 = vector.broadcast %add3A_63 : f32 to vector<512x1xf32>
    %add3A_65 = arith.addf %div3A_60, %add3A_64 : vector<512x1xf32>
    %rsqrt3A = math.rsqrt %add3A_65 : vector<512x1xf32>
    %mul3A = vector.broadcast %rsqrt3A : vector<512x1xf32> to vector<512x128xf32>
    %mul3A_66 = arith.mulf %sub3A_62, %mul3A : vector<512x128xf32>
    %get3A_67 = arith.constant 0 : index
    %get3A_68 = arith.constant 0 : index
    %get3A_69 = vector.load %arg11[%get3A_67, %get3A_68] : memref<1x128xf32, #tpu.memory_space<vmem>>, vector<1x128xf32>
    %mul3A_70 = vector.broadcast %get3A_69 : vector<1x128xf32> to vector<512x128xf32>
    %mul3A_71 = arith.mulf %mul3A_66, %mul3A_70 : vector<512x128xf32>
    %get3A_72 = arith.constant 0 : index
    %get3A_73 = arith.constant 0 : index
    %get3A_74 = vector.load %arg12[%get3A_72, %get3A_73] : memref<1x128xf32, #tpu.memory_space<vmem>>, vector<1x128xf32>
    %add3A_75 = vector.broadcast %get3A_74 : vector<1x128xf32> to vector<512x128xf32>
    %add3A_76 = arith.addf %mul3A_71, %add3A_75 : vector<512x128xf32>
    %add3A_77 = arith.addf %get3A_25, %add3A_76 : vector<512x128xf32>
    %swap3A = arith.constant 0 : index
    %swap3A_78 = arith.constant 0 : index
    %swap3A_79 = vector.load %arg13[%swap3A, %swap3A_78] : memref<512x128xf32, #tpu.memory_space<vmem>>, vector<512x128xf32>
    tpu.vector_store %arg13[%swap3A, %swap3A_78], %add3A_77 {strides = array<i32>} : memref<512x128xf32, #tpu.memory_space<vmem>>, vector<512x128xf32>,
    return
  }
  func.func @transform_0(%arg0: i32) -> (i32, i32) {
    %c0_i32 = arith.constant 0 : i32
    %c0_i32_0 = arith.constant 0 : i32
    return %arg0, %c0_i32 : i32, i32
  }
  func.func @transform_1(%arg0: i32) -> (i32, i32) {
    %c0_i32 = arith.constant 0 : i32
    %c0_i32_0 = arith.constant 0 : i32
    return %arg0, %c0_i32 : i32, i32
  }
  func.func @transform_2(%arg0: i32) -> (i32, i32) {
    %c0_i32 = arith.constant 0 : i32
    %c0_i32_0 = arith.constant 0 : i32
    return %arg0, %c0_i32 : i32, i32
  }
  func.func @transform_3(%arg0: i32) -> (i32, i32) {
    %c0_i32 = arith.constant 0 : i32
    %c0_i32_0 = arith.constant 0 : i32
    %c0_i32_1 = arith.constant 0 : i32
    return %c0_i32, %c0_i32_0 : i32, i32
  }
  func.func @transform_4(%arg0: i32) -> (i32, i32) {
    %c0_i32 = arith.constant 0 : i32
    %c0_i32_0 = arith.constant 0 : i32
    %c0_i32_1 = arith.constant 0 : i32
    return %c0_i32, %c0_i32_0 : i32, i32
  }
  func.func @transform_5(%arg0: i32) -> (i32, i32) {
    %c0_i32 = arith.constant 0 : i32
    %c0_i32_0 = arith.constant 0 : i32
    %c0_i32_1 = arith.constant 0 : i32
    return %c0_i32, %c0_i32_0 : i32, i32
  }
  func.func @transform_6(%arg0: i32) -> (i32, i32) {
    %c0_i32 = arith.constant 0 : i32
    %c0_i32_0 = arith.constant 0 : i32
    %c0_i32_1 = arith.constant 0 : i32
    return %c0_i32, %c0_i32_0 : i32, i32
  }
  func.func @transform_7(%arg0: i32) -> (i32, i32) {
    %c0_i32 = arith.constant 0 : i32
    %c0_i32_0 = arith.constant 0 : i32
    %c0_i32_1 = arith.constant 0 : i32
    return %c0_i32, %c0_i32_0 : i32, i32
  }
  func.func @transform_8(%arg0: i32) -> (i32, i32) {
    %c0_i32 = arith.constant 0 : i32
    %c0_i32_0 = arith.constant 0 : i32
    %c0_i32_1 = arith.constant 0 : i32
    return %c0_i32, %c0_i32_0 : i32, i32
  }
  func.func @transform_9(%arg0: i32) -> (i32, i32) {
    %c0_i32 = arith.constant 0 : i32
    %c0_i32_0 = arith.constant 0 : i32
    %c0_i32_1 = arith.constant 0 : i32
    return %c0_i32, %c0_i32_0 : i32, i32
  }
  func.func @transform_10(%arg0: i32) -> (i32, i32) {
    %c0_i32 = arith.constant 0 : i32
    %c0_i32_0 = arith.constant 0 : i32
    %c0_i32_1 = arith.constant 0 : i32
    return %c0_i32, %c0_i32_0 : i32, i32
  }
  func.func @transform_11(%arg0: i32) -> (i32, i32) {
    %c0_i32 = arith.constant 0 : i32
    %c0_i32_0 = arith.constant 0 : i32
    %c0_i32_1 = arith.constant 0 : i32
    return %c0_i32, %c0_i32_0 : i32, i32
  }
  func.func @transform_12(%arg0: i32) -> (i32, i32) {
    %c0_i32 = arith.constant 0 : i32
    %c0_i32_0 = arith.constant 0 : i32
    return %arg0, %c0_i32 : i32, i32
  }
}

module attributes {stable_mosaic.version = 14 : i64} {
  func.func @_dec_body(%arg0: i32, %arg1: memref<512x128xf32, #tpu.memory_space<vmem>>, %arg2: memref<128x128xf32, #tpu.memory_space<vmem>>, %arg3: memref<1x128xf32, #tpu.memory_space<vmem>>, %arg4: memref<128x128xf32, #tpu.memory_space<vmem>>, %arg5: memref<1x128xf32, #tpu.memory_space<vmem>>, %arg6: memref<128x128xf32, #tpu.memory_space<vmem>>, %arg7: memref<1x128xf32, #tpu.memory_space<vmem>>, %arg8: memref<512x128xf32, #tpu.memory_space<vmem>>) attributes {dimension_semantics = [#tpu.dimension_semantics<arbitrary>], iteration_bounds = array<i64: 320>, scalar_prefetch = 0 : i64, scratch_operands = 0 : i64, tpu.core_type = #tpu.core_type<tc>, window_params = [{transform_indices = @transform_0, window_bounds = array<i64: 512, 128>}, {pipeline_mode = #tpu.pipeline_mode<synchronous>, transform_indices = @transform_1, window_bounds = array<i64: 128, 128>}, {pipeline_mode = #tpu.pipeline_mode<synchronous>, transform_indices = @transform_2, window_bounds = array<i64: 1, 128>}, {pipeline_mode = #tpu.pipeline_mode<synchronous>, transform_indices = @transform_3, window_bounds = array<i64: 128, 128>}, {pipeline_mode = #tpu.pipeline_mode<synchronous>, transform_indices = @transform_4, window_bounds = array<i64: 1, 128>}, {pipeline_mode = #tpu.pipeline_mode<synchronous>, transform_indices = @transform_5, window_bounds = array<i64: 128, 128>}, {pipeline_mode = #tpu.pipeline_mode<synchronous>, transform_indices = @transform_6, window_bounds = array<i64: 1, 128>}, {transform_indices = @transform_7, window_bounds = array<i64: 512, 128>}]} {
    %get3A = arith.constant 0 : index
    %get3A_0 = arith.constant 0 : index
    %get3A_1 = vector.load %arg1[%get3A, %get3A_0] : memref<512x128xf32, #tpu.memory_space<vmem>>, vector<512x128xf32>
    %get3A_2 = arith.constant 0 : index
    %get3A_3 = arith.constant 0 : index
    %get3A_4 = vector.load %arg2[%get3A_2, %get3A_3] : memref<128x128xf32, #tpu.memory_space<vmem>>, vector<128x128xf32>
    %dot_general3A = arith.constant dense<0.000000e+00> : vector<512x128xf32>
    %dot_general3A_5 = tpu.matmul %get3A_1, %get3A_4, %dot_general3A {dimension_numbers = #tpu.dot_dimension_numbers<[1], [0], [0], [1], [0, 0, 1, 1], [], []>, transpose_lhs_hint = false} : vector<512x128xf32>, vector<128x128xf32>, vector<512x128xf32> -> vector<512x128xf32>
    %get3A_6 = arith.constant 0 : index
    %get3A_7 = arith.constant 0 : index
    %get3A_8 = vector.load %arg3[%get3A_6, %get3A_7] : memref<1x128xf32, #tpu.memory_space<vmem>>, vector<1x128xf32>
    %add3A = vector.broadcast %get3A_8 : vector<1x128xf32> to vector<512x128xf32>
    %add3A_9 = arith.addf %dot_general3A_5, %add3A : vector<512x128xf32>
    %max3A = arith.constant 0.000000e+00 : f32
    %max3A_10 = vector.broadcast %max3A : f32 to vector<512x128xf32>
    %max3A_11 = arith.maximumf %add3A_9, %max3A_10 : vector<512x128xf32>
    %get3A_12 = arith.constant 0 : index
    %get3A_13 = arith.constant 0 : index
    %get3A_14 = vector.load %arg4[%get3A_12, %get3A_13] : memref<128x128xf32, #tpu.memory_space<vmem>>, vector<128x128xf32>
    %dot_general3A_15 = arith.constant dense<0.000000e+00> : vector<512x128xf32>
    %dot_general3A_16 = tpu.matmul %max3A_11, %get3A_14, %dot_general3A_15 {dimension_numbers = #tpu.dot_dimension_numbers<[1], [0], [0], [1], [0, 0, 1, 1], [], []>, transpose_lhs_hint = false} : vector<512x128xf32>, vector<128x128xf32>, vector<512x128xf32> -> vector<512x128xf32>
    %get3A_17 = arith.constant 0 : index
    %get3A_18 = arith.constant 0 : index
    %get3A_19 = vector.load %arg5[%get3A_17, %get3A_18] : memref<1x128xf32, #tpu.memory_space<vmem>>, vector<1x128xf32>
    %add3A_20 = vector.broadcast %get3A_19 : vector<1x128xf32> to vector<512x128xf32>
    %add3A_21 = arith.addf %dot_general3A_16, %add3A_20 : vector<512x128xf32>
    %max3A_22 = arith.constant 0.000000e+00 : f32
    %max3A_23 = vector.broadcast %max3A_22 : f32 to vector<512x128xf32>
    %max3A_24 = arith.maximumf %add3A_21, %max3A_23 : vector<512x128xf32>
    %get3A_25 = arith.constant 0 : index
    %get3A_26 = arith.constant 0 : index
    %get3A_27 = vector.load %arg6[%get3A_25, %get3A_26] : memref<128x128xf32, #tpu.memory_space<vmem>>, vector<128x128xf32>
    %dot_general3A_28 = arith.constant dense<0.000000e+00> : vector<512x128xf32>
    %dot_general3A_29 = tpu.matmul %max3A_24, %get3A_27, %dot_general3A_28 {dimension_numbers = #tpu.dot_dimension_numbers<[1], [0], [0], [1], [0, 0, 1, 1], [], []>, transpose_lhs_hint = false} : vector<512x128xf32>, vector<128x128xf32>, vector<512x128xf32> -> vector<512x128xf32>
    %get3A_30 = arith.constant 0 : index
    %get3A_31 = arith.constant 0 : index
    %get3A_32 = vector.load %arg7[%get3A_30, %get3A_31] : memref<1x128xf32, #tpu.memory_space<vmem>>, vector<1x128xf32>
    %add3A_33 = vector.broadcast %get3A_32 : vector<1x128xf32> to vector<512x128xf32>
    %add3A_34 = arith.addf %dot_general3A_29, %add3A_33 : vector<512x128xf32>
    %swap3A = arith.constant 0 : index
    %swap3A_35 = arith.constant 0 : index
    %swap3A_36 = vector.load %arg8[%swap3A, %swap3A_35] : memref<512x128xf32, #tpu.memory_space<vmem>>, vector<512x128xf32>
    tpu.vector_store %arg8[%swap3A, %swap3A_35], %add3A_34 {strides = array<i32>} : memref<512x128xf32, #tpu.memory_space<vmem>>, vector<512x128xf32>,
    return
  }
  func.func @transform_0(%arg0: i32) -> (i32, i32) {
    %c0_i32 = arith.constant 0 : i32
    %c0_i32_0 = arith.constant 0 : i32
    return %arg0, %c0_i32 : i32, i32
  }
  func.func @transform_1(%arg0: i32) -> (i32, i32) {
    %c0_i32 = arith.constant 0 : i32
    %c0_i32_0 = arith.constant 0 : i32
    %c0_i32_1 = arith.constant 0 : i32
    return %c0_i32, %c0_i32_0 : i32, i32
  }
  func.func @transform_2(%arg0: i32) -> (i32, i32) {
    %c0_i32 = arith.constant 0 : i32
    %c0_i32_0 = arith.constant 0 : i32
    %c0_i32_1 = arith.constant 0 : i32
    return %c0_i32, %c0_i32_0 : i32, i32
  }
  func.func @transform_3(%arg0: i32) -> (i32, i32) {
    %c0_i32 = arith.constant 0 : i32
    %c0_i32_0 = arith.constant 0 : i32
    %c0_i32_1 = arith.constant 0 : i32
    return %c0_i32, %c0_i32_0 : i32, i32
  }
  func.func @transform_4(%arg0: i32) -> (i32, i32) {
    %c0_i32 = arith.constant 0 : i32
    %c0_i32_0 = arith.constant 0 : i32
    %c0_i32_1 = arith.constant 0 : i32
    return %c0_i32, %c0_i32_0 : i32, i32
  }
  func.func @transform_5(%arg0: i32) -> (i32, i32) {
    %c0_i32 = arith.constant 0 : i32
    %c0_i32_0 = arith.constant 0 : i32
    %c0_i32_1 = arith.constant 0 : i32
    return %c0_i32, %c0_i32_0 : i32, i32
  }
  func.func @transform_6(%arg0: i32) -> (i32, i32) {
    %c0_i32 = arith.constant 0 : i32
    %c0_i32_0 = arith.constant 0 : i32
    %c0_i32_1 = arith.constant 0 : i32
    return %c0_i32, %c0_i32_0 : i32, i32
  }
  func.func @transform_7(%arg0: i32) -> (i32, i32) {
    %c0_i32 = arith.constant 0 : i32
    %c0_i32_0 = arith.constant 0 : i32
    return %arg0, %c0_i32 : i32, i32
  }
}

module attributes {stable_mosaic.version = 14 : i64} {
  func.func @_dec_body(%arg0: i32, %arg1: memref<512x128xf32, #tpu.memory_space<vmem>>, %arg2: memref<128x128xf32, #tpu.memory_space<vmem>>, %arg3: memref<1x128xf32, #tpu.memory_space<vmem>>, %arg4: memref<128x128xf32, #tpu.memory_space<vmem>>, %arg5: memref<1x128xf32, #tpu.memory_space<vmem>>, %arg6: memref<128x128xf32, #tpu.memory_space<vmem>>, %arg7: memref<1x128xf32, #tpu.memory_space<vmem>>, %arg8: memref<512x128xf32, #tpu.memory_space<vmem>>) attributes {dimension_semantics = [#tpu.dimension_semantics<arbitrary>], iteration_bounds = array<i64: 20>, scalar_prefetch = 0 : i64, scratch_operands = 0 : i64, tpu.core_type = #tpu.core_type<tc>, window_params = [{transform_indices = @transform_0, window_bounds = array<i64: 512, 128>}, {pipeline_mode = #tpu.pipeline_mode<synchronous>, transform_indices = @transform_1, window_bounds = array<i64: 128, 128>}, {pipeline_mode = #tpu.pipeline_mode<synchronous>, transform_indices = @transform_2, window_bounds = array<i64: 1, 128>}, {pipeline_mode = #tpu.pipeline_mode<synchronous>, transform_indices = @transform_3, window_bounds = array<i64: 128, 128>}, {pipeline_mode = #tpu.pipeline_mode<synchronous>, transform_indices = @transform_4, window_bounds = array<i64: 1, 128>}, {pipeline_mode = #tpu.pipeline_mode<synchronous>, transform_indices = @transform_5, window_bounds = array<i64: 128, 128>}, {pipeline_mode = #tpu.pipeline_mode<synchronous>, transform_indices = @transform_6, window_bounds = array<i64: 1, 128>}, {transform_indices = @transform_7, window_bounds = array<i64: 512, 128>}]} {
    %get3A = arith.constant 0 : index
    %get3A_0 = arith.constant 0 : index
    %get3A_1 = vector.load %arg1[%get3A, %get3A_0] : memref<512x128xf32, #tpu.memory_space<vmem>>, vector<512x128xf32>
    %get3A_2 = arith.constant 0 : index
    %get3A_3 = arith.constant 0 : index
    %get3A_4 = vector.load %arg2[%get3A_2, %get3A_3] : memref<128x128xf32, #tpu.memory_space<vmem>>, vector<128x128xf32>
    %dot_general3A = arith.constant dense<0.000000e+00> : vector<512x128xf32>
    %dot_general3A_5 = tpu.matmul %get3A_1, %get3A_4, %dot_general3A {dimension_numbers = #tpu.dot_dimension_numbers<[1], [0], [0], [1], [0, 0, 1, 1], [], []>, transpose_lhs_hint = false} : vector<512x128xf32>, vector<128x128xf32>, vector<512x128xf32> -> vector<512x128xf32>
    %get3A_6 = arith.constant 0 : index
    %get3A_7 = arith.constant 0 : index
    %get3A_8 = vector.load %arg3[%get3A_6, %get3A_7] : memref<1x128xf32, #tpu.memory_space<vmem>>, vector<1x128xf32>
    %add3A = vector.broadcast %get3A_8 : vector<1x128xf32> to vector<512x128xf32>
    %add3A_9 = arith.addf %dot_general3A_5, %add3A : vector<512x128xf32>
    %max3A = arith.constant 0.000000e+00 : f32
    %max3A_10 = vector.broadcast %max3A : f32 to vector<512x128xf32>
    %max3A_11 = arith.maximumf %add3A_9, %max3A_10 : vector<512x128xf32>
    %get3A_12 = arith.constant 0 : index
    %get3A_13 = arith.constant 0 : index
    %get3A_14 = vector.load %arg4[%get3A_12, %get3A_13] : memref<128x128xf32, #tpu.memory_space<vmem>>, vector<128x128xf32>
    %dot_general3A_15 = arith.constant dense<0.000000e+00> : vector<512x128xf32>
    %dot_general3A_16 = tpu.matmul %max3A_11, %get3A_14, %dot_general3A_15 {dimension_numbers = #tpu.dot_dimension_numbers<[1], [0], [0], [1], [0, 0, 1, 1], [], []>, transpose_lhs_hint = false} : vector<512x128xf32>, vector<128x128xf32>, vector<512x128xf32> -> vector<512x128xf32>
    %get3A_17 = arith.constant 0 : index
    %get3A_18 = arith.constant 0 : index
    %get3A_19 = vector.load %arg5[%get3A_17, %get3A_18] : memref<1x128xf32, #tpu.memory_space<vmem>>, vector<1x128xf32>
    %add3A_20 = vector.broadcast %get3A_19 : vector<1x128xf32> to vector<512x128xf32>
    %add3A_21 = arith.addf %dot_general3A_16, %add3A_20 : vector<512x128xf32>
    %max3A_22 = arith.constant 0.000000e+00 : f32
    %max3A_23 = vector.broadcast %max3A_22 : f32 to vector<512x128xf32>
    %max3A_24 = arith.maximumf %add3A_21, %max3A_23 : vector<512x128xf32>
    %get3A_25 = arith.constant 0 : index
    %get3A_26 = arith.constant 0 : index
    %get3A_27 = vector.load %arg6[%get3A_25, %get3A_26] : memref<128x128xf32, #tpu.memory_space<vmem>>, vector<128x128xf32>
    %dot_general3A_28 = arith.constant dense<0.000000e+00> : vector<512x128xf32>
    %dot_general3A_29 = tpu.matmul %max3A_24, %get3A_27, %dot_general3A_28 {dimension_numbers = #tpu.dot_dimension_numbers<[1], [0], [0], [1], [0, 0, 1, 1], [], []>, transpose_lhs_hint = false} : vector<512x128xf32>, vector<128x128xf32>, vector<512x128xf32> -> vector<512x128xf32>
    %get3A_30 = arith.constant 0 : index
    %get3A_31 = arith.constant 0 : index
    %get3A_32 = vector.load %arg7[%get3A_30, %get3A_31] : memref<1x128xf32, #tpu.memory_space<vmem>>, vector<1x128xf32>
    %add3A_33 = vector.broadcast %get3A_32 : vector<1x128xf32> to vector<512x128xf32>
    %add3A_34 = arith.addf %dot_general3A_29, %add3A_33 : vector<512x128xf32>
    %swap3A = arith.constant 0 : index
    %swap3A_35 = arith.constant 0 : index
    %swap3A_36 = vector.load %arg8[%swap3A, %swap3A_35] : memref<512x128xf32, #tpu.memory_space<vmem>>, vector<512x128xf32>
    tpu.vector_store %arg8[%swap3A, %swap3A_35], %add3A_34 {strides = array<i32>} : memref<512x128xf32, #tpu.memory_space<vmem>>, vector<512x128xf32>,
    return
  }
  func.func @transform_0(%arg0: i32) -> (i32, i32) {
    %c0_i32 = arith.constant 0 : i32
    %c0_i32_0 = arith.constant 0 : i32
    return %arg0, %c0_i32 : i32, i32
  }
  func.func @transform_1(%arg0: i32) -> (i32, i32) {
    %c0_i32 = arith.constant 0 : i32
    %c0_i32_0 = arith.constant 0 : i32
    %c0_i32_1 = arith.constant 0 : i32
    return %c0_i32, %c0_i32_0 : i32, i32
  }
  func.func @transform_2(%arg0: i32) -> (i32, i32) {
    %c0_i32 = arith.constant 0 : i32
    %c0_i32_0 = arith.constant 0 : i32
    %c0_i32_1 = arith.constant 0 : i32
    return %c0_i32, %c0_i32_0 : i32, i32
  }
  func.func @transform_3(%arg0: i32) -> (i32, i32) {
    %c0_i32 = arith.constant 0 : i32
    %c0_i32_0 = arith.constant 0 : i32
    %c0_i32_1 = arith.constant 0 : i32
    return %c0_i32, %c0_i32_0 : i32, i32
  }
  func.func @transform_4(%arg0: i32) -> (i32, i32) {
    %c0_i32 = arith.constant 0 : i32
    %c0_i32_0 = arith.constant 0 : i32
    %c0_i32_1 = arith.constant 0 : i32
    return %c0_i32, %c0_i32_0 : i32, i32
  }
  func.func @transform_5(%arg0: i32) -> (i32, i32) {
    %c0_i32 = arith.constant 0 : i32
    %c0_i32_0 = arith.constant 0 : i32
    %c0_i32_1 = arith.constant 0 : i32
    return %c0_i32, %c0_i32_0 : i32, i32
  }
  func.func @transform_6(%arg0: i32) -> (i32, i32) {
    %c0_i32 = arith.constant 0 : i32
    %c0_i32_0 = arith.constant 0 : i32
    %c0_i32_1 = arith.constant 0 : i32
    return %c0_i32, %c0_i32_0 : i32, i32
  }
  func.func @transform_7(%arg0: i32) -> (i32, i32) {
    %c0_i32 = arith.constant 0 : i32
    %c0_i32_0 = arith.constant 0 : i32
    return %arg0, %c0_i32 : i32, i32
  }
}

</mosaic_0001>

<sc_bundles>
// kernel: kernel.22.cloned.1.call-start
scs
__scs_entry_jumppad:
0x0: {  	(pc) =	sbr.rel $0x88, $3  }
0x1: {  	(tag) =	ssettag $0x0;
	lr =	simm.s32 $0x1  }
0x2: {  	[smem:$0x3F42] =	sst lr;
	_ =	strace $0xD0000000  }
0x3: {  	_ = 	snop  }
0x4: {  	_ = 	snop  }
0x5: {  	_ = 	snop  }
0x6: {  	_ = 	snop  }
0x7: {  	_ = 	snop  }
__scs_overlays_trampoline_lowered:
0x8: {  	[smem:$0x3F51] =	sst s0  }
0x9: {  	[smem:$0x3F52] =	sst s1  }
0xa: {  	[smem:$0x3F53] =	sst s2  }
0xb: {  	[smem:$0x3F54] =	sst s3  }
0xc: {  	[smem:$0x3F55] =	sst s4  }
0xd: {  	[smem:$0x3F56] =	sst s5  }
0xe: {  	[smem:$0x3F57] =	sst s6  }
0xf: {  	[smem:$0x3F58] =	sst s7  }
0x10: {  	[smem:$0x3F59] =	sst s8  }
0x11: {  	[smem:$0x3F5A] =	sst s9;
	s0 =	simm.s32 @!p0 $0x0  }
0x12: {  	s1 =	sld [smem:$0x3F40];
	s0 =	simm.s32 @p0 $0x1  }
0x13: {  	[smem:$0x3F5B] =	sst s0;
	s0 =	simm.s32 @!p1 $0x0  }
0x14: {  	s2 =	sld [smem:$0x3F3F];
	s0 =	simm.s32 @p1 $0x1  }
0x15: {  	[smem:$0x3F5C] =	sst s0;
	s0 =	simm.s32 @!p2 $0x0  }
0x16: {  	s3 =	sld [smem:$0x3FDB];
	s0 =	simm.s32 @p2 $0x1  }
0x17: {  	s4 =	simm.s32 $0x1BF5;
	[smem:$0x3F5E] =	sst s0  }
0x18: {  	s0 =	sld [smem:$0x3F41];
	_ =	swait.ge [sflag:s4], $0x0  }
0x19: {  	s7 =	sld [smem:$0x3F42]  }
0x1a: {  	s8 =	sadd.s32 $0xFFFFE003, lr  }
0x1b: {  	s9 =	sadd.s32 $0xFFFFFEF7, lr;
	s5 =	simm.s32 $0xFFFFFFFF;
	p2 =	slt.u32 s8, $0xFFFFF086  }
0x1c: {  	p1 =	slt.u32 s9, $0xF7A;
	s5 =	simm.s32 @!p2 $0x0  }
0x1d: {  	s5 =	simm.s32 @p1 $0x1;
	p0 =	seq.s32 s7, s2  }
0x1e: {  	s7 =	smul.u32 @!p0 $0xF7A, s2;
	p2 =	seq.s32 @!p0 s5, $0x0  }
0x1f: {  	s9 =	smul.u32 $0xF7A, s1;
	s8 =	simm.s32 @!p0 $0x1BF5;
	p2 =	por !p2, p0  }
0x20: {  	[sflag:s8] =	ssyncset.s32 @!p0 $0xFFFFF086;
	s6 =	sadd.s32 @!p0 s3, s7;
	s7 =	simm.s32 @!p0 $0x108  }
0x21: {  	s3 =	sadd.s32 s3, s9;
	s6 =	sadd.s32 @!p0 $0x88, s6;
	s7 =	simm.s32 @p2 $0x1082  }
0x22: {  	[simem:s7], [sflag:s8] =	dma.local @!p0 [hbm:s6], $0xF7A  }
0x23: {  	s9 =	sor.u32 $0xD0000000, s2;
	s6 =	simm.s32 $0x108;
	_ =	swait.ge @!p0 [sflag:s8], $0x0  }
0x24: {  	s3 =	sadd.s32 $0x88, s3;
	s6 =	simm.s32 @!p1 $0x1082;
	[sflag:s4] =	ssyncset.s32 $0xFFFFF086  }
0x25: {  	[simem:s6], [sflag:s4] =	dma.local [hbm:s3], $0xF7A  }
0x26: {  	[smem:$0x3F42] =	sst s1;
	(tag) =	ssettag s2;
	_ =	strace s9  }
0x27: {  	s1 =	sld [smem:$0x3F52]  }
0x28: {  	s2 =	sld [smem:$0x3F53]  }
0x29: {  	s4 =	sld [smem:$0x3F55]  }
0x2a: {  	p0 =	seq.s32 s5, $0x0;
	s5 =	sld [smem:$0x3F56]  }
0x2b: {  	s6 =	sld [smem:$0x3F57]  }
0x2c: {  	s7 =	sld [smem:$0x3F58]  }
0x2d: {  	s3 =	simm.s32 $0x108;
	s8 =	sld [smem:$0x3F59]  }
0x2e: {  	s3 =	simm.s32 @!p0 $0x1082;
	s9 =	sld [smem:$0x3F5A]  }
0x2f: {  	lr =	sadd.s32 s0, s3;
	s0 =	sld [smem:$0x3F51]  }
0x30: {  	s3 =	sld [smem:$0x3F54]  }
0x31: {  	[smem:$0x3F5D] =	sst s10  }
0x32: {  	s10 =	sld [smem:$0x3F5B];
	_ =	sdelay $0x3  }
0x33: {  	p0 =	seq.s32 s10, $0x1;
	s10 =	sld [smem:$0x3F5D];
	_ =	sdelay $0x3  }
0x34: {  	[smem:$0x3F5D] =	sst s10  }
0x35: {  	s10 =	sld [smem:$0x3F5C];
	_ =	sdelay $0x3  }
0x36: {  	p1 =	seq.s32 s10, $0x1;
	s10 =	sld [smem:$0x3F5D];
	_ =	sdelay $0x3  }
0x37: {  	[smem:$0x3F5D] =	sst s10  }
0x38: {  	s10 =	sld [smem:$0x3F5E]  }
0x39: {  	_ = 	snop;
	(pc) =	sbr.ind lr, $3  }
0x3a: {  	_ = 	snop  }
0x3b: {  	_ = 	snop  }
0x3c: {  	p2 =	seq.s32 s10, $0x1;
	s10 =	sld [smem:$0x3F5D]  }
0x3d: {  	_ =	shalt  }
0x3e: {  	_ =	shalt  }
0x3f: {  	_ =	shalt  }
0x40: {  	_ =	shalt  }
0x41: {  	_ =	shalt  }
0x42: {  	_ =	shalt  }
0x43: {  	_ =	shalt  }
0x44: {  	_ =	shalt  }
0x45: {  	_ =	shalt  }
0x46: {  	_ =	shalt  }
0x47: {  	_ =	shalt  }
0x48: {  	_ =	shalt  }
0x49: {  	_ =	shalt  }
0x4a: {  	_ =	shalt  }
0x4b: {  	_ =	shalt  }
0x4c: {  	_ =	shalt  }
0x4d: {  	_ =	shalt  }
0x4e: {  	_ =	shalt  }
0x4f: {  	_ =	shalt  }
0x50: {  	_ =	shalt  }
0x51: {  	_ =	shalt  }
0x52: {  	_ =	shalt  }
0x53: {  	_ =	shalt  }
0x54: {  	_ =	shalt  }
0x55: {  	_ =	shalt  }
0x56: {  	_ =	shalt  }
0x57: {  	_ =	shalt  }
0x58: {  	_ =	shalt  }
0x59: {  	_ =	shalt  }
0x5a: {  	_ =	shalt  }
0x5b: {  	_ =	shalt  }
0x5c: {  	_ =	shalt  }
0x5d: {  	_ =	shalt  }
0x5e: {  	_ =	shalt  }
0x5f: {  	_ =	shalt  }
0x60: {  	_ =	shalt  }
0x61: {  	_ =	shalt  }
0x62: {  	_ =	shalt  }
0x63: {  	_ =	shalt  }
0x64: {  	_ =	shalt  }
0x65: {  	_ =	shalt  }
0x66: {  	_ =	shalt  }
0x67: {  	_ =	shalt  }
0x68: {  	_ =	shalt  }
0x69: {  	_ =	shalt  }
0x6a: {  	_ =	shalt  }
0x6b: {  	_ =	shalt  }
0x6c: {  	_ =	shalt  }
0x6d: {  	_ =	shalt  }
0x6e: {  	_ =	shalt  }
0x6f: {  	_ =	shalt  }
0x70: {  	_ =	shalt  }
0x71: {  	_ =	shalt  }
0x72: {  	_ =	shalt  }
0x73: {  	_ =	shalt  }
0x74: {  	_ =	shalt  }
0x75: {  	_ =	shalt  }
0x76: {  	_ =	shalt  }
0x77: {  	_ =	shalt  }
0x78: {  	_ =	shalt  }
0x79: {  	_ =	shalt  }
0x7a: {  	_ =	shalt  }
0x7b: {  	_ =	shalt  }
0x7c: {  	_ =	shalt  }
0x7d: {  	_ =	shalt  }
0x7e: {  	_ =	shalt  }
0x7f: {  	_ =	shalt  }
0x80: {  	_ =	shalt  }
0x81: {  	_ =	shalt  }
0x82: {  	_ =	shalt  }
0x83: {  	_ =	shalt  }
0x84: {  	_ =	shalt  }
0x85: {  	_ =	shalt  }
0x86: {  	_ =	shalt  }
0x87: {  	_ =	shalt  }
.Lfunc_end0:
.L_simem_size_0:
called_computation_lowered:
.L_overlay_start_0:
0x88: {  	s2 =	sld [smem:$0x3FD9]  }
0x89: {  	s3 =	sld [smem:$0x3FFE];
	_ =	sdelay $0x1  }
0x8a: {  	s1 =	srdreg.scid  }
0x8b: {  	s0 =	sand.u32 $0x1, s1  }
0x8c: {  	s16 =	sshll.u32 s0, $0xA;
	s2 =	sadd.s32 s3, s2  }
0x8d: {  	s2 =	sadd.s32 s2, s16  }
0x8e: {  	[smem:$0x3F69] =	sst s2  }
0x8f: {  	_ = 	snop  }
0x90: {  	(tm) =	ssettm $0x1  }
0x91: {  	s17 =	sld [smem:$0x3FFB];
	_ =	sdelay $0x3  }
0x92: {  	_ =	strace s17  }
0x93: {  	s2 =	sld [smem:$0x3FFC];
	_ =	sdelay $0x3  }
0x94: {  	_ =	strace s2  }
0x95: {  	s2 =	sld [smem:$0x3FFD];
	_ =	sdelay $0x3  }
0x96: {  	_ =	strace s2  }
0x97: {  	_ =	strace $0x8FFFFFFF  }
0x98: {  	s18 =	sld [smem:$0x3FDB];
	_ =	sdelay $0x1  }
0x99: {  	s19 =	simm.s32 $_scs_section_size  }
0x9a: {  	s4 =	simm.s32 $_size__tile_overlayer_lowered;
	s5 =	simm.s32 $_tile_overlayer_lowered  }
0x9b: {  	s22 =	simm.s32 $0x1BFF;
	s21 =	sshll.u32 s5, $0x1;
	s2 =	sadd.s32 s19, s18  }
0x9c: {  	s6 =	simm.s32 $0x0;
	s20 =	sshll.u32 s4, $0x1;
	s4 =	sadd.s32 s21, s2  }
0x9d: {  	[timem:s6], [sflag:s22] =	dma.local [hbm:s4], s20  }
0x9e: {  	_ =	swait.ge [sflag:s22], s20  }
0x9f: {  	s3 =	ssub.s32 $0x0, s20;
	[sflag:s22] =	ssyncset.done $0x0  }
0xa0: {  	[sflag:s22] =	ssyncadd.s32 s3;
	_ =	sdelay $0x1  }
0xa1: {  	s23 =	simm.s32 $0x1B8B  }
0xa2: {  	_ =	swait.ge [sflag:s23], $0x1  }
0xa3: {  	[sflag:s23] =	ssyncset.done $0x0  }
0xa4: {  	s25 =	simm.s32 $0x1B8E;
	s24 =	sld [smem:$0x3FFE];
	[sflag:s23] =	ssyncadd.s32 $0xFFFFFFFF  }
0xa5: {  	s26 =	simm.s32 $execute0_lowered;
	[smem:$0x3FD2] =	sst s25  }
0xa6: {  	s4 =	sshll.u32 s26, $0x1;
	_ =	strace $0x80000046;
	[dreg:$0x1] =	wrdreg $0xFFFFFFFF  }
0xa7: {  	s28 =	simm.s32 $_size_execute0_lowered;
	s2 =	sadd.s32 s2, s4;
	[dreg:$0x0] =	wrdreg $0x0  }
0xa8: {  	s4 =	sshll.u32 s28, $0x1;
	[dreg:$0x2] =	wrdreg s2  }
0xa9: {  	[dreg:$0x3] =	wrdreg s4  }
0xaa: {  	[dreg:$0x4] =	wrdreg $0xC0  }
0xab: {  	_ =	task [dreg:s6], $0x5FFFF  }
0xac: {  	[dreg:$0x1] =	wrdreg $0xFFFFFFFF  }
0xad: {  	[dreg:$0x0] =	wrdreg $0x60  }
0xae: {  	[dreg:$0x2] =	wrdreg s24  }
0xaf: {  	[dreg:$0x3] =	wrdreg $0x9  }
0xb0: {  	_ =	task.clear_ibuf [dreg:s6], $0x4FFFF;
	_ =	strace $0x90000046  }
0xb1: {  	s29 =	simm.s32 $0x9;
	_ =	strace $0x80000048  }
0xb2: {  	_ =	swait.ge [sflag:s29], $0x1  }
0xb3: {  	[sflag:s29] =	ssyncadd.s32 $0xFFFFFFFF  }
0xb4: {  	_ =	strace $0x90000048  }
0xb5: {  	_ =	sfence  }
0xb6: {  	s30 =	sld [smem:$0x0];
	_ =	sdelay $0x2  }
0xb7: {  	s31 =	sshll.u32 s1, $0xD;
	s1 =	sshrl.u32 s1, $0x2  }
0xb8: {  	s3 =	sand.u32 $0x4000, s31;
	s1 =	sadd.s32 s1, s30  }
0xb9: {  	s0 =	sor.u32 s3, s0;
	s1 =	sshll.u32 s1, $0x11  }
0xba: {  	s0 =	sor.u32 s1, s0  }
0xbb: {  	s0 =	sadd.s32 $0x8F2B, s0  }
0xbc: {  	[sflag:s0] =	ssyncadd.remote.s32 $0x1  }
0xbd: {  	_ =	sfence.sel $0xFFFF  }
0xbe: {  	[dreg:$0x0] =	wrdreg $0xFFFFFFFF;
	(pc) =	sbr.abs _section_cstart, $3  }
0xbf: {  	[dreg:$0x1] =	wrdreg $0xFFFFFFFF  }
0xc0: {  	_ =	task.clear_ibuf [dreg:s6], $0x2FFFF;
	_ =	strace $0x9FFFFFFF  }
0xc1: {  	(tm) =	ssettm $0x7FFFFFFF  }
tec
execute0_lowered:
.L_overlay_start_1:
0x0: {  	(tag) =	ssettag $0x1  }
0x1: {  	s4 =	rddreg [dreg:$0x0]  }
0x2: {  	s0 =	rddreg [dreg:$0x1];
	s3 =	srdreg.scid  }
0x3: {  	s1 =	stileid.u32;
	s2 =	simm.s32 $0x0;
	s11 =	simm.s32 $0x100  }
0x4: {  	s12 =	simm.s32 $0x4100;
	s13 =	simm.s32 $0x1;
	s6 =	smul.u32 $0x2800, s1  }
0x5: {  	s14 =	simm.s32 $0x2;
	s5 =	sand.u32 $0x1, s3;
	s8 =	smul.u32 $0x28000, s1  }
0x6: {  	s15 =	simm.s32 $0x0;
	[smem:$0x7FF] =	sst s2;
	s7 =	smul.u32 $0x1400, s5  }
0x7: {  	s3 =	sadd.s32 $0x1D200, s4;
	s29 =	ssub.s32 $0x2, s5;
	s5 =	smul.u32 $0x14000, s5  }
0x8: {  	_ =	strace $0x80000047;
	s8 =	sadd.s32 s8, s4;
	s9 =	sshrl.u32 s29, $0x1  }
0x9: {  	s6 =	sadd.s32 s7, s6;
	s30 =	ssub.s32 s29, s9;
	s31 =	sadd.s32 s5, s8  }
0xa: {  	s9 =	simm.s32 $0x3;
	s6 =	sshrl.u32 s6, $0x3;
	s5 =	sadd.s32 $0x45200, s31  }
0xb: {  	s10 =	sadd.s32 s6, s4;
	s4 =	smax.u32 s30, $0x1;
	s6 =	sadd.s32 $0x2C5200, s31  }
0xc: {  	s7 =	sadd.s32 $0x13200, s10;
	s8 =	sadd.s32 $0x18200, s10;
	s10 =	simm.s32 $0x80  }
.LBB2_1:
0xd: {  	s16 =	sadd.s32 $0x0, s8  }
0xe: {  	[tilespmem:s2], [sflag:$0x3] =	stream.linear.gather [hbm4b:s16+s2], $0x80, $0x38;
	[tilespmem:$0x8100] =	vst v63  }
0xf: {  	_ =	swait.ge [sflag:s9], $0x80  }
0x10: {  	[sflag:s9] =	ssyncset.done $0x0  }
0x11: {  	s31 =	sadd.s32 $0x0, s7;
	[sflag:s9] =	ssyncadd.s32 $0xFFFFFF80  }
0x12: {  	[tilespmem:s10], [sflag:$0x3] =	stream.linear.gather [hbm4b:s31+s2], $0x80, $0x38;
	[tilespmem:$0x8100] =	vst v63  }
0x13: {  	_ =	swait.ge [sflag:s9], $0x80  }
0x14: {  	[sflag:s9] =	ssyncset.done $0x0  }
0x15: {  	[sflag:s9] =	ssyncadd.s32 $0xFFFFFF80  }
0x16: {  	[tilespmem:s11], [sflag:$0x1] =	stream.indirect.gather [hbm4b:s3+s10], $0x80, s2, s10, $0xb8;
	[tilespmem:$0x8100] =	vst v63  }
0x17: {  	_ = 	snop  }
0x18: {  	[tilespmem:s12], [sflag:$0x2] =	stream.indirect.gather [hbm4b:s3+s10], $0x80, s10, s10, $0xb8;
	[tilespmem:$0x8100] =	vst v63  }
0x19: {  	_ =	swait.ge [sflag:s13], $0x4000  }
0x1a: {  	[sflag:s13] =	ssyncset.done $0x0  }
0x1b: {  	[sflag:s13] =	ssyncadd.s32 $0xFFFFC000  }
0x1c: {  	[hbm4b:s5+s2] =	stream.linear.scatter [tilespmem:s11], [sflag:$0x3], $0x4000, $0x38;
	[tilespmem:$0x8100] =	vst v63  }
0x1d: {  	_ =	swait.ge [sflag:s9], $0x4000  }
0x1e: {  	[sflag:s9] =	ssyncset.done $0x0  }
0x1f: {  	[sflag:s9] =	ssyncadd.s32 $0xFFFFC000  }
0x20: {  	_ =	swait.ge [sflag:s14], $0x4000  }
0x21: {  	[sflag:s14] =	ssyncset.done $0x0  }
0x22: {  	[sflag:s14] =	ssyncadd.s32 $0xFFFFC000  }
0x23: {  	[hbm4b:s6+s2] =	stream.linear.scatter [tilespmem:s12], [sflag:$0x3], $0x4000, $0x38;
	[tilespmem:$0x8100] =	vst v63  }
0x24: {  	s18 =	simm.s32 $0x10;
	s19 =	simm.s32 $0x20;
	_ =	swait.ge [sflag:s9], $0x4000  }
0x25: {  	s17 =	sadd.s32 $0x800, s5;
	s16 =	sadd.s32 $0x800, s6;
	[sflag:s9] =	ssyncset.done $0x0  }
.LBB2_2:
0x26: {  	s20 =	sadd.s32 s18, s8  }
0x27: {  	[sflag:s9] =	ssyncadd.s32 $0xFFFFC000;
	s21 =	smov.u32 s19;
	s22 =	sadd.s32 $0x10, s19  }
0x28: {  	[tilespmem:s2], [sflag:$0x3] =	stream.linear.gather [hbm4b:s20+s2], $0x80, $0x38;
	[tilespmem:$0x8100] =	vst v63  }
0x29: {  	p0 =	sne.s32 s19, $0x270;
	_ =	swait.ge [sflag:s9], $0x80  }
0x2a: {  	[sflag:s9] =	ssyncset.done $0x0  }
0x2b: {  	s19 =	sadd.s32 s18, s7;
	s18 =	smov.u32 s21;
	[sflag:s9] =	ssyncadd.s32 $0xFFFFFF80  }
0x2c: {  	[tilespmem:s10], [sflag:$0x3] =	stream.linear.gather [hbm4b:s19+s2], $0x80, $0x38;
	[tilespmem:$0x8100] =	vst v63  }
0x2d: {  	_ =	swait.ge [sflag:s9], $0x80  }
0x2e: {  	[sflag:s9] =	ssyncset.done $0x0  }
0x2f: {  	[sflag:s9] =	ssyncadd.s32 $0xFFFFFF80  }
0x30: {  	[tilespmem:s11], [sflag:$0x1] =	stream.indirect.gather [hbm4b:s3+s10], $0x80, s2, s10, $0xb8;
	[tilespmem:$0x8100] =	vst v63  }
0x31: {  	_ = 	snop  }
0x32: {  	[tilespmem:s12], [sflag:$0x2] =	stream.indirect.gather [hbm4b:s3+s10], $0x80, s10, s10, $0xb8;
	[tilespmem:$0x8100] =	vst v63  }
0x33: {  	_ =	swait.ge [sflag:s13], $0x4000  }
0x34: {  	[sflag:s13] =	ssyncset.done $0x0  }
0x35: {  	[sflag:s13] =	ssyncadd.s32 $0xFFFFC000  }
0x36: {  	[hbm4b:s17+s2] =	stream.linear.scatter [tilespmem:s11], [sflag:$0x3], $0x4000, $0x38;
	[tilespmem:$0x8100] =	vst v63  }
0x37: {  	_ =	swait.ge [sflag:s9], $0x4000  }
0x38: {  	[sflag:s9] =	ssyncset.done $0x0  }
0x39: {  	[sflag:s9] =	ssyncadd.s32 $0xFFFFC000  }
0x3a: {  	_ =	swait.ge [sflag:s14], $0x4000  }
.Ltmp0:
0x3b: {  	[sflag:s14] =	ssyncset.done $0x0;
	(pc) =	sbr.rel @p0 .LBB2_2-.Ltmp0, $4  }
0x3c: {  	[sflag:s14] =	ssyncadd.s32 $0xFFFFC000  }
0x3d: {  	[hbm4b:s16+s2] =	stream.linear.scatter [tilespmem:s12], [sflag:$0x3], $0x4000, $0x38;
	[tilespmem:$0x8100] =	vst v63  }
0x3e: {  	s19 =	smov.u32 s22;
	_ =	swait.ge [sflag:s9], $0x4000  }
0x3f: {  	s17 =	sadd.s32 $0x800, s17;
	s16 =	sadd.s32 $0x800, s16;
	[sflag:s9] =	ssyncset.done $0x0  }
0x40: {  	s19 =	sadd.s32 s18, s8;
	[sflag:s9] =	ssyncadd.s32 $0xFFFFC000  }
0x41: {  	[tilespmem:s2], [sflag:$0x3] =	stream.linear.gather [hbm4b:s19+s2], $0x80, $0x38;
	[tilespmem:$0x8100] =	vst v63  }
0x42: {  	_ =	swait.ge [sflag:s9], $0x80  }
0x43: {  	[sflag:s9] =	ssyncset.done $0x0  }
0x44: {  	s31 =	sadd.s32 s18, s7;
	[sflag:s9] =	ssyncadd.s32 $0xFFFFFF80  }
0x45: {  	[tilespmem:s10], [sflag:$0x3] =	stream.linear.gather [hbm4b:s31+s2], $0x80, $0x38;
	[tilespmem:$0x8100] =	vst v63  }
0x46: {  	_ =	swait.ge [sflag:s9], $0x80  }
0x47: {  	[sflag:s9] =	ssyncset.done $0x0  }
0x48: {  	[sflag:s9] =	ssyncadd.s32 $0xFFFFFF80  }
0x49: {  	[tilespmem:s11], [sflag:$0x1] =	stream.indirect.gather [hbm4b:s3+s10], $0x80, s2, s10, $0xb8;
	[tilespmem:$0x8100] =	vst v63  }
0x4a: {  	_ = 	snop  }
0x4b: {  	[tilespmem:s12], [sflag:$0x2] =	stream.indirect.gather [hbm4b:s3+s10], $0x80, s10, s10, $0xb8;
	[tilespmem:$0x8100] =	vst v63  }
0x4c: {  	_ =	swait.ge [sflag:s13], $0x4000  }
0x4d: {  	[sflag:s13] =	ssyncset.done $0x0  }
0x4e: {  	[sflag:s13] =	ssyncadd.s32 $0xFFFFC000  }
0x4f: {  	[hbm4b:s17+s2] =	stream.linear.scatter [tilespmem:s11], [sflag:$0x3], $0x4000, $0x38;
	[tilespmem:$0x8100] =	vst v63  }
0x50: {  	_ =	swait.ge [sflag:s9], $0x4000  }
0x51: {  	[sflag:s9] =	ssyncset.done $0x0  }
0x52: {  	[sflag:s9] =	ssyncadd.s32 $0xFFFFC000  }
0x53: {  	s15 =	sadd.s32 $0x1, s15;
	_ =	swait.ge [sflag:s14], $0x4000  }
0x54: {  	p0 =	sne.s32 s15, s4;
	[sflag:s14] =	ssyncset.done $0x0  }
.Ltmp1:
0x55: {  	[sflag:s14] =	ssyncadd.s32 $0xFFFFC000;
	(pc) =	sbr.rel @p0 .LBB2_1-.Ltmp1, $4  }
0x56: {  	[hbm4b:s16+s2] =	stream.linear.scatter [tilespmem:s12], [sflag:$0x3], $0x4000, $0x38;
	[tilespmem:$0x8100] =	vst v63  }
0x57: {  	_ =	swait.ge [sflag:s9], $0x4000  }
0x58: {  	[sflag:s9] =	ssyncset.done $0x0  }
0x59: {  	[sflag:s9] =	ssyncadd.s32 $0xFFFFC000  }
0x5a: {  	_ =	sfence.sel $0x180000  }
0x5b: {  	[bflag:$0x0] =	sbarrier.arrive $0xFFFF  }
0x5c: {  	p0 =	sne.s32 s1, $0x0;
	_ =	strace $0x90000047  }
0x5d: {  	s0 =	sadd.s32 @!p0 $0x100000, s0;
	[bflag:$0x2] =	sbarrier.arrive $0xFFFF  }
0x5e: {  	[sflag:s0] =	ssyncadd.tile.s32 @!p0 $0x1;
	_ =	shalt  }
.Lfunc_end2:
_tile_overlayer_lowered:
.L_overlay_start_2:
0x5f: {  	(tag) =	ssettag $0x2  }
0x60: {  	s0 =	rddreg [dreg:$0x0];
	s2 =	stileid.u32  }
0x61: {  	s1 =	rddreg [dreg:$0x1];
	p0 =	sne.s32 s2, $0x0  }
0x62: {  	s3 =	rddreg [dreg:$0x2];
	[bflag:$0x3] =	sbarrier.arrive $0xFFFF;
	s2 =	simm.s32 @!p0 $0x1C03  }
0x63: {  	[timem:s3], [sflag:s2] =	dma.local @!p0 [hbm:s0], s1  }
0x64: {  	s0 =	simm.s32 @!p0 $0x3  }
0x65: {  	_ =	swait.ge @!p0 [sflag:s0], s1  }
0x66: {  	s1 =	ssub.s32 @!p0 $0x0, s1;
	[sflag:s0] =	ssyncset.done @!p0 $0x0  }
0x67: {  	[sflag:s0] =	ssyncadd.s32 @!p0 s1  }
0x68: {  	[bflag:$0x3] =	sbarrier.arrive $0xFFFF  }
0x69: {  	_ =	shalt  }

// kernel: kernel.25.cloned.1.call-start
scs
__scs_entry_jumppad:
0x0: {  	(pc) =	sbr.rel $0x88, $3  }
0x1: {  	(tag) =	ssettag $0x0;
	lr =	simm.s32 $0x1  }
0x2: {  	[smem:$0x3F42] =	sst lr;
	_ =	strace $0xD0000000  }
0x3: {  	_ = 	snop  }
0x4: {  	_ = 	snop  }
0x5: {  	_ = 	snop  }
0x6: {  	_ = 	snop  }
0x7: {  	_ = 	snop  }
__scs_overlays_trampoline_lowered:
0x8: {  	[smem:$0x3F51] =	sst s0  }
0x9: {  	[smem:$0x3F52] =	sst s1  }
0xa: {  	[smem:$0x3F53] =	sst s2  }
0xb: {  	[smem:$0x3F54] =	sst s3  }
0xc: {  	[smem:$0x3F55] =	sst s4  }
0xd: {  	[smem:$0x3F56] =	sst s5  }
0xe: {  	[smem:$0x3F57] =	sst s6  }
0xf: {  	[smem:$0x3F58] =	sst s7  }
0x10: {  	[smem:$0x3F59] =	sst s8  }
0x11: {  	[smem:$0x3F5A] =	sst s9;
	s0 =	simm.s32 @!p0 $0x0  }
0x12: {  	s1 =	sld [smem:$0x3F40];
	s0 =	simm.s32 @p0 $0x1  }
0x13: {  	[smem:$0x3F5B] =	sst s0;
	s0 =	simm.s32 @!p1 $0x0  }
0x14: {  	s2 =	sld [smem:$0x3F3F];
	s0 =	simm.s32 @p1 $0x1  }
0x15: {  	[smem:$0x3F5C] =	sst s0;
	s0 =	simm.s32 @!p2 $0x0  }
0x16: {  	s3 =	sld [smem:$0x3FDB];
	s0 =	simm.s32 @p2 $0x1  }
0x17: {  	s4 =	simm.s32 $0x1BF5;
	[smem:$0x3F5E] =	sst s0  }
0x18: {  	s0 =	sld [smem:$0x3F41];
	_ =	swait.ge [sflag:s4], $0x0  }
0x19: {  	s7 =	sld [smem:$0x3F42]  }
0x1a: {  	s8 =	sadd.s32 $0xFFFFE003, lr  }
0x1b: {  	s9 =	sadd.s32 $0xFFFFFEF7, lr;
	s5 =	simm.s32 $0xFFFFFFFF;
	p2 =	slt.u32 s8, $0xFFFFF086  }
0x1c: {  	p1 =	slt.u32 s9, $0xF7A;
	s5 =	simm.s32 @!p2 $0x0  }
0x1d: {  	s5 =	simm.s32 @p1 $0x1;
	p0 =	seq.s32 s7, s2  }
0x1e: {  	s7 =	smul.u32 @!p0 $0xF7A, s2;
	p2 =	seq.s32 @!p0 s5, $0x0  }
0x1f: {  	s9 =	smul.u32 $0xF7A, s1;
	s8 =	simm.s32 @!p0 $0x1BF5;
	p2 =	por !p2, p0  }
0x20: {  	[sflag:s8] =	ssyncset.s32 @!p0 $0xFFFFF086;
	s6 =	sadd.s32 @!p0 s3, s7;
	s7 =	simm.s32 @!p0 $0x108  }
0x21: {  	s3 =	sadd.s32 s3, s9;
	s6 =	sadd.s32 @!p0 $0x88, s6;
	s7 =	simm.s32 @p2 $0x1082  }
0x22: {  	[simem:s7], [sflag:s8] =	dma.local @!p0 [hbm:s6], $0xF7A  }
0x23: {  	s9 =	sor.u32 $0xD0000000, s2;
	s6 =	simm.s32 $0x108;
	_ =	swait.ge @!p0 [sflag:s8], $0x0  }
0x24: {  	s3 =	sadd.s32 $0x88, s3;
	s6 =	simm.s32 @!p1 $0x1082;
	[sflag:s4] =	ssyncset.s32 $0xFFFFF086  }
0x25: {  	[simem:s6], [sflag:s4] =	dma.local [hbm:s3], $0xF7A  }
0x26: {  	[smem:$0x3F42] =	sst s1;
	(tag) =	ssettag s2;
	_ =	strace s9  }
0x27: {  	s1 =	sld [smem:$0x3F52]  }
0x28: {  	s2 =	sld [smem:$0x3F53]  }
0x29: {  	s4 =	sld [smem:$0x3F55]  }
0x2a: {  	p0 =	seq.s32 s5, $0x0;
	s5 =	sld [smem:$0x3F56]  }
0x2b: {  	s6 =	sld [smem:$0x3F57]  }
0x2c: {  	s7 =	sld [smem:$0x3F58]  }
0x2d: {  	s3 =	simm.s32 $0x108;
	s8 =	sld [smem:$0x3F59]  }
0x2e: {  	s3 =	simm.s32 @!p0 $0x1082;
	s9 =	sld [smem:$0x3F5A]  }
0x2f: {  	lr =	sadd.s32 s0, s3;
	s0 =	sld [smem:$0x3F51]  }
0x30: {  	s3 =	sld [smem:$0x3F54]  }
0x31: {  	[smem:$0x3F5D] =	sst s10  }
0x32: {  	s10 =	sld [smem:$0x3F5B];
	_ =	sdelay $0x3  }
0x33: {  	p0 =	seq.s32 s10, $0x1;
	s10 =	sld [smem:$0x3F5D];
	_ =	sdelay $0x3  }
0x34: {  	[smem:$0x3F5D] =	sst s10  }
0x35: {  	s10 =	sld [smem:$0x3F5C];
	_ =	sdelay $0x3  }
0x36: {  	p1 =	seq.s32 s10, $0x1;
	s10 =	sld [smem:$0x3F5D];
	_ =	sdelay $0x3  }
0x37: {  	[smem:$0x3F5D] =	sst s10  }
0x38: {  	s10 =	sld [smem:$0x3F5E]  }
0x39: {  	_ = 	snop;
	(pc) =	sbr.ind lr, $3  }
0x3a: {  	_ = 	snop  }
0x3b: {  	_ = 	snop  }
0x3c: {  	p2 =	seq.s32 s10, $0x1;
	s10 =	sld [smem:$0x3F5D]  }
0x3d: {  	_ =	shalt  }
0x3e: {  	_ =	shalt  }
0x3f: {  	_ =	shalt  }
0x40: {  	_ =	shalt  }
0x41: {  	_ =	shalt  }
0x42: {  	_ =	shalt  }
0x43: {  	_ =	shalt  }
0x44: {  	_ =	shalt  }
0x45: {  	_ =	shalt  }
0x46: {  	_ =	shalt  }
0x47: {  	_ =	shalt  }
0x48: {  	_ =	shalt  }
0x49: {  	_ =	shalt  }
0x4a: {  	_ =	shalt  }
0x4b: {  	_ =	shalt  }
0x4c: {  	_ =	shalt  }
0x4d: {  	_ =	shalt  }
0x4e: {  	_ =	shalt  }
0x4f: {  	_ =	shalt  }
0x50: {  	_ =	shalt  }
0x51: {  	_ =	shalt  }
0x52: {  	_ =	shalt  }
0x53: {  	_ =	shalt  }
0x54: {  	_ =	shalt  }
0x55: {  	_ =	shalt  }
0x56: {  	_ =	shalt  }
0x57: {  	_ =	shalt  }
0x58: {  	_ =	shalt  }
0x59: {  	_ =	shalt  }
0x5a: {  	_ =	shalt  }
0x5b: {  	_ =	shalt  }
0x5c: {  	_ =	shalt  }
0x5d: {  	_ =	shalt  }
0x5e: {  	_ =	shalt  }
0x5f: {  	_ =	shalt  }
0x60: {  	_ =	shalt  }
0x61: {  	_ =	shalt  }
0x62: {  	_ =	shalt  }
0x63: {  	_ =	shalt  }
0x64: {  	_ =	shalt  }
0x65: {  	_ =	shalt  }
0x66: {  	_ =	shalt  }
0x67: {  	_ =	shalt  }
0x68: {  	_ =	shalt  }
0x69: {  	_ =	shalt  }
0x6a: {  	_ =	shalt  }
0x6b: {  	_ =	shalt  }
0x6c: {  	_ =	shalt  }
0x6d: {  	_ =	shalt  }
0x6e: {  	_ =	shalt  }
0x6f: {  	_ =	shalt  }
0x70: {  	_ =	shalt  }
0x71: {  	_ =	shalt  }
0x72: {  	_ =	shalt  }
0x73: {  	_ =	shalt  }
0x74: {  	_ =	shalt  }
0x75: {  	_ =	shalt  }
0x76: {  	_ =	shalt  }
0x77: {  	_ =	shalt  }
0x78: {  	_ =	shalt  }
0x79: {  	_ =	shalt  }
0x7a: {  	_ =	shalt  }
0x7b: {  	_ =	shalt  }
0x7c: {  	_ =	shalt  }
0x7d: {  	_ =	shalt  }
0x7e: {  	_ =	shalt  }
0x7f: {  	_ =	shalt  }
0x80: {  	_ =	shalt  }
0x81: {  	_ =	shalt  }
0x82: {  	_ =	shalt  }
0x83: {  	_ =	shalt  }
0x84: {  	_ =	shalt  }
0x85: {  	_ =	shalt  }
0x86: {  	_ =	shalt  }
0x87: {  	_ =	shalt  }
.Lfunc_end0:
.L_simem_size_0:
called_computation.1_lowered:
.L_overlay_start_0:
0x88: {  	s2 =	sld [smem:$0x3FD9]  }
0x89: {  	s3 =	sld [smem:$0x3FFE];
	_ =	sdelay $0x1  }
0x8a: {  	s1 =	srdreg.scid  }
0x8b: {  	s0 =	sand.u32 $0x1, s1  }
0x8c: {  	s16 =	sshll.u32 s0, $0xA;
	s2 =	sadd.s32 s3, s2  }
0x8d: {  	s2 =	sadd.s32 s2, s16  }
0x8e: {  	[smem:$0x3F69] =	sst s2  }
0x8f: {  	_ = 	snop  }
0x90: {  	(tm) =	ssettm $0x1  }
0x91: {  	s17 =	sld [smem:$0x3FFB];
	_ =	sdelay $0x3  }
0x92: {  	_ =	strace s17  }
0x93: {  	s2 =	sld [smem:$0x3FFC];
	_ =	sdelay $0x3  }
0x94: {  	_ =	strace s2  }
0x95: {  	s2 =	sld [smem:$0x3FFD];
	_ =	sdelay $0x3  }
0x96: {  	_ =	strace s2  }
0x97: {  	_ =	strace $0x8FFFFFFF  }
0x98: {  	s18 =	sld [smem:$0x3FDB];
	_ =	sdelay $0x1  }
0x99: {  	s19 =	simm.s32 $_scs_section_size  }
0x9a: {  	s4 =	simm.s32 $_size__tile_overlayer_lowered;
	s5 =	simm.s32 $_tile_overlayer_lowered  }
0x9b: {  	s22 =	simm.s32 $0x1BFF;
	s21 =	sshll.u32 s5, $0x1;
	s2 =	sadd.s32 s19, s18  }
0x9c: {  	s6 =	simm.s32 $0x0;
	s20 =	sshll.u32 s4, $0x1;
	s4 =	sadd.s32 s21, s2  }
0x9d: {  	[timem:s6], [sflag:s22] =	dma.local [hbm:s4], s20  }
0x9e: {  	_ =	swait.ge [sflag:s22], s20  }
0x9f: {  	s3 =	ssub.s32 $0x0, s20;
	[sflag:s22] =	ssyncset.done $0x0  }
0xa0: {  	[sflag:s22] =	ssyncadd.s32 s3;
	_ =	sdelay $0x1  }
0xa1: {  	s23 =	simm.s32 $0x1B8B  }
0xa2: {  	_ =	swait.ge [sflag:s23], $0x1  }
0xa3: {  	[sflag:s23] =	ssyncset.done $0x0  }
0xa4: {  	s25 =	simm.s32 $0x1B8E;
	s24 =	sld [smem:$0x3FFE];
	[sflag:s23] =	ssyncadd.s32 $0xFFFFFFFF  }
0xa5: {  	s26 =	simm.s32 $execute0_lowered;
	[smem:$0x3FD2] =	sst s25  }
0xa6: {  	s4 =	sshll.u32 s26, $0x1;
	_ =	strace $0x80000049;
	[dreg:$0x1] =	wrdreg $0xFFFFFFFF  }
0xa7: {  	s28 =	simm.s32 $_size_execute0_lowered;
	s2 =	sadd.s32 s2, s4;
	[dreg:$0x0] =	wrdreg $0x0  }
0xa8: {  	s4 =	sshll.u32 s28, $0x1;
	[dreg:$0x2] =	wrdreg s2  }
0xa9: {  	[dreg:$0x3] =	wrdreg s4  }
0xaa: {  	[dreg:$0x4] =	wrdreg $0xC0  }
0xab: {  	_ =	task [dreg:s6], $0x5FFFF  }
0xac: {  	[dreg:$0x1] =	wrdreg $0xFFFFFFFF  }
0xad: {  	[dreg:$0x0] =	wrdreg $0x60  }
0xae: {  	[dreg:$0x2] =	wrdreg s24  }
0xaf: {  	[dreg:$0x3] =	wrdreg $0x40800  }
0xb0: {  	[dreg:$0x4] =	wrdreg $0x9  }
0xb1: {  	_ =	task.clear_ibuf [dreg:s6], $0x5FFFF;
	_ =	strace $0x90000049  }
0xb2: {  	s29 =	simm.s32 $0x9;
	_ =	strace $0x8000004B  }
0xb3: {  	_ =	swait.ge [sflag:s29], $0x1  }
0xb4: {  	[sflag:s29] =	ssyncadd.s32 $0xFFFFFFFF  }
0xb5: {  	_ =	strace $0x9000004B  }
0xb6: {  	_ =	sfence  }
0xb7: {  	s30 =	sld [smem:$0x0];
	_ =	sdelay $0x2  }
0xb8: {  	s31 =	sshll.u32 s1, $0xD;
	s1 =	sshrl.u32 s1, $0x2  }
0xb9: {  	s3 =	sand.u32 $0x4000, s31;
	s1 =	sadd.s32 s1, s30  }
0xba: {  	s0 =	sor.u32 s3, s0;
	s1 =	sshll.u32 s1, $0x11  }
0xbb: {  	s0 =	sor.u32 s1, s0  }
0xbc: {  	s0 =	sadd.s32 $0x8F2B, s0  }
0xbd: {  	[sflag:s0] =	ssyncadd.remote.s32 $0x1  }
0xbe: {  	_ =	sfence.sel $0xFFFF  }
0xbf: {  	[dreg:$0x0] =	wrdreg $0xFFFFFFFF;
	(pc) =	sbr.abs _section_cstart, $3  }
0xc0: {  	[dreg:$0x1] =	wrdreg $0xFFFFFFFF  }
0xc1: {  	_ =	task.clear_ibuf [dreg:s6], $0x2FFFF;
	_ =	strace $0x9FFFFFFF  }
0xc2: {  	(tm) =	ssettm $0x7FFFFFFF  }
0xc3: {  	_ =	shalt  }
tec
execute0_lowered:
.L_overlay_start_1:
0x0: {  	(tag) =	ssettag $0x1  }
0x1: {  	s0 =	stileid.u32  }
0x2: {  	s6 =	smul.u32 $0x2800, s0  }
0x3: {  	s1 =	srdreg.scid;
	s8 =	smul.u32 $0x28000, s0  }
0x4: {  	s4 =	rddreg [dreg:$0x0];
	s25 =	smul.u32 $0x14000, s0  }
0x5: {  	s2 =	rddreg [dreg:$0x1];
	s5 =	sand.u32 $0x1, s1;
	s12 =	smul.u32 $0x50000, s0  }
0x6: {  	s3 =	simm.s32 $0x0;
	s1 =	rddreg [dreg:$0x2];
	s7 =	smul.u32 $0x1400, s5  }
0x7: {  	[smem:$0x7FF] =	sst s3;
	s30 =	sshll.u32 s0, $0x6;
	s9 =	smul.u32 $0x140000, s5  }
0x8: {  	_ =	strace $0x8000004A;
	s28 =	ssub.s32 $0x2, s5;
	s31 =	smul.u32 $0x14000, s5  }
0x9: {  	s5 =	sor.u32 $0x1C01, s30;
	s8 =	sadd.s32 s8, s4;
	s26 =	sshrl.u32 s25, $0x3  }
0xa: {  	s11 =	sshrl.u32 s28, $0x1;
	s29 =	sshrl.u32 s12, $0x2;
	s12 =	simm.s32 $0x80  }
0xb: {  	s6 =	sadd.s32 s7, s6;
	s7 =	sadd.s32 s25, s9;
	s9 =	ssub.s32 s28, s11  }
0xc: {  	s13 =	sadd.s32 s29, s2;
	s8 =	sadd.s32 s31, s8;
	s11 =	simm.s32 $0x1  }
0xd: {  	s6 =	sshrl.u32 s6, $0x3;
	s7 =	sshrl.u32 s7, $0x3;
	s8 =	sadd.s32 $0x545200, s8  }
0xe: {  	s10 =	sadd.s32 s6, s4;
	s6 =	sadd.s32 s26, s4;
	s7 =	sadd.s32 s7, s4  }
0xf: {  	s4 =	sadd.s32 $0x7C5200, s6;
	s6 =	sadd.s32 $0x7ED200, s7;
	s7 =	smax.u32 s9, $0x1  }
0x10: {  	s9 =	sadd.s32 $0x13200, s10;
	s10 =	sshrl.u32 s13, $0x3;
	s13 =	simm.s32 $0x0  }
.LBB2_1:
0x11: {  	[spmem:s10], [sflag:s5] =	dma.local [hbm:s4], $0x2800  }
0x12: {  	_ =	swait.ge [sflag:s11], $0x2800  }
0x13: {  	[sflag:s11] =	ssyncset.done $0x0  }
0x14: {  	[sflag:s11] =	ssyncadd.s32 $0xFFFFD800  }
0x15: {  	s14 =	sadd.s32 $0x0, s9;
	[bflag:$0x0] =	sbarrier.arrive $0xFFFF  }
0x16: {  	[tilespmem:s3], [sflag:$0x1] =	stream.linear.gather [hbm4b:s14+s3], $0x80, $0x38;
	[tilespmem:$0x18080] =	vst v63  }
0x17: {  	_ =	swait.ge [sflag:s11], $0x80  }
0x18: {  	[sflag:s11] =	ssyncset.done $0x0  }
0x19: {  	[sflag:s11] =	ssyncadd.s32 $0xFFFFFF80  }
0x1a: {  	[tilespmem:s12], [sflag:$0x1] =	stream.linear.gather [hbm4b:s8+s3], $0x4000, $0x38;
	[tilespmem:$0x18080] =	vst v63  }
0x1b: {  	_ =	swait.ge [sflag:s11], $0x4000  }
0x1c: {  	[sflag:s11] =	ssyncset.done $0x0  }
0x1d: {  	[sflag:s11] =	ssyncadd.s32 $0xFFFFC000  }
0x1e: {  	[spmem:s2] =	stream.indirect.scatter.add.f32 [tilespmem:s12], [sflag:$0x1], $0x80, s3, s12, $0xb8;
	[tilespmem:$0x18080] =	vst v63  }
0x1f: {  	s15 =	simm.s32 $0x10;
	_ =	swait.ge [sflag:s11], $0x4000  }
0x20: {  	s16 =	simm.s32 $0x20;
	s14 =	sadd.s32 $0x800, s8;
	[sflag:s11] =	ssyncset.done $0x0  }
.LBB2_2:
0x21: {  	s17 =	sadd.s32 s15, s9  }
0x22: {  	[sflag:s11] =	ssyncadd.s32 $0xFFFFC000;
	s15 =	smov.u32 s16;
	s18 =	sadd.s32 $0x10, s16  }
0x23: {  	[tilespmem:s3], [sflag:$0x1] =	stream.linear.gather [hbm4b:s17+s3], $0x80, $0x38;
	[tilespmem:$0x18080] =	vst v63  }
0x24: {  	p0 =	sne.s32 s16, $0x270;
	_ =	swait.ge [sflag:s11], $0x80  }
0x25: {  	[sflag:s11] =	ssyncset.done $0x0  }
0x26: {  	[sflag:s11] =	ssyncadd.s32 $0xFFFFFF80  }
0x27: {  	[tilespmem:s12], [sflag:$0x1] =	stream.linear.gather [hbm4b:s14+s3], $0x4000, $0x38;
	[tilespmem:$0x18080] =	vst v63  }
0x28: {  	_ =	swait.ge [sflag:s11], $0x4000  }
.Ltmp0:
0x29: {  	[sflag:s11] =	ssyncset.done $0x0;
	(pc) =	sbr.rel @p0 .LBB2_2-.Ltmp0, $4  }
0x2a: {  	[sflag:s11] =	ssyncadd.s32 $0xFFFFC000  }
0x2b: {  	[spmem:s2] =	stream.indirect.scatter.add.f32 [tilespmem:s12], [sflag:$0x1], $0x80, s3, s12, $0xb8;
	[tilespmem:$0x18080] =	vst v63  }
0x2c: {  	_ =	swait.ge [sflag:s11], $0x4000  }
0x2d: {  	s16 =	smov.u32 s18;
	s14 =	sadd.s32 $0x800, s14;
	[sflag:s11] =	ssyncset.done $0x0  }
0x2e: {  	s15 =	sadd.s32 s15, s9;
	[sflag:s11] =	ssyncadd.s32 $0xFFFFC000  }
0x2f: {  	[tilespmem:s3], [sflag:$0x1] =	stream.linear.gather [hbm4b:s15+s3], $0x80, $0x38;
	[tilespmem:$0x18080] =	vst v63  }
0x30: {  	_ =	swait.ge [sflag:s11], $0x80  }
0x31: {  	[sflag:s11] =	ssyncset.done $0x0  }
0x32: {  	[sflag:s11] =	ssyncadd.s32 $0xFFFFFF80  }
0x33: {  	[tilespmem:s12], [sflag:$0x1] =	stream.linear.gather [hbm4b:s14+s3], $0x4000, $0x38;
	[tilespmem:$0x18080] =	vst v63  }
0x34: {  	_ =	swait.ge [sflag:s11], $0x4000  }
0x35: {  	[sflag:s11] =	ssyncset.done $0x0  }
0x36: {  	[sflag:s11] =	ssyncadd.s32 $0xFFFFC000  }
0x37: {  	[spmem:s2] =	stream.indirect.scatter.add.f32 [tilespmem:s12], [sflag:$0x1], $0x80, s3, s12, $0xb8;
	[tilespmem:$0x18080] =	vst v63  }
0x38: {  	_ =	swait.ge [sflag:s11], $0x4000  }
0x39: {  	s13 =	sadd.s32 $0x1, s13;
	[sflag:s11] =	ssyncset.done $0x0  }
0x3a: {  	p0 =	sne.s32 s13, s7;
	[sflag:s11] =	ssyncadd.s32 $0xFFFFC000  }
.Ltmp1:
0x3b: {  	[bflag:$0x0] =	sbarrier.arrive $0xFFFF;
	(pc) =	sbr.rel @p0 .LBB2_1-.Ltmp1, $4  }
0x3c: {  	[hbm:s6], [sflag:s5] =	dma.local [spmem:s10], $0x2800  }
0x3d: {  	_ =	swait.ge [sflag:s11], $0x2800  }
0x3e: {  	[sflag:s11] =	ssyncset.done $0x0  }
0x3f: {  	[sflag:s11] =	ssyncadd.s32 $0xFFFFD800  }
0x40: {  	_ =	sfence.sel $0x180000  }
0x41: {  	[bflag:$0x0] =	sbarrier.arrive $0xFFFF  }
0x42: {  	p0 =	sne.s32 s0, $0x0;
	_ =	strace $0x9000004A  }
0x43: {  	s0 =	sadd.s32 @!p0 $0x100000, s1;
	[bflag:$0x2] =	sbarrier.arrive $0xFFFF  }
0x44: {  	[sflag:s0] =	ssyncadd.tile.s32 @!p0 $0x1;
	_ =	shalt  }
.Lfunc_end2:
_tile_overlayer_lowered:
.L_overlay_start_2:
0x45: {  	(tag) =	ssettag $0x2  }
0x46: {  	s0 =	rddreg [dreg:$0x0];
	s2 =	stileid.u32  }
0x47: {  	s1 =	rddreg [dreg:$0x1];
	p0 =	sne.s32 s2, $0x0  }
0x48: {  	s3 =	rddreg [dreg:$0x2];
	[bflag:$0x3] =	sbarrier.arrive $0xFFFF;
	s2 =	simm.s32 @!p0 $0x1C01  }
0x49: {  	[timem:s3], [sflag:s2] =	dma.local @!p0 [hbm:s0], s1  }
0x4a: {  	s0 =	simm.s32 @!p0 $0x1  }
0x4b: {  	_ =	swait.ge @!p0 [sflag:s0], s1  }
0x4c: {  	s1 =	ssub.s32 @!p0 $0x0, s1;
	[sflag:s0] =	ssyncset.done @!p0 $0x0  }
0x4d: {  	[sflag:s0] =	ssyncadd.s32 @!p0 s1  }
0x4e: {  	[bflag:$0x3] =	sbarrier.arrive $0xFFFF  }
0x4f: {  	_ =	shalt  }

// kernel: kernel.28.cloned.1.call-start
scs
__scs_entry_jumppad:
0x0: {  	(pc) =	sbr.rel $0x88, $3  }
0x1: {  	(tag) =	ssettag $0x0;
	lr =	simm.s32 $0x1  }
0x2: {  	[smem:$0x3F42] =	sst lr;
	_ =	strace $0xD0000000  }
0x3: {  	_ = 	snop  }
0x4: {  	_ = 	snop  }
0x5: {  	_ = 	snop  }
0x6: {  	_ = 	snop  }
0x7: {  	_ = 	snop  }
__scs_overlays_trampoline_lowered:
0x8: {  	[smem:$0x3F51] =	sst s0  }
0x9: {  	[smem:$0x3F52] =	sst s1  }
0xa: {  	[smem:$0x3F53] =	sst s2  }
0xb: {  	[smem:$0x3F54] =	sst s3  }
0xc: {  	[smem:$0x3F55] =	sst s4  }
0xd: {  	[smem:$0x3F56] =	sst s5  }
0xe: {  	[smem:$0x3F57] =	sst s6  }
0xf: {  	[smem:$0x3F58] =	sst s7  }
0x10: {  	[smem:$0x3F59] =	sst s8  }
0x11: {  	[smem:$0x3F5A] =	sst s9;
	s0 =	simm.s32 @!p0 $0x0  }
0x12: {  	s1 =	sld [smem:$0x3F40];
	s0 =	simm.s32 @p0 $0x1  }
0x13: {  	[smem:$0x3F5B] =	sst s0;
	s0 =	simm.s32 @!p1 $0x0  }
0x14: {  	s2 =	sld [smem:$0x3F3F];
	s0 =	simm.s32 @p1 $0x1  }
0x15: {  	[smem:$0x3F5C] =	sst s0;
	s0 =	simm.s32 @!p2 $0x0  }
0x16: {  	s3 =	sld [smem:$0x3FDB];
	s0 =	simm.s32 @p2 $0x1  }
0x17: {  	s4 =	simm.s32 $0x1BF5;
	[smem:$0x3F5E] =	sst s0  }
0x18: {  	s0 =	sld [smem:$0x3F41];
	_ =	swait.ge [sflag:s4], $0x0  }
0x19: {  	s7 =	sld [smem:$0x3F42]  }
0x1a: {  	s8 =	sadd.s32 $0xFFFFE003, lr  }
0x1b: {  	s9 =	sadd.s32 $0xFFFFFEF7, lr;
	s5 =	simm.s32 $0xFFFFFFFF;
	p2 =	slt.u32 s8, $0xFFFFF086  }
0x1c: {  	p1 =	slt.u32 s9, $0xF7A;
	s5 =	simm.s32 @!p2 $0x0  }
0x1d: {  	s5 =	simm.s32 @p1 $0x1;
	p0 =	seq.s32 s7, s2  }
0x1e: {  	s7 =	smul.u32 @!p0 $0xF7A, s2;
	p2 =	seq.s32 @!p0 s5, $0x0  }
0x1f: {  	s9 =	smul.u32 $0xF7A, s1;
	s8 =	simm.s32 @!p0 $0x1BF5;
	p2 =	por !p2, p0  }
0x20: {  	[sflag:s8] =	ssyncset.s32 @!p0 $0xFFFFF086;
	s6 =	sadd.s32 @!p0 s3, s7;
	s7 =	simm.s32 @!p0 $0x108  }
0x21: {  	s3 =	sadd.s32 s3, s9;
	s6 =	sadd.s32 @!p0 $0x88, s6;
	s7 =	simm.s32 @p2 $0x1082  }
0x22: {  	[simem:s7], [sflag:s8] =	dma.local @!p0 [hbm:s6], $0xF7A  }
0x23: {  	s9 =	sor.u32 $0xD0000000, s2;
	s6 =	simm.s32 $0x108;
	_ =	swait.ge @!p0 [sflag:s8], $0x0  }
0x24: {  	s3 =	sadd.s32 $0x88, s3;
	s6 =	simm.s32 @!p1 $0x1082;
	[sflag:s4] =	ssyncset.s32 $0xFFFFF086  }
0x25: {  	[simem:s6], [sflag:s4] =	dma.local [hbm:s3], $0xF7A  }
0x26: {  	[smem:$0x3F42] =	sst s1;
	(tag) =	ssettag s2;
	_ =	strace s9  }
0x27: {  	s1 =	sld [smem:$0x3F52]  }
0x28: {  	s2 =	sld [smem:$0x3F53]  }
0x29: {  	s4 =	sld [smem:$0x3F55]  }
0x2a: {  	p0 =	seq.s32 s5, $0x0;
	s5 =	sld [smem:$0x3F56]  }
0x2b: {  	s6 =	sld [smem:$0x3F57]  }
0x2c: {  	s7 =	sld [smem:$0x3F58]  }
0x2d: {  	s3 =	simm.s32 $0x108;
	s8 =	sld [smem:$0x3F59]  }
0x2e: {  	s3 =	simm.s32 @!p0 $0x1082;
	s9 =	sld [smem:$0x3F5A]  }
0x2f: {  	lr =	sadd.s32 s0, s3;
	s0 =	sld [smem:$0x3F51]  }
0x30: {  	s3 =	sld [smem:$0x3F54]  }
0x31: {  	[smem:$0x3F5D] =	sst s10  }
0x32: {  	s10 =	sld [smem:$0x3F5B];
	_ =	sdelay $0x3  }
0x33: {  	p0 =	seq.s32 s10, $0x1;
	s10 =	sld [smem:$0x3F5D];
	_ =	sdelay $0x3  }
0x34: {  	[smem:$0x3F5D] =	sst s10  }
0x35: {  	s10 =	sld [smem:$0x3F5C];
	_ =	sdelay $0x3  }
0x36: {  	p1 =	seq.s32 s10, $0x1;
	s10 =	sld [smem:$0x3F5D];
	_ =	sdelay $0x3  }
0x37: {  	[smem:$0x3F5D] =	sst s10  }
0x38: {  	s10 =	sld [smem:$0x3F5E]  }
0x39: {  	_ = 	snop;
	(pc) =	sbr.ind lr, $3  }
0x3a: {  	_ = 	snop  }
0x3b: {  	_ = 	snop  }
0x3c: {  	p2 =	seq.s32 s10, $0x1;
	s10 =	sld [smem:$0x3F5D]  }
0x3d: {  	_ =	shalt  }
0x3e: {  	_ =	shalt  }
0x3f: {  	_ =	shalt  }
0x40: {  	_ =	shalt  }
0x41: {  	_ =	shalt  }
0x42: {  	_ =	shalt  }
0x43: {  	_ =	shalt  }
0x44: {  	_ =	shalt  }
0x45: {  	_ =	shalt  }
0x46: {  	_ =	shalt  }
0x47: {  	_ =	shalt  }
0x48: {  	_ =	shalt  }
0x49: {  	_ =	shalt  }
0x4a: {  	_ =	shalt  }
0x4b: {  	_ =	shalt  }
0x4c: {  	_ =	shalt  }
0x4d: {  	_ =	shalt  }
0x4e: {  	_ =	shalt  }
0x4f: {  	_ =	shalt  }
0x50: {  	_ =	shalt  }
0x51: {  	_ =	shalt  }
0x52: {  	_ =	shalt  }
0x53: {  	_ =	shalt  }
0x54: {  	_ =	shalt  }
0x55: {  	_ =	shalt  }
0x56: {  	_ =	shalt  }
0x57: {  	_ =	shalt  }
0x58: {  	_ =	shalt  }
0x59: {  	_ =	shalt  }
0x5a: {  	_ =	shalt  }
0x5b: {  	_ =	shalt  }
0x5c: {  	_ =	shalt  }
0x5d: {  	_ =	shalt  }
0x5e: {  	_ =	shalt  }
0x5f: {  	_ =	shalt  }
0x60: {  	_ =	shalt  }
0x61: {  	_ =	shalt  }
0x62: {  	_ =	shalt  }
0x63: {  	_ =	shalt  }
0x64: {  	_ =	shalt  }
0x65: {  	_ =	shalt  }
0x66: {  	_ =	shalt  }
0x67: {  	_ =	shalt  }
0x68: {  	_ =	shalt  }
0x69: {  	_ =	shalt  }
0x6a: {  	_ =	shalt  }
0x6b: {  	_ =	shalt  }
0x6c: {  	_ =	shalt  }
0x6d: {  	_ =	shalt  }
0x6e: {  	_ =	shalt  }
0x6f: {  	_ =	shalt  }
0x70: {  	_ =	shalt  }
0x71: {  	_ =	shalt  }
0x72: {  	_ =	shalt  }
0x73: {  	_ =	shalt  }
0x74: {  	_ =	shalt  }
0x75: {  	_ =	shalt  }
0x76: {  	_ =	shalt  }
0x77: {  	_ =	shalt  }
0x78: {  	_ =	shalt  }
0x79: {  	_ =	shalt  }
0x7a: {  	_ =	shalt  }
0x7b: {  	_ =	shalt  }
0x7c: {  	_ =	shalt  }
0x7d: {  	_ =	shalt  }
0x7e: {  	_ =	shalt  }
0x7f: {  	_ =	shalt  }
0x80: {  	_ =	shalt  }
0x81: {  	_ =	shalt  }
0x82: {  	_ =	shalt  }
0x83: {  	_ =	shalt  }
0x84: {  	_ =	shalt  }
0x85: {  	_ =	shalt  }
0x86: {  	_ =	shalt  }
0x87: {  	_ =	shalt  }
.Lfunc_end0:
.L_simem_size_0:
called_computation.2_lowered:
.L_overlay_start_0:
0x88: {  	s2 =	sld [smem:$0x3FD9]  }
0x89: {  	s3 =	sld [smem:$0x3FFE];
	_ =	sdelay $0x1  }
0x8a: {  	s1 =	srdreg.scid  }
0x8b: {  	s0 =	sand.u32 $0x1, s1  }
0x8c: {  	s16 =	sshll.u32 s0, $0xA;
	s2 =	sadd.s32 s3, s2  }
0x8d: {  	s2 =	sadd.s32 s2, s16  }
0x8e: {  	[smem:$0x3F69] =	sst s2  }
0x8f: {  	_ = 	snop  }
0x90: {  	(tm) =	ssettm $0x1  }
0x91: {  	s17 =	sld [smem:$0x3FFB];
	_ =	sdelay $0x3  }
0x92: {  	_ =	strace s17  }
0x93: {  	s2 =	sld [smem:$0x3FFC];
	_ =	sdelay $0x3  }
0x94: {  	_ =	strace s2  }
0x95: {  	s2 =	sld [smem:$0x3FFD];
	_ =	sdelay $0x3  }
0x96: {  	_ =	strace s2  }
0x97: {  	_ =	strace $0x8FFFFFFF  }
0x98: {  	s18 =	sld [smem:$0x3FDB];
	_ =	sdelay $0x1  }
0x99: {  	s19 =	simm.s32 $_scs_section_size  }
0x9a: {  	s4 =	simm.s32 $_size__tile_overlayer_lowered;
	s5 =	simm.s32 $_tile_overlayer_lowered  }
0x9b: {  	s22 =	simm.s32 $0x1BFF;
	s21 =	sshll.u32 s5, $0x1;
	s2 =	sadd.s32 s19, s18  }
0x9c: {  	s6 =	simm.s32 $0x0;
	s20 =	sshll.u32 s4, $0x1;
	s4 =	sadd.s32 s21, s2  }
0x9d: {  	[timem:s6], [sflag:s22] =	dma.local [hbm:s4], s20  }
0x9e: {  	_ =	swait.ge [sflag:s22], s20  }
0x9f: {  	s3 =	ssub.s32 $0x0, s20;
	[sflag:s22] =	ssyncset.done $0x0  }
0xa0: {  	[sflag:s22] =	ssyncadd.s32 s3;
	_ =	sdelay $0x1  }
0xa1: {  	s23 =	simm.s32 $0x1B8B  }
0xa2: {  	_ =	swait.ge [sflag:s23], $0x1  }
0xa3: {  	[sflag:s23] =	ssyncset.done $0x0  }
0xa4: {  	s25 =	simm.s32 $0x1B8E;
	s24 =	sld [smem:$0x3FFE];
	[sflag:s23] =	ssyncadd.s32 $0xFFFFFFFF  }
0xa5: {  	s26 =	simm.s32 $execute0_lowered;
	[smem:$0x3FD2] =	sst s25  }
0xa6: {  	s4 =	sshll.u32 s26, $0x1;
	_ =	strace $0x8000004C;
	[dreg:$0x1] =	wrdreg $0xFFFFFFFF  }
0xa7: {  	s28 =	simm.s32 $_size_execute0_lowered;
	s2 =	sadd.s32 s2, s4;
	[dreg:$0x0] =	wrdreg $0x0  }
0xa8: {  	s4 =	sshll.u32 s28, $0x1;
	[dreg:$0x2] =	wrdreg s2  }
0xa9: {  	[dreg:$0x3] =	wrdreg s4  }
0xaa: {  	[dreg:$0x4] =	wrdreg $0xC0  }
0xab: {  	_ =	task [dreg:s6], $0x5FFFF  }
0xac: {  	[dreg:$0x1] =	wrdreg $0xFFFFFFFF  }
0xad: {  	[dreg:$0x0] =	wrdreg $0x60  }
0xae: {  	[dreg:$0x2] =	wrdreg s24  }
0xaf: {  	[dreg:$0x3] =	wrdreg $0x9  }
0xb0: {  	_ =	task.clear_ibuf [dreg:s6], $0x4FFFF;
	_ =	strace $0x9000004C  }
0xb1: {  	s29 =	simm.s32 $0x9;
	_ =	strace $0x8000004E  }
0xb2: {  	_ =	swait.ge [sflag:s29], $0x1  }
0xb3: {  	[sflag:s29] =	ssyncadd.s32 $0xFFFFFFFF  }
0xb4: {  	_ =	strace $0x9000004E  }
0xb5: {  	_ =	sfence  }
0xb6: {  	s30 =	sld [smem:$0x0];
	_ =	sdelay $0x2  }
0xb7: {  	s31 =	sshll.u32 s1, $0xD;
	s1 =	sshrl.u32 s1, $0x2  }
0xb8: {  	s3 =	sand.u32 $0x4000, s31;
	s1 =	sadd.s32 s1, s30  }
0xb9: {  	s0 =	sor.u32 s3, s0;
	s1 =	sshll.u32 s1, $0x11  }
0xba: {  	s0 =	sor.u32 s1, s0  }
0xbb: {  	s0 =	sadd.s32 $0x8F2B, s0  }
0xbc: {  	[sflag:s0] =	ssyncadd.remote.s32 $0x1  }
0xbd: {  	_ =	sfence.sel $0xFFFF  }
0xbe: {  	[dreg:$0x0] =	wrdreg $0xFFFFFFFF;
	(pc) =	sbr.abs _section_cstart, $3  }
0xbf: {  	[dreg:$0x1] =	wrdreg $0xFFFFFFFF  }
0xc0: {  	_ =	task.clear_ibuf [dreg:s6], $0x2FFFF;
	_ =	strace $0x9FFFFFFF  }
0xc1: {  	(tm) =	ssettm $0x7FFFFFFF  }
tec
execute0_lowered:
.L_overlay_start_1:
0x0: {  	(tag) =	ssettag $0x1  }
0x1: {  	s4 =	rddreg [dreg:$0x0]  }
0x2: {  	s0 =	rddreg [dreg:$0x1];
	s2 =	simm.s32 $0x0  }
0x3: {  	s3 =	srdreg.scid;
	s1 =	stileid.u32;
	s11 =	simm.s32 $0x100  }
0x4: {  	s12 =	simm.s32 $0x4100;
	s13 =	simm.s32 $0x1;
	s6 =	smul.u32 $0x2800, s1  }
0x5: {  	s14 =	simm.s32 $0x2;
	s5 =	sand.u32 $0x1, s3;
	s8 =	smul.u32 $0x28000, s1  }
0x6: {  	s15 =	simm.s32 $0x0;
	[smem:$0x7FF] =	sst s2;
	s7 =	smul.u32 $0x1400, s5  }
0x7: {  	s3 =	sadd.s32 $0x7ED200, s4;
	s29 =	ssub.s32 $0x2, s5;
	s5 =	smul.u32 $0x14000, s5  }
0x8: {  	_ =	strace $0x8000004D;
	s8 =	sadd.s32 s8, s4;
	s9 =	sshrl.u32 s29, $0x1  }
0x9: {  	s6 =	sadd.s32 s7, s6;
	s30 =	ssub.s32 s29, s9;
	s31 =	sadd.s32 s5, s8  }
0xa: {  	s9 =	simm.s32 $0x3;
	s6 =	sshrl.u32 s6, $0x3;
	s5 =	sadd.s32 $0x815200, s31  }
0xb: {  	s10 =	sadd.s32 s6, s4;
	s4 =	smax.u32 s30, $0x1;
	s6 =	sadd.s32 $0x1D200, s31  }
0xc: {  	s7 =	sadd.s32 $0x13200, s10;
	s8 =	sadd.s32 $0x18200, s10;
	s10 =	simm.s32 $0x80  }
.LBB2_1:
0xd: {  	s16 =	sadd.s32 $0x0, s8  }
0xe: {  	[tilespmem:s2], [sflag:$0x3] =	stream.linear.gather [hbm4b:s16+s2], $0x80, $0x38;
	[tilespmem:$0x8100] =	vst v63  }
0xf: {  	_ =	swait.ge [sflag:s9], $0x80  }
0x10: {  	[sflag:s9] =	ssyncset.done $0x0  }
0x11: {  	s31 =	sadd.s32 $0x0, s7;
	[sflag:s9] =	ssyncadd.s32 $0xFFFFFF80  }
0x12: {  	[tilespmem:s10], [sflag:$0x3] =	stream.linear.gather [hbm4b:s31+s2], $0x80, $0x38;
	[tilespmem:$0x8100] =	vst v63  }
0x13: {  	_ =	swait.ge [sflag:s9], $0x80  }
0x14: {  	[sflag:s9] =	ssyncset.done $0x0  }
0x15: {  	[sflag:s9] =	ssyncadd.s32 $0xFFFFFF80  }
0x16: {  	[tilespmem:s11], [sflag:$0x1] =	stream.indirect.gather [hbm4b:s3+s10], $0x80, s2, s10, $0xb8;
	[tilespmem:$0x8100] =	vst v63  }
0x17: {  	_ = 	snop  }
0x18: {  	[tilespmem:s12], [sflag:$0x2] =	stream.indirect.gather [hbm4b:s3+s10], $0x80, s10, s10, $0xb8;
	[tilespmem:$0x8100] =	vst v63  }
0x19: {  	_ =	swait.ge [sflag:s13], $0x4000  }
0x1a: {  	[sflag:s13] =	ssyncset.done $0x0  }
0x1b: {  	[sflag:s13] =	ssyncadd.s32 $0xFFFFC000  }
0x1c: {  	[hbm4b:s5+s2] =	stream.linear.scatter [tilespmem:s11], [sflag:$0x3], $0x4000, $0x38;
	[tilespmem:$0x8100] =	vst v63  }
0x1d: {  	_ =	swait.ge [sflag:s9], $0x4000  }
0x1e: {  	[sflag:s9] =	ssyncset.done $0x0  }
0x1f: {  	[sflag:s9] =	ssyncadd.s32 $0xFFFFC000  }
0x20: {  	_ =	swait.ge [sflag:s14], $0x4000  }
0x21: {  	[sflag:s14] =	ssyncset.done $0x0  }
0x22: {  	[sflag:s14] =	ssyncadd.s32 $0xFFFFC000  }
0x23: {  	[hbm4b:s6+s2] =	stream.linear.scatter [tilespmem:s12], [sflag:$0x3], $0x4000, $0x38;
	[tilespmem:$0x8100] =	vst v63  }
0x24: {  	s18 =	simm.s32 $0x10;
	s19 =	simm.s32 $0x20;
	_ =	swait.ge [sflag:s9], $0x4000  }
0x25: {  	s17 =	sadd.s32 $0x800, s5;
	s16 =	sadd.s32 $0x800, s6;
	[sflag:s9] =	ssyncset.done $0x0  }
.LBB2_2:
0x26: {  	s20 =	sadd.s32 s18, s8  }
0x27: {  	[sflag:s9] =	ssyncadd.s32 $0xFFFFC000;
	s21 =	smov.u32 s19;
	s22 =	sadd.s32 $0x10, s19  }
0x28: {  	[tilespmem:s2], [sflag:$0x3] =	stream.linear.gather [hbm4b:s20+s2], $0x80, $0x38;
	[tilespmem:$0x8100] =	vst v63  }
0x29: {  	p0 =	sne.s32 s19, $0x270;
	_ =	swait.ge [sflag:s9], $0x80  }
0x2a: {  	[sflag:s9] =	ssyncset.done $0x0  }
0x2b: {  	s19 =	sadd.s32 s18, s7;
	s18 =	smov.u32 s21;
	[sflag:s9] =	ssyncadd.s32 $0xFFFFFF80  }
0x2c: {  	[tilespmem:s10], [sflag:$0x3] =	stream.linear.gather [hbm4b:s19+s2], $0x80, $0x38;
	[tilespmem:$0x8100] =	vst v63  }
0x2d: {  	_ =	swait.ge [sflag:s9], $0x80  }
0x2e: {  	[sflag:s9] =	ssyncset.done $0x0  }
0x2f: {  	[sflag:s9] =	ssyncadd.s32 $0xFFFFFF80  }
0x30: {  	[tilespmem:s11], [sflag:$0x1] =	stream.indirect.gather [hbm4b:s3+s10], $0x80, s2, s10, $0xb8;
	[tilespmem:$0x8100] =	vst v63  }
0x31: {  	_ = 	snop  }
0x32: {  	[tilespmem:s12], [sflag:$0x2] =	stream.indirect.gather [hbm4b:s3+s10], $0x80, s10, s10, $0xb8;
	[tilespmem:$0x8100] =	vst v63  }
0x33: {  	_ =	swait.ge [sflag:s13], $0x4000  }
0x34: {  	[sflag:s13] =	ssyncset.done $0x0  }
0x35: {  	[sflag:s13] =	ssyncadd.s32 $0xFFFFC000  }
0x36: {  	[hbm4b:s17+s2] =	stream.linear.scatter [tilespmem:s11], [sflag:$0x3], $0x4000, $0x38;
	[tilespmem:$0x8100] =	vst v63  }
0x37: {  	_ =	swait.ge [sflag:s9], $0x4000  }
0x38: {  	[sflag:s9] =	ssyncset.done $0x0  }
0x39: {  	[sflag:s9] =	ssyncadd.s32 $0xFFFFC000  }
0x3a: {  	_ =	swait.ge [sflag:s14], $0x4000  }
.Ltmp0:
0x3b: {  	[sflag:s14] =	ssyncset.done $0x0;
	(pc) =	sbr.rel @p0 .LBB2_2-.Ltmp0, $4  }
0x3c: {  	[sflag:s14] =	ssyncadd.s32 $0xFFFFC000  }
0x3d: {  	[hbm4b:s16+s2] =	stream.linear.scatter [tilespmem:s12], [sflag:$0x3], $0x4000, $0x38;
	[tilespmem:$0x8100] =	vst v63  }
0x3e: {  	s19 =	smov.u32 s22;
	_ =	swait.ge [sflag:s9], $0x4000  }
0x3f: {  	s17 =	sadd.s32 $0x800, s17;
	s16 =	sadd.s32 $0x800, s16;
	[sflag:s9] =	ssyncset.done $0x0  }
0x40: {  	s19 =	sadd.s32 s18, s8;
	[sflag:s9] =	ssyncadd.s32 $0xFFFFC000  }
0x41: {  	[tilespmem:s2], [sflag:$0x3] =	stream.linear.gather [hbm4b:s19+s2], $0x80, $0x38;
	[tilespmem:$0x8100] =	vst v63  }
0x42: {  	_ =	swait.ge [sflag:s9], $0x80  }
0x43: {  	[sflag:s9] =	ssyncset.done $0x0  }
0x44: {  	s31 =	sadd.s32 s18, s7;
	[sflag:s9] =	ssyncadd.s32 $0xFFFFFF80  }
0x45: {  	[tilespmem:s10], [sflag:$0x3] =	stream.linear.gather [hbm4b:s31+s2], $0x80, $0x38;
	[tilespmem:$0x8100] =	vst v63  }
0x46: {  	_ =	swait.ge [sflag:s9], $0x80  }
0x47: {  	[sflag:s9] =	ssyncset.done $0x0  }
0x48: {  	[sflag:s9] =	ssyncadd.s32 $0xFFFFFF80  }
0x49: {  	[tilespmem:s11], [sflag:$0x1] =	stream.indirect.gather [hbm4b:s3+s10], $0x80, s2, s10, $0xb8;
	[tilespmem:$0x8100] =	vst v63  }
0x4a: {  	_ = 	snop  }
0x4b: {  	[tilespmem:s12], [sflag:$0x2] =	stream.indirect.gather [hbm4b:s3+s10], $0x80, s10, s10, $0xb8;
	[tilespmem:$0x8100] =	vst v63  }
0x4c: {  	_ =	swait.ge [sflag:s13], $0x4000  }
0x4d: {  	[sflag:s13] =	ssyncset.done $0x0  }
0x4e: {  	[sflag:s13] =	ssyncadd.s32 $0xFFFFC000  }
0x4f: {  	[hbm4b:s17+s2] =	stream.linear.scatter [tilespmem:s11], [sflag:$0x3], $0x4000, $0x38;
	[tilespmem:$0x8100] =	vst v63  }
0x50: {  	_ =	swait.ge [sflag:s9], $0x4000  }
0x51: {  	[sflag:s9] =	ssyncset.done $0x0  }
0x52: {  	[sflag:s9] =	ssyncadd.s32 $0xFFFFC000  }
0x53: {  	s15 =	sadd.s32 $0x1, s15;
	_ =	swait.ge [sflag:s14], $0x4000  }
0x54: {  	p0 =	sne.s32 s15, s4;
	[sflag:s14] =	ssyncset.done $0x0  }
.Ltmp1:
0x55: {  	[sflag:s14] =	ssyncadd.s32 $0xFFFFC000;
	(pc) =	sbr.rel @p0 .LBB2_1-.Ltmp1, $4  }
0x56: {  	[hbm4b:s16+s2] =	stream.linear.scatter [tilespmem:s12], [sflag:$0x3], $0x4000, $0x38;
	[tilespmem:$0x8100] =	vst v63  }
0x57: {  	_ =	swait.ge [sflag:s9], $0x4000  }
0x58: {  	[sflag:s9] =	ssyncset.done $0x0  }
0x59: {  	[sflag:s9] =	ssyncadd.s32 $0xFFFFC000  }
0x5a: {  	_ =	sfence.sel $0x180000  }
0x5b: {  	[bflag:$0x0] =	sbarrier.arrive $0xFFFF  }
0x5c: {  	p0 =	sne.s32 s1, $0x0;
	_ =	strace $0x9000004D  }
0x5d: {  	s0 =	sadd.s32 @!p0 $0x100000, s0;
	[bflag:$0x2] =	sbarrier.arrive $0xFFFF  }
0x5e: {  	[sflag:s0] =	ssyncadd.tile.s32 @!p0 $0x1;
	_ =	shalt  }
.Lfunc_end2:
_tile_overlayer_lowered:
.L_overlay_start_2:
0x5f: {  	(tag) =	ssettag $0x2  }
0x60: {  	s0 =	rddreg [dreg:$0x0];
	s2 =	stileid.u32  }
0x61: {  	s1 =	rddreg [dreg:$0x1];
	p0 =	sne.s32 s2, $0x0  }
0x62: {  	s3 =	rddreg [dreg:$0x2];
	[bflag:$0x3] =	sbarrier.arrive $0xFFFF;
	s2 =	simm.s32 @!p0 $0x1C03  }
0x63: {  	[timem:s3], [sflag:s2] =	dma.local @!p0 [hbm:s0], s1  }
0x64: {  	s0 =	simm.s32 @!p0 $0x3  }
0x65: {  	_ =	swait.ge @!p0 [sflag:s0], s1  }
0x66: {  	s1 =	ssub.s32 @!p0 $0x0, s1;
	[sflag:s0] =	ssyncset.done @!p0 $0x0  }
0x67: {  	[sflag:s0] =	ssyncadd.s32 @!p0 s1  }
0x68: {  	[bflag:$0x3] =	sbarrier.arrive $0xFFFF  }
0x69: {  	_ =	shalt  }

// kernel: kernel.31.cloned.1.call-start
scs
__scs_entry_jumppad:
0x0: {  	(pc) =	sbr.rel $0x88, $3  }
0x1: {  	(tag) =	ssettag $0x0;
	lr =	simm.s32 $0x1  }
0x2: {  	[smem:$0x3F42] =	sst lr;
	_ =	strace $0xD0000000  }
0x3: {  	_ = 	snop  }
0x4: {  	_ = 	snop  }
0x5: {  	_ = 	snop  }
0x6: {  	_ = 	snop  }
0x7: {  	_ = 	snop  }
__scs_overlays_trampoline_lowered:
0x8: {  	[smem:$0x3F51] =	sst s0  }
0x9: {  	[smem:$0x3F52] =	sst s1  }
0xa: {  	[smem:$0x3F53] =	sst s2  }
0xb: {  	[smem:$0x3F54] =	sst s3  }
0xc: {  	[smem:$0x3F55] =	sst s4  }
0xd: {  	[smem:$0x3F56] =	sst s5  }
0xe: {  	[smem:$0x3F57] =	sst s6  }
0xf: {  	[smem:$0x3F58] =	sst s7  }
0x10: {  	[smem:$0x3F59] =	sst s8  }
0x11: {  	[smem:$0x3F5A] =	sst s9;
	s0 =	simm.s32 @!p0 $0x0  }
0x12: {  	s1 =	sld [smem:$0x3F40];
	s0 =	simm.s32 @p0 $0x1  }
0x13: {  	[smem:$0x3F5B] =	sst s0;
	s0 =	simm.s32 @!p1 $0x0  }
0x14: {  	s2 =	sld [smem:$0x3F3F];
	s0 =	simm.s32 @p1 $0x1  }
0x15: {  	[smem:$0x3F5C] =	sst s0;
	s0 =	simm.s32 @!p2 $0x0  }
0x16: {  	s3 =	sld [smem:$0x3FDB];
	s0 =	simm.s32 @p2 $0x1  }
0x17: {  	s4 =	simm.s32 $0x1BF5;
	[smem:$0x3F5E] =	sst s0  }
0x18: {  	s0 =	sld [smem:$0x3F41];
	_ =	swait.ge [sflag:s4], $0x0  }
0x19: {  	s7 =	sld [smem:$0x3F42]  }
0x1a: {  	s8 =	sadd.s32 $0xFFFFE003, lr  }
0x1b: {  	s9 =	sadd.s32 $0xFFFFFEF7, lr;
	s5 =	simm.s32 $0xFFFFFFFF;
	p2 =	slt.u32 s8, $0xFFFFF086  }
0x1c: {  	p1 =	slt.u32 s9, $0xF7A;
	s5 =	simm.s32 @!p2 $0x0  }
0x1d: {  	s5 =	simm.s32 @p1 $0x1;
	p0 =	seq.s32 s7, s2  }
0x1e: {  	s7 =	smul.u32 @!p0 $0xF7A, s2;
	p2 =	seq.s32 @!p0 s5, $0x0  }
0x1f: {  	s9 =	smul.u32 $0xF7A, s1;
	s8 =	simm.s32 @!p0 $0x1BF5;
	p2 =	por !p2, p0  }
0x20: {  	[sflag:s8] =	ssyncset.s32 @!p0 $0xFFFFF086;
	s6 =	sadd.s32 @!p0 s3, s7;
	s7 =	simm.s32 @!p0 $0x108  }
0x21: {  	s3 =	sadd.s32 s3, s9;
	s6 =	sadd.s32 @!p0 $0x88, s6;
	s7 =	simm.s32 @p2 $0x1082  }
0x22: {  	[simem:s7], [sflag:s8] =	dma.local @!p0 [hbm:s6], $0xF7A  }
0x23: {  	s9 =	sor.u32 $0xD0000000, s2;
	s6 =	simm.s32 $0x108;
	_ =	swait.ge @!p0 [sflag:s8], $0x0  }
0x24: {  	s3 =	sadd.s32 $0x88, s3;
	s6 =	simm.s32 @!p1 $0x1082;
	[sflag:s4] =	ssyncset.s32 $0xFFFFF086  }
0x25: {  	[simem:s6], [sflag:s4] =	dma.local [hbm:s3], $0xF7A  }
0x26: {  	[smem:$0x3F42] =	sst s1;
	(tag) =	ssettag s2;
	_ =	strace s9  }
0x27: {  	s1 =	sld [smem:$0x3F52]  }
0x28: {  	s2 =	sld [smem:$0x3F53]  }
0x29: {  	s4 =	sld [smem:$0x3F55]  }
0x2a: {  	p0 =	seq.s32 s5, $0x0;
	s5 =	sld [smem:$0x3F56]  }
0x2b: {  	s6 =	sld [smem:$0x3F57]  }
0x2c: {  	s7 =	sld [smem:$0x3F58]  }
0x2d: {  	s3 =	simm.s32 $0x108;
	s8 =	sld [smem:$0x3F59]  }
0x2e: {  	s3 =	simm.s32 @!p0 $0x1082;
	s9 =	sld [smem:$0x3F5A]  }
0x2f: {  	lr =	sadd.s32 s0, s3;
	s0 =	sld [smem:$0x3F51]  }
0x30: {  	s3 =	sld [smem:$0x3F54]  }
0x31: {  	[smem:$0x3F5D] =	sst s10  }
0x32: {  	s10 =	sld [smem:$0x3F5B];
	_ =	sdelay $0x3  }
0x33: {  	p0 =	seq.s32 s10, $0x1;
	s10 =	sld [smem:$0x3F5D];
	_ =	sdelay $0x3  }
0x34: {  	[smem:$0x3F5D] =	sst s10  }
0x35: {  	s10 =	sld [smem:$0x3F5C];
	_ =	sdelay $0x3  }
0x36: {  	p1 =	seq.s32 s10, $0x1;
	s10 =	sld [smem:$0x3F5D];
	_ =	sdelay $0x3  }
0x37: {  	[smem:$0x3F5D] =	sst s10  }
0x38: {  	s10 =	sld [smem:$0x3F5E]  }
0x39: {  	_ = 	snop;
	(pc) =	sbr.ind lr, $3  }
0x3a: {  	_ = 	snop  }
0x3b: {  	_ = 	snop  }
0x3c: {  	p2 =	seq.s32 s10, $0x1;
	s10 =	sld [smem:$0x3F5D]  }
0x3d: {  	_ =	shalt  }
0x3e: {  	_ =	shalt  }
0x3f: {  	_ =	shalt  }
0x40: {  	_ =	shalt  }
0x41: {  	_ =	shalt  }
0x42: {  	_ =	shalt  }
0x43: {  	_ =	shalt  }
0x44: {  	_ =	shalt  }
0x45: {  	_ =	shalt  }
0x46: {  	_ =	shalt  }
0x47: {  	_ =	shalt  }
0x48: {  	_ =	shalt  }
0x49: {  	_ =	shalt  }
0x4a: {  	_ =	shalt  }
0x4b: {  	_ =	shalt  }
0x4c: {  	_ =	shalt  }
0x4d: {  	_ =	shalt  }
0x4e: {  	_ =	shalt  }
0x4f: {  	_ =	shalt  }
0x50: {  	_ =	shalt  }
0x51: {  	_ =	shalt  }
0x52: {  	_ =	shalt  }
0x53: {  	_ =	shalt  }
0x54: {  	_ =	shalt  }
0x55: {  	_ =	shalt  }
0x56: {  	_ =	shalt  }
0x57: {  	_ =	shalt  }
0x58: {  	_ =	shalt  }
0x59: {  	_ =	shalt  }
0x5a: {  	_ =	shalt  }
0x5b: {  	_ =	shalt  }
0x5c: {  	_ =	shalt  }
0x5d: {  	_ =	shalt  }
0x5e: {  	_ =	shalt  }
0x5f: {  	_ =	shalt  }
0x60: {  	_ =	shalt  }
0x61: {  	_ =	shalt  }
0x62: {  	_ =	shalt  }
0x63: {  	_ =	shalt  }
0x64: {  	_ =	shalt  }
0x65: {  	_ =	shalt  }
0x66: {  	_ =	shalt  }
0x67: {  	_ =	shalt  }
0x68: {  	_ =	shalt  }
0x69: {  	_ =	shalt  }
0x6a: {  	_ =	shalt  }
0x6b: {  	_ =	shalt  }
0x6c: {  	_ =	shalt  }
0x6d: {  	_ =	shalt  }
0x6e: {  	_ =	shalt  }
0x6f: {  	_ =	shalt  }
0x70: {  	_ =	shalt  }
0x71: {  	_ =	shalt  }
0x72: {  	_ =	shalt  }
0x73: {  	_ =	shalt  }
0x74: {  	_ =	shalt  }
0x75: {  	_ =	shalt  }
0x76: {  	_ =	shalt  }
0x77: {  	_ =	shalt  }
0x78: {  	_ =	shalt  }
0x79: {  	_ =	shalt  }
0x7a: {  	_ =	shalt  }
0x7b: {  	_ =	shalt  }
0x7c: {  	_ =	shalt  }
0x7d: {  	_ =	shalt  }
0x7e: {  	_ =	shalt  }
0x7f: {  	_ =	shalt  }
0x80: {  	_ =	shalt  }
0x81: {  	_ =	shalt  }
0x82: {  	_ =	shalt  }
0x83: {  	_ =	shalt  }
0x84: {  	_ =	shalt  }
0x85: {  	_ =	shalt  }
0x86: {  	_ =	shalt  }
0x87: {  	_ =	shalt  }
.Lfunc_end0:
.L_simem_size_0:
called_computation.3_lowered:
.L_overlay_start_0:
0x88: {  	s2 =	sld [smem:$0x3FD9]  }
0x89: {  	s3 =	sld [smem:$0x3FFE];
	_ =	sdelay $0x1  }
0x8a: {  	s1 =	srdreg.scid  }
0x8b: {  	s0 =	sand.u32 $0x1, s1  }
0x8c: {  	s16 =	sshll.u32 s0, $0xA;
	s2 =	sadd.s32 s3, s2  }
0x8d: {  	s2 =	sadd.s32 s2, s16  }
0x8e: {  	[smem:$0x3F69] =	sst s2  }
0x8f: {  	_ = 	snop  }
0x90: {  	(tm) =	ssettm $0x1  }
0x91: {  	s17 =	sld [smem:$0x3FFB];
	_ =	sdelay $0x3  }
0x92: {  	_ =	strace s17  }
0x93: {  	s2 =	sld [smem:$0x3FFC];
	_ =	sdelay $0x3  }
0x94: {  	_ =	strace s2  }
0x95: {  	s2 =	sld [smem:$0x3FFD];
	_ =	sdelay $0x3  }
0x96: {  	_ =	strace s2  }
0x97: {  	_ =	strace $0x8FFFFFFF  }
0x98: {  	s18 =	sld [smem:$0x3FDB];
	_ =	sdelay $0x1  }
0x99: {  	s19 =	simm.s32 $_scs_section_size  }
0x9a: {  	s4 =	simm.s32 $_size__tile_overlayer_lowered;
	s5 =	simm.s32 $_tile_overlayer_lowered  }
0x9b: {  	s22 =	simm.s32 $0x1BFF;
	s21 =	sshll.u32 s5, $0x1;
	s2 =	sadd.s32 s19, s18  }
0x9c: {  	s6 =	simm.s32 $0x0;
	s20 =	sshll.u32 s4, $0x1;
	s4 =	sadd.s32 s21, s2  }
0x9d: {  	[timem:s6], [sflag:s22] =	dma.local [hbm:s4], s20  }
0x9e: {  	_ =	swait.ge [sflag:s22], s20  }
0x9f: {  	s3 =	ssub.s32 $0x0, s20;
	[sflag:s22] =	ssyncset.done $0x0  }
0xa0: {  	[sflag:s22] =	ssyncadd.s32 s3;
	_ =	sdelay $0x1  }
0xa1: {  	s23 =	simm.s32 $0x1B8B  }
0xa2: {  	_ =	swait.ge [sflag:s23], $0x1  }
0xa3: {  	[sflag:s23] =	ssyncset.done $0x0  }
0xa4: {  	s25 =	simm.s32 $0x1B8E;
	s24 =	sld [smem:$0x3FFE];
	[sflag:s23] =	ssyncadd.s32 $0xFFFFFFFF  }
0xa5: {  	s26 =	simm.s32 $execute0_lowered;
	[smem:$0x3FD2] =	sst s25  }
0xa6: {  	s4 =	sshll.u32 s26, $0x1;
	_ =	strace $0x8000004F;
	[dreg:$0x1] =	wrdreg $0xFFFFFFFF  }
0xa7: {  	s28 =	simm.s32 $_size_execute0_lowered;
	s2 =	sadd.s32 s2, s4;
	[dreg:$0x0] =	wrdreg $0x0  }
0xa8: {  	s4 =	sshll.u32 s28, $0x1;
	[dreg:$0x2] =	wrdreg s2  }
0xa9: {  	[dreg:$0x3] =	wrdreg s4  }
0xaa: {  	[dreg:$0x4] =	wrdreg $0xC0  }
0xab: {  	_ =	task [dreg:s6], $0x5FFFF  }
0xac: {  	[dreg:$0x1] =	wrdreg $0xFFFFFFFF  }
0xad: {  	[dreg:$0x0] =	wrdreg $0x60  }
0xae: {  	[dreg:$0x2] =	wrdreg s24  }
0xaf: {  	[dreg:$0x3] =	wrdreg $0x40800  }
0xb0: {  	[dreg:$0x4] =	wrdreg $0x9  }
0xb1: {  	_ =	task.clear_ibuf [dreg:s6], $0x5FFFF;
	_ =	strace $0x9000004F  }
0xb2: {  	s29 =	simm.s32 $0x9;
	_ =	strace $0x80000051  }
0xb3: {  	_ =	swait.ge [sflag:s29], $0x1  }
0xb4: {  	[sflag:s29] =	ssyncadd.s32 $0xFFFFFFFF  }
0xb5: {  	_ =	strace $0x90000051  }
0xb6: {  	_ =	sfence  }
0xb7: {  	s30 =	sld [smem:$0x0];
	_ =	sdelay $0x2  }
0xb8: {  	s31 =	sshll.u32 s1, $0xD;
	s1 =	sshrl.u32 s1, $0x2  }
0xb9: {  	s3 =	sand.u32 $0x4000, s31;
	s1 =	sadd.s32 s1, s30  }
0xba: {  	s0 =	sor.u32 s3, s0;
	s1 =	sshll.u32 s1, $0x11  }
0xbb: {  	s0 =	sor.u32 s1, s0  }
0xbc: {  	s0 =	sadd.s32 $0x8F2B, s0  }
0xbd: {  	[sflag:s0] =	ssyncadd.remote.s32 $0x1  }
0xbe: {  	_ =	sfence.sel $0xFFFF  }
0xbf: {  	[dreg:$0x0] =	wrdreg $0xFFFFFFFF;
	(pc) =	sbr.abs _section_cstart, $3  }
0xc0: {  	[dreg:$0x1] =	wrdreg $0xFFFFFFFF  }
0xc1: {  	_ =	task.clear_ibuf [dreg:s6], $0x2FFFF;
	_ =	strace $0x9FFFFFFF  }
0xc2: {  	(tm) =	ssettm $0x7FFFFFFF  }
0xc3: {  	_ =	shalt  }
tec
execute0_lowered:
.L_overlay_start_1:
0x0: {  	(tag) =	ssettag $0x1  }
0x1: {  	s0 =	stileid.u32  }
0x2: {  	s6 =	smul.u32 $0x2800, s0  }
0x3: {  	s1 =	srdreg.scid;
	s8 =	smul.u32 $0x28000, s0  }
0x4: {  	s4 =	rddreg [dreg:$0x0];
	s25 =	smul.u32 $0x14000, s0  }
0x5: {  	s2 =	rddreg [dreg:$0x1];
	s5 =	sand.u32 $0x1, s1;
	s12 =	smul.u32 $0x50000, s0  }
0x6: {  	s3 =	simm.s32 $0x0;
	s1 =	rddreg [dreg:$0x2];
	s7 =	smul.u32 $0x1400, s5  }
0x7: {  	[smem:$0x7FF] =	sst s3;
	s30 =	sshll.u32 s0, $0x6;
	s9 =	smul.u32 $0x140000, s5  }
0x8: {  	_ =	strace $0x80000050;
	s28 =	ssub.s32 $0x2, s5;
	s31 =	smul.u32 $0x14000, s5  }
0x9: {  	s5 =	sor.u32 $0x1C01, s30;
	s8 =	sadd.s32 s8, s4;
	s26 =	sshrl.u32 s25, $0x3  }
0xa: {  	s11 =	sshrl.u32 s28, $0x1;
	s29 =	sshrl.u32 s12, $0x2;
	s12 =	simm.s32 $0x80  }
0xb: {  	s6 =	sadd.s32 s7, s6;
	s7 =	sadd.s32 s25, s9;
	s9 =	ssub.s32 s28, s11  }
0xc: {  	s13 =	sadd.s32 s29, s2;
	s8 =	sadd.s32 s31, s8;
	s11 =	simm.s32 $0x1  }
0xd: {  	s6 =	sshrl.u32 s6, $0x3;
	s7 =	sshrl.u32 s7, $0x3;
	s8 =	sadd.s32 $0x29D200, s8  }
0xe: {  	s10 =	sadd.s32 s6, s4;
	s6 =	sadd.s32 s26, s4;
	s7 =	sadd.s32 s7, s4  }
0xf: {  	s4 =	sadd.s32 $0x7C5200, s6;
	s6 =	sadd.s32 $0x1D200, s7;
	s7 =	smax.u32 s9, $0x1  }
0x10: {  	s9 =	sadd.s32 $0x13200, s10;
	s10 =	sshrl.u32 s13, $0x3;
	s13 =	simm.s32 $0x0  }
.LBB2_1:
0x11: {  	[spmem:s10], [sflag:s5] =	dma.local [hbm:s4], $0x2800  }
0x12: {  	_ =	swait.ge [sflag:s11], $0x2800  }
0x13: {  	[sflag:s11] =	ssyncset.done $0x0  }
0x14: {  	[sflag:s11] =	ssyncadd.s32 $0xFFFFD800  }
0x15: {  	s14 =	sadd.s32 $0x0, s9;
	[bflag:$0x0] =	sbarrier.arrive $0xFFFF  }
0x16: {  	[tilespmem:s3], [sflag:$0x1] =	stream.linear.gather [hbm4b:s14+s3], $0x80, $0x38;
	[tilespmem:$0x18080] =	vst v63  }
0x17: {  	_ =	swait.ge [sflag:s11], $0x80  }
0x18: {  	[sflag:s11] =	ssyncset.done $0x0  }
0x19: {  	[sflag:s11] =	ssyncadd.s32 $0xFFFFFF80  }
0x1a: {  	[tilespmem:s12], [sflag:$0x1] =	stream.linear.gather [hbm4b:s8+s3], $0x4000, $0x38;
	[tilespmem:$0x18080] =	vst v63  }
0x1b: {  	_ =	swait.ge [sflag:s11], $0x4000  }
0x1c: {  	[sflag:s11] =	ssyncset.done $0x0  }
0x1d: {  	[sflag:s11] =	ssyncadd.s32 $0xFFFFC000  }
0x1e: {  	[spmem:s2] =	stream.indirect.scatter.add.f32 [tilespmem:s12], [sflag:$0x1], $0x80, s3, s12, $0xb8;
	[tilespmem:$0x18080] =	vst v63  }
0x1f: {  	s15 =	simm.s32 $0x10;
	_ =	swait.ge [sflag:s11], $0x4000  }
0x20: {  	s16 =	simm.s32 $0x20;
	s14 =	sadd.s32 $0x800, s8;
	[sflag:s11] =	ssyncset.done $0x0  }
.LBB2_2:
0x21: {  	s17 =	sadd.s32 s15, s9  }
0x22: {  	[sflag:s11] =	ssyncadd.s32 $0xFFFFC000;
	s15 =	smov.u32 s16;
	s18 =	sadd.s32 $0x10, s16  }
0x23: {  	[tilespmem:s3], [sflag:$0x1] =	stream.linear.gather [hbm4b:s17+s3], $0x80, $0x38;
	[tilespmem:$0x18080] =	vst v63  }
0x24: {  	p0 =	sne.s32 s16, $0x270;
	_ =	swait.ge [sflag:s11], $0x80  }
0x25: {  	[sflag:s11] =	ssyncset.done $0x0  }
0x26: {  	[sflag:s11] =	ssyncadd.s32 $0xFFFFFF80  }
0x27: {  	[tilespmem:s12], [sflag:$0x1] =	stream.linear.gather [hbm4b:s14+s3], $0x4000, $0x38;
	[tilespmem:$0x18080] =	vst v63  }
0x28: {  	_ =	swait.ge [sflag:s11], $0x4000  }
.Ltmp0:
0x29: {  	[sflag:s11] =	ssyncset.done $0x0;
	(pc) =	sbr.rel @p0 .LBB2_2-.Ltmp0, $4  }
0x2a: {  	[sflag:s11] =	ssyncadd.s32 $0xFFFFC000  }
0x2b: {  	[spmem:s2] =	stream.indirect.scatter.add.f32 [tilespmem:s12], [sflag:$0x1], $0x80, s3, s12, $0xb8;
	[tilespmem:$0x18080] =	vst v63  }
0x2c: {  	_ =	swait.ge [sflag:s11], $0x4000  }
0x2d: {  	s16 =	smov.u32 s18;
	s14 =	sadd.s32 $0x800, s14;
	[sflag:s11] =	ssyncset.done $0x0  }
0x2e: {  	s15 =	sadd.s32 s15, s9;
	[sflag:s11] =	ssyncadd.s32 $0xFFFFC000  }
0x2f: {  	[tilespmem:s3], [sflag:$0x1] =	stream.linear.gather [hbm4b:s15+s3], $0x80, $0x38;
	[tilespmem:$0x18080] =	vst v63  }
0x30: {  	_ =	swait.ge [sflag:s11], $0x80  }
0x31: {  	[sflag:s11] =	ssyncset.done $0x0  }
0x32: {  	[sflag:s11] =	ssyncadd.s32 $0xFFFFFF80  }
0x33: {  	[tilespmem:s12], [sflag:$0x1] =	stream.linear.gather [hbm4b:s14+s3], $0x4000, $0x38;
	[tilespmem:$0x18080] =	vst v63  }
0x34: {  	_ =	swait.ge [sflag:s11], $0x4000  }
0x35: {  	[sflag:s11] =	ssyncset.done $0x0  }
0x36: {  	[sflag:s11] =	ssyncadd.s32 $0xFFFFC000  }
0x37: {  	[spmem:s2] =	stream.indirect.scatter.add.f32 [tilespmem:s12], [sflag:$0x1], $0x80, s3, s12, $0xb8;
	[tilespmem:$0x18080] =	vst v63  }
0x38: {  	_ =	swait.ge [sflag:s11], $0x4000  }
0x39: {  	s13 =	sadd.s32 $0x1, s13;
	[sflag:s11] =	ssyncset.done $0x0  }
0x3a: {  	p0 =	sne.s32 s13, s7;
	[sflag:s11] =	ssyncadd.s32 $0xFFFFC000  }
.Ltmp1:
0x3b: {  	[bflag:$0x0] =	sbarrier.arrive $0xFFFF;
	(pc) =	sbr.rel @p0 .LBB2_1-.Ltmp1, $4  }
0x3c: {  	[hbm:s6], [sflag:s5] =	dma.local [spmem:s10], $0x2800  }
0x3d: {  	_ =	swait.ge [sflag:s11], $0x2800  }
0x3e: {  	[sflag:s11] =	ssyncset.done $0x0  }
0x3f: {  	[sflag:s11] =	ssyncadd.s32 $0xFFFFD800  }
0x40: {  	_ =	sfence.sel $0x180000  }
0x41: {  	[bflag:$0x0] =	sbarrier.arrive $0xFFFF  }
0x42: {  	p0 =	sne.s32 s0, $0x0;
	_ =	strace $0x90000050  }
0x43: {  	s0 =	sadd.s32 @!p0 $0x100000, s1;
	[bflag:$0x2] =	sbarrier.arrive $0xFFFF  }
0x44: {  	[sflag:s0] =	ssyncadd.tile.s32 @!p0 $0x1;
	_ =	shalt  }
.Lfunc_end2:
_tile_overlayer_lowered:
.L_overlay_start_2:
0x45: {  	(tag) =	ssettag $0x2  }
0x46: {  	s0 =	rddreg [dreg:$0x0];
	s2 =	stileid.u32  }
0x47: {  	s1 =	rddreg [dreg:$0x1];
	p0 =	sne.s32 s2, $0x0  }
0x48: {  	s3 =	rddreg [dreg:$0x2];
	[bflag:$0x3] =	sbarrier.arrive $0xFFFF;
	s2 =	simm.s32 @!p0 $0x1C01  }
0x49: {  	[timem:s3], [sflag:s2] =	dma.local @!p0 [hbm:s0], s1  }
0x4a: {  	s0 =	simm.s32 @!p0 $0x1  }
0x4b: {  	_ =	swait.ge @!p0 [sflag:s0], s1  }
0x4c: {  	s1 =	ssub.s32 @!p0 $0x0, s1;
	[sflag:s0] =	ssyncset.done @!p0 $0x0  }
0x4d: {  	[sflag:s0] =	ssyncadd.s32 @!p0 s1  }
0x4e: {  	[bflag:$0x3] =	sbarrier.arrive $0xFFFF  }
0x4f: {  	_ =	shalt  }

// kernel: kernel.34.cloned.1.call-start
scs
__scs_entry_jumppad:
0x0: {  	(pc) =	sbr.rel $0x88, $3  }
0x1: {  	(tag) =	ssettag $0x0;
	lr =	simm.s32 $0x1  }
0x2: {  	[smem:$0x3F42] =	sst lr;
	_ =	strace $0xD0000000  }
0x3: {  	_ = 	snop  }
0x4: {  	_ = 	snop  }
0x5: {  	_ = 	snop  }
0x6: {  	_ = 	snop  }
0x7: {  	_ = 	snop  }
__scs_overlays_trampoline_lowered:
0x8: {  	[smem:$0x3F51] =	sst s0  }
0x9: {  	[smem:$0x3F52] =	sst s1  }
0xa: {  	[smem:$0x3F53] =	sst s2  }
0xb: {  	[smem:$0x3F54] =	sst s3  }
0xc: {  	[smem:$0x3F55] =	sst s4  }
0xd: {  	[smem:$0x3F56] =	sst s5  }
0xe: {  	[smem:$0x3F57] =	sst s6  }
0xf: {  	[smem:$0x3F58] =	sst s7  }
0x10: {  	[smem:$0x3F59] =	sst s8  }
0x11: {  	[smem:$0x3F5A] =	sst s9;
	s0 =	simm.s32 @!p0 $0x0  }
0x12: {  	s1 =	sld [smem:$0x3F40];
	s0 =	simm.s32 @p0 $0x1  }
0x13: {  	[smem:$0x3F5B] =	sst s0;
	s0 =	simm.s32 @!p1 $0x0  }
0x14: {  	s2 =	sld [smem:$0x3F3F];
	s0 =	simm.s32 @p1 $0x1  }
0x15: {  	[smem:$0x3F5C] =	sst s0;
	s0 =	simm.s32 @!p2 $0x0  }
0x16: {  	s3 =	sld [smem:$0x3FDB];
	s0 =	simm.s32 @p2 $0x1  }
0x17: {  	s4 =	simm.s32 $0x1BF5;
	[smem:$0x3F5E] =	sst s0  }
0x18: {  	s0 =	sld [smem:$0x3F41];
	_ =	swait.ge [sflag:s4], $0x0  }
0x19: {  	s7 =	sld [smem:$0x3F42]  }
0x1a: {  	s8 =	sadd.s32 $0xFFFFE003, lr  }
0x1b: {  	s9 =	sadd.s32 $0xFFFFFEF7, lr;
	s5 =	simm.s32 $0xFFFFFFFF;
	p2 =	slt.u32 s8, $0xFFFFF086  }
0x1c: {  	p1 =	slt.u32 s9, $0xF7A;
	s5 =	simm.s32 @!p2 $0x0  }
0x1d: {  	s5 =	simm.s32 @p1 $0x1;
	p0 =	seq.s32 s7, s2  }
0x1e: {  	s7 =	smul.u32 @!p0 $0xF7A, s2;
	p2 =	seq.s32 @!p0 s5, $0x0  }
0x1f: {  	s9 =	smul.u32 $0xF7A, s1;
	s8 =	simm.s32 @!p0 $0x1BF5;
	p2 =	por !p2, p0  }
0x20: {  	[sflag:s8] =	ssyncset.s32 @!p0 $0xFFFFF086;
	s6 =	sadd.s32 @!p0 s3, s7;
	s7 =	simm.s32 @!p0 $0x108  }
0x21: {  	s3 =	sadd.s32 s3, s9;
	s6 =	sadd.s32 @!p0 $0x88, s6;
	s7 =	simm.s32 @p2 $0x1082  }
0x22: {  	[simem:s7], [sflag:s8] =	dma.local @!p0 [hbm:s6], $0xF7A  }
0x23: {  	s9 =	sor.u32 $0xD0000000, s2;
	s6 =	simm.s32 $0x108;
	_ =	swait.ge @!p0 [sflag:s8], $0x0  }
0x24: {  	s3 =	sadd.s32 $0x88, s3;
	s6 =	simm.s32 @!p1 $0x1082;
	[sflag:s4] =	ssyncset.s32 $0xFFFFF086  }
0x25: {  	[simem:s6], [sflag:s4] =	dma.local [hbm:s3], $0xF7A  }
0x26: {  	[smem:$0x3F42] =	sst s1;
	(tag) =	ssettag s2;
	_ =	strace s9  }
0x27: {  	s1 =	sld [smem:$0x3F52]  }
0x28: {  	s2 =	sld [smem:$0x3F53]  }
0x29: {  	s4 =	sld [smem:$0x3F55]  }
0x2a: {  	p0 =	seq.s32 s5, $0x0;
	s5 =	sld [smem:$0x3F56]  }
0x2b: {  	s6 =	sld [smem:$0x3F57]  }
0x2c: {  	s7 =	sld [smem:$0x3F58]  }
0x2d: {  	s3 =	simm.s32 $0x108;
	s8 =	sld [smem:$0x3F59]  }
0x2e: {  	s3 =	simm.s32 @!p0 $0x1082;
	s9 =	sld [smem:$0x3F5A]  }
0x2f: {  	lr =	sadd.s32 s0, s3;
	s0 =	sld [smem:$0x3F51]  }
0x30: {  	s3 =	sld [smem:$0x3F54]  }
0x31: {  	[smem:$0x3F5D] =	sst s10  }
0x32: {  	s10 =	sld [smem:$0x3F5B];
	_ =	sdelay $0x3  }
0x33: {  	p0 =	seq.s32 s10, $0x1;
	s10 =	sld [smem:$0x3F5D];
	_ =	sdelay $0x3  }
0x34: {  	[smem:$0x3F5D] =	sst s10  }
0x35: {  	s10 =	sld [smem:$0x3F5C];
	_ =	sdelay $0x3  }
0x36: {  	p1 =	seq.s32 s10, $0x1;
	s10 =	sld [smem:$0x3F5D];
	_ =	sdelay $0x3  }
0x37: {  	[smem:$0x3F5D] =	sst s10  }
0x38: {  	s10 =	sld [smem:$0x3F5E]  }
0x39: {  	_ = 	snop;
	(pc) =	sbr.ind lr, $3  }
0x3a: {  	_ = 	snop  }
0x3b: {  	_ = 	snop  }
0x3c: {  	p2 =	seq.s32 s10, $0x1;
	s10 =	sld [smem:$0x3F5D]  }
0x3d: {  	_ =	shalt  }
0x3e: {  	_ =	shalt  }
0x3f: {  	_ =	shalt  }
0x40: {  	_ =	shalt  }
0x41: {  	_ =	shalt  }
0x42: {  	_ =	shalt  }
0x43: {  	_ =	shalt  }
0x44: {  	_ =	shalt  }
0x45: {  	_ =	shalt  }
0x46: {  	_ =	shalt  }
0x47: {  	_ =	shalt  }
0x48: {  	_ =	shalt  }
0x49: {  	_ =	shalt  }
0x4a: {  	_ =	shalt  }
0x4b: {  	_ =	shalt  }
0x4c: {  	_ =	shalt  }
0x4d: {  	_ =	shalt  }
0x4e: {  	_ =	shalt  }
0x4f: {  	_ =	shalt  }
0x50: {  	_ =	shalt  }
0x51: {  	_ =	shalt  }
0x52: {  	_ =	shalt  }
0x53: {  	_ =	shalt  }
0x54: {  	_ =	shalt  }
0x55: {  	_ =	shalt  }
0x56: {  	_ =	shalt  }
0x57: {  	_ =	shalt  }
0x58: {  	_ =	shalt  }
0x59: {  	_ =	shalt  }
0x5a: {  	_ =	shalt  }
0x5b: {  	_ =	shalt  }
0x5c: {  	_ =	shalt  }
0x5d: {  	_ =	shalt  }
0x5e: {  	_ =	shalt  }
0x5f: {  	_ =	shalt  }
0x60: {  	_ =	shalt  }
0x61: {  	_ =	shalt  }
0x62: {  	_ =	shalt  }
0x63: {  	_ =	shalt  }
0x64: {  	_ =	shalt  }
0x65: {  	_ =	shalt  }
0x66: {  	_ =	shalt  }
0x67: {  	_ =	shalt  }
0x68: {  	_ =	shalt  }
0x69: {  	_ =	shalt  }
0x6a: {  	_ =	shalt  }
0x6b: {  	_ =	shalt  }
0x6c: {  	_ =	shalt  }
0x6d: {  	_ =	shalt  }
0x6e: {  	_ =	shalt  }
0x6f: {  	_ =	shalt  }
0x70: {  	_ =	shalt  }
0x71: {  	_ =	shalt  }
0x72: {  	_ =	shalt  }
0x73: {  	_ =	shalt  }
0x74: {  	_ =	shalt  }
0x75: {  	_ =	shalt  }
0x76: {  	_ =	shalt  }
0x77: {  	_ =	shalt  }
0x78: {  	_ =	shalt  }
0x79: {  	_ =	shalt  }
0x7a: {  	_ =	shalt  }
0x7b: {  	_ =	shalt  }
0x7c: {  	_ =	shalt  }
0x7d: {  	_ =	shalt  }
0x7e: {  	_ =	shalt  }
0x7f: {  	_ =	shalt  }
0x80: {  	_ =	shalt  }
0x81: {  	_ =	shalt  }
0x82: {  	_ =	shalt  }
0x83: {  	_ =	shalt  }
0x84: {  	_ =	shalt  }
0x85: {  	_ =	shalt  }
0x86: {  	_ =	shalt  }
0x87: {  	_ =	shalt  }
.Lfunc_end0:
.L_simem_size_0:
called_computation.4_lowered:
.L_overlay_start_0:
0x88: {  	s2 =	sld [smem:$0x3FD9]  }
0x89: {  	s3 =	sld [smem:$0x3FFE];
	_ =	sdelay $0x1  }
0x8a: {  	s1 =	srdreg.scid  }
0x8b: {  	s0 =	sand.u32 $0x1, s1  }
0x8c: {  	s16 =	sshll.u32 s0, $0xA;
	s2 =	sadd.s32 s3, s2  }
0x8d: {  	s2 =	sadd.s32 s2, s16  }
0x8e: {  	[smem:$0x3F69] =	sst s2  }
0x8f: {  	_ = 	snop  }
0x90: {  	(tm) =	ssettm $0x1  }
0x91: {  	s17 =	sld [smem:$0x3FFB];
	_ =	sdelay $0x3  }
0x92: {  	_ =	strace s17  }
0x93: {  	s2 =	sld [smem:$0x3FFC];
	_ =	sdelay $0x3  }
0x94: {  	_ =	strace s2  }
0x95: {  	s2 =	sld [smem:$0x3FFD];
	_ =	sdelay $0x3  }
0x96: {  	_ =	strace s2  }
0x97: {  	_ =	strace $0x8FFFFFFF  }
0x98: {  	s18 =	sld [smem:$0x3FDB];
	_ =	sdelay $0x1  }
0x99: {  	s19 =	simm.s32 $_scs_section_size  }
0x9a: {  	s4 =	simm.s32 $_size__tile_overlayer_lowered;
	s5 =	simm.s32 $_tile_overlayer_lowered  }
0x9b: {  	s22 =	simm.s32 $0x1BFF;
	s21 =	sshll.u32 s5, $0x1;
	s2 =	sadd.s32 s19, s18  }
0x9c: {  	s6 =	simm.s32 $0x0;
	s20 =	sshll.u32 s4, $0x1;
	s4 =	sadd.s32 s21, s2  }
0x9d: {  	[timem:s6], [sflag:s22] =	dma.local [hbm:s4], s20  }
0x9e: {  	_ =	swait.ge [sflag:s22], s20  }
0x9f: {  	s3 =	ssub.s32 $0x0, s20;
	[sflag:s22] =	ssyncset.done $0x0  }
0xa0: {  	[sflag:s22] =	ssyncadd.s32 s3;
	_ =	sdelay $0x1  }
0xa1: {  	s23 =	simm.s32 $0x1B8B  }
0xa2: {  	_ =	swait.ge [sflag:s23], $0x1  }
0xa3: {  	[sflag:s23] =	ssyncset.done $0x0  }
0xa4: {  	s25 =	simm.s32 $0x1B8E;
	s24 =	sld [smem:$0x3FFE];
	[sflag:s23] =	ssyncadd.s32 $0xFFFFFFFF  }
0xa5: {  	s26 =	simm.s32 $execute0_lowered;
	[smem:$0x3FD2] =	sst s25  }
0xa6: {  	s4 =	sshll.u32 s26, $0x1;
	_ =	strace $0x80000052;
	[dreg:$0x1] =	wrdreg $0xFFFFFFFF  }
0xa7: {  	s28 =	simm.s32 $_size_execute0_lowered;
	s2 =	sadd.s32 s2, s4;
	[dreg:$0x0] =	wrdreg $0x0  }
0xa8: {  	s4 =	sshll.u32 s28, $0x1;
	[dreg:$0x2] =	wrdreg s2  }
0xa9: {  	[dreg:$0x3] =	wrdreg s4  }
0xaa: {  	[dreg:$0x4] =	wrdreg $0xC0  }
0xab: {  	_ =	task [dreg:s6], $0x5FFFF  }
0xac: {  	[dreg:$0x1] =	wrdreg $0xFFFFFFFF  }
0xad: {  	[dreg:$0x0] =	wrdreg $0x60  }
0xae: {  	[dreg:$0x2] =	wrdreg s24  }
0xaf: {  	[dreg:$0x3] =	wrdreg $0x9  }
0xb0: {  	_ =	task.clear_ibuf [dreg:s6], $0x4FFFF;
	_ =	strace $0x90000052  }
0xb1: {  	s29 =	simm.s32 $0x9;
	_ =	strace $0x80000054  }
0xb2: {  	_ =	swait.ge [sflag:s29], $0x1  }
0xb3: {  	[sflag:s29] =	ssyncadd.s32 $0xFFFFFFFF  }
0xb4: {  	_ =	strace $0x90000054  }
0xb5: {  	_ =	sfence  }
0xb6: {  	s30 =	sld [smem:$0x0];
	_ =	sdelay $0x2  }
0xb7: {  	s31 =	sshll.u32 s1, $0xD;
	s1 =	sshrl.u32 s1, $0x2  }
0xb8: {  	s3 =	sand.u32 $0x4000, s31;
	s1 =	sadd.s32 s1, s30  }
0xb9: {  	s0 =	sor.u32 s3, s0;
	s1 =	sshll.u32 s1, $0x11  }
0xba: {  	s0 =	sor.u32 s1, s0  }
0xbb: {  	s0 =	sadd.s32 $0x8F2B, s0  }
0xbc: {  	[sflag:s0] =	ssyncadd.remote.s32 $0x1  }
0xbd: {  	_ =	sfence.sel $0xFFFF  }
0xbe: {  	[dreg:$0x0] =	wrdreg $0xFFFFFFFF;
	(pc) =	sbr.abs _section_cstart, $3  }
0xbf: {  	[dreg:$0x1] =	wrdreg $0xFFFFFFFF  }
0xc0: {  	_ =	task.clear_ibuf [dreg:s6], $0x2FFFF;
	_ =	strace $0x9FFFFFFF  }
0xc1: {  	(tm) =	ssettm $0x7FFFFFFF  }
tec
execute0_lowered:
.L_overlay_start_1:
0x0: {  	(tag) =	ssettag $0x1  }
0x1: {  	s4 =	rddreg [dreg:$0x0]  }
0x2: {  	s0 =	rddreg [dreg:$0x1];
	s2 =	simm.s32 $0x0  }
0x3: {  	s3 =	srdreg.scid;
	s1 =	stileid.u32;
	s11 =	simm.s32 $0x100  }
0x4: {  	s12 =	simm.s32 $0x4100;
	s13 =	simm.s32 $0x1;
	s6 =	smul.u32 $0x2800, s1  }
0x5: {  	s14 =	simm.s32 $0x2;
	s5 =	sand.u32 $0x1, s3;
	s8 =	smul.u32 $0x28000, s1  }
0x6: {  	s15 =	simm.s32 $0x0;
	[smem:$0x7FF] =	sst s2;
	s7 =	smul.u32 $0x1400, s5  }
0x7: {  	s3 =	sadd.s32 $0x79D200, s4;
	s29 =	ssub.s32 $0x2, s5;
	s5 =	smul.u32 $0x14000, s5  }
0x8: {  	_ =	strace $0x80000053;
	s8 =	sadd.s32 s8, s4;
	s9 =	sshrl.u32 s29, $0x1  }
0x9: {  	s6 =	sadd.s32 s7, s6;
	s30 =	ssub.s32 s29, s9;
	s31 =	sadd.s32 s5, s8  }
0xa: {  	s9 =	simm.s32 $0x3;
	s6 =	sshrl.u32 s6, $0x3;
	s5 =	sadd.s32 $0x1D200, s31  }
0xb: {  	s10 =	sadd.s32 s6, s4;
	s4 =	smax.u32 s30, $0x1;
	s6 =	sadd.s32 $0x29D200, s31  }
0xc: {  	s7 =	sadd.s32 $0x13200, s10;
	s8 =	sadd.s32 $0x18200, s10;
	s10 =	simm.s32 $0x80  }
.LBB2_1:
0xd: {  	s16 =	sadd.s32 $0x0, s8  }
0xe: {  	[tilespmem:s2], [sflag:$0x3] =	stream.linear.gather [hbm4b:s16+s2], $0x80, $0x38;
	[tilespmem:$0x8100] =	vst v63  }
0xf: {  	_ =	swait.ge [sflag:s9], $0x80  }
0x10: {  	[sflag:s9] =	ssyncset.done $0x0  }
0x11: {  	s31 =	sadd.s32 $0x0, s7;
	[sflag:s9] =	ssyncadd.s32 $0xFFFFFF80  }
0x12: {  	[tilespmem:s10], [sflag:$0x3] =	stream.linear.gather [hbm4b:s31+s2], $0x80, $0x38;
	[tilespmem:$0x8100] =	vst v63  }
0x13: {  	_ =	swait.ge [sflag:s9], $0x80  }
0x14: {  	[sflag:s9] =	ssyncset.done $0x0  }
0x15: {  	[sflag:s9] =	ssyncadd.s32 $0xFFFFFF80  }
0x16: {  	[tilespmem:s11], [sflag:$0x1] =	stream.indirect.gather [hbm4b:s3+s10], $0x80, s2, s10, $0xb8;
	[tilespmem:$0x8100] =	vst v63  }
0x17: {  	_ = 	snop  }
0x18: {  	[tilespmem:s12], [sflag:$0x2] =	stream.indirect.gather [hbm4b:s3+s10], $0x80, s10, s10, $0xb8;
	[tilespmem:$0x8100] =	vst v63  }
0x19: {  	_ =	swait.ge [sflag:s13], $0x4000  }
0x1a: {  	[sflag:s13] =	ssyncset.done $0x0  }
0x1b: {  	[sflag:s13] =	ssyncadd.s32 $0xFFFFC000  }
0x1c: {  	[hbm4b:s5+s2] =	stream.linear.scatter [tilespmem:s11], [sflag:$0x3], $0x4000, $0x38;
	[tilespmem:$0x8100] =	vst v63  }
0x1d: {  	_ =	swait.ge [sflag:s9], $0x4000  }
0x1e: {  	[sflag:s9] =	ssyncset.done $0x0  }
0x1f: {  	[sflag:s9] =	ssyncadd.s32 $0xFFFFC000  }
0x20: {  	_ =	swait.ge [sflag:s14], $0x4000  }
0x21: {  	[sflag:s14] =	ssyncset.done $0x0  }
0x22: {  	[sflag:s14] =	ssyncadd.s32 $0xFFFFC000  }
0x23: {  	[hbm4b:s6+s2] =	stream.linear.scatter [tilespmem:s12], [sflag:$0x3], $0x4000, $0x38;
	[tilespmem:$0x8100] =	vst v63  }
0x24: {  	s18 =	simm.s32 $0x10;
	s19 =	simm.s32 $0x20;
	_ =	swait.ge [sflag:s9], $0x4000  }
0x25: {  	s17 =	sadd.s32 $0x800, s5;
	s16 =	sadd.s32 $0x800, s6;
	[sflag:s9] =	ssyncset.done $0x0  }
.LBB2_2:
0x26: {  	s20 =	sadd.s32 s18, s8  }
0x27: {  	[sflag:s9] =	ssyncadd.s32 $0xFFFFC000;
	s21 =	smov.u32 s19;
	s22 =	sadd.s32 $0x10, s19  }
0x28: {  	[tilespmem:s2], [sflag:$0x3] =	stream.linear.gather [hbm4b:s20+s2], $0x80, $0x38;
	[tilespmem:$0x8100] =	vst v63  }
0x29: {  	p0 =	sne.s32 s19, $0x270;
	_ =	swait.ge [sflag:s9], $0x80  }
0x2a: {  	[sflag:s9] =	ssyncset.done $0x0  }
0x2b: {  	s19 =	sadd.s32 s18, s7;
	s18 =	smov.u32 s21;
	[sflag:s9] =	ssyncadd.s32 $0xFFFFFF80  }
0x2c: {  	[tilespmem:s10], [sflag:$0x3] =	stream.linear.gather [hbm4b:s19+s2], $0x80, $0x38;
	[tilespmem:$0x8100] =	vst v63  }
0x2d: {  	_ =	swait.ge [sflag:s9], $0x80  }
0x2e: {  	[sflag:s9] =	ssyncset.done $0x0  }
0x2f: {  	[sflag:s9] =	ssyncadd.s32 $0xFFFFFF80  }
0x30: {  	[tilespmem:s11], [sflag:$0x1] =	stream.indirect.gather [hbm4b:s3+s10], $0x80, s2, s10, $0xb8;
	[tilespmem:$0x8100] =	vst v63  }
0x31: {  	_ = 	snop  }
0x32: {  	[tilespmem:s12], [sflag:$0x2] =	stream.indirect.gather [hbm4b:s3+s10], $0x80, s10, s10, $0xb8;
	[tilespmem:$0x8100] =	vst v63  }
0x33: {  	_ =	swait.ge [sflag:s13], $0x4000  }
0x34: {  	[sflag:s13] =	ssyncset.done $0x0  }
0x35: {  	[sflag:s13] =	ssyncadd.s32 $0xFFFFC000  }
0x36: {  	[hbm4b:s17+s2] =	stream.linear.scatter [tilespmem:s11], [sflag:$0x3], $0x4000, $0x38;
	[tilespmem:$0x8100] =	vst v63  }
0x37: {  	_ =	swait.ge [sflag:s9], $0x4000  }
0x38: {  	[sflag:s9] =	ssyncset.done $0x0  }
0x39: {  	[sflag:s9] =	ssyncadd.s32 $0xFFFFC000  }
0x3a: {  	_ =	swait.ge [sflag:s14], $0x4000  }
.Ltmp0:
0x3b: {  	[sflag:s14] =	ssyncset.done $0x0;
	(pc) =	sbr.rel @p0 .LBB2_2-.Ltmp0, $4  }
0x3c: {  	[sflag:s14] =	ssyncadd.s32 $0xFFFFC000  }
0x3d: {  	[hbm4b:s16+s2] =	stream.linear.scatter [tilespmem:s12], [sflag:$0x3], $0x4000, $0x38;
	[tilespmem:$0x8100] =	vst v63  }
0x3e: {  	s19 =	smov.u32 s22;
	_ =	swait.ge [sflag:s9], $0x4000  }
0x3f: {  	s17 =	sadd.s32 $0x800, s17;
	s16 =	sadd.s32 $0x800, s16;
	[sflag:s9] =	ssyncset.done $0x0  }
0x40: {  	s19 =	sadd.s32 s18, s8;
	[sflag:s9] =	ssyncadd.s32 $0xFFFFC000  }
0x41: {  	[tilespmem:s2], [sflag:$0x3] =	stream.linear.gather [hbm4b:s19+s2], $0x80, $0x38;
	[tilespmem:$0x8100] =	vst v63  }
0x42: {  	_ =	swait.ge [sflag:s9], $0x80  }
0x43: {  	[sflag:s9] =	ssyncset.done $0x0  }
0x44: {  	s31 =	sadd.s32 s18, s7;
	[sflag:s9] =	ssyncadd.s32 $0xFFFFFF80  }
0x45: {  	[tilespmem:s10], [sflag:$0x3] =	stream.linear.gather [hbm4b:s31+s2], $0x80, $0x38;
	[tilespmem:$0x8100] =	vst v63  }
0x46: {  	_ =	swait.ge [sflag:s9], $0x80  }
0x47: {  	[sflag:s9] =	ssyncset.done $0x0  }
0x48: {  	[sflag:s9] =	ssyncadd.s32 $0xFFFFFF80  }
0x49: {  	[tilespmem:s11], [sflag:$0x1] =	stream.indirect.gather [hbm4b:s3+s10], $0x80, s2, s10, $0xb8;
	[tilespmem:$0x8100] =	vst v63  }
0x4a: {  	_ = 	snop  }
0x4b: {  	[tilespmem:s12], [sflag:$0x2] =	stream.indirect.gather [hbm4b:s3+s10], $0x80, s10, s10, $0xb8;
	[tilespmem:$0x8100] =	vst v63  }
0x4c: {  	_ =	swait.ge [sflag:s13], $0x4000  }
0x4d: {  	[sflag:s13] =	ssyncset.done $0x0  }
0x4e: {  	[sflag:s13] =	ssyncadd.s32 $0xFFFFC000  }
0x4f: {  	[hbm4b:s17+s2] =	stream.linear.scatter [tilespmem:s11], [sflag:$0x3], $0x4000, $0x38;
	[tilespmem:$0x8100] =	vst v63  }
0x50: {  	_ =	swait.ge [sflag:s9], $0x4000  }
0x51: {  	[sflag:s9] =	ssyncset.done $0x0  }
0x52: {  	[sflag:s9] =	ssyncadd.s32 $0xFFFFC000  }
0x53: {  	s15 =	sadd.s32 $0x1, s15;
	_ =	swait.ge [sflag:s14], $0x4000  }
0x54: {  	p0 =	sne.s32 s15, s4;
	[sflag:s14] =	ssyncset.done $0x0  }
.Ltmp1:
0x55: {  	[sflag:s14] =	ssyncadd.s32 $0xFFFFC000;
	(pc) =	sbr.rel @p0 .LBB2_1-.Ltmp1, $4  }
0x56: {  	[hbm4b:s16+s2] =	stream.linear.scatter [tilespmem:s12], [sflag:$0x3], $0x4000, $0x38;
	[tilespmem:$0x8100] =	vst v63  }
0x57: {  	_ =	swait.ge [sflag:s9], $0x4000  }
0x58: {  	[sflag:s9] =	ssyncset.done $0x0  }
0x59: {  	[sflag:s9] =	ssyncadd.s32 $0xFFFFC000  }
0x5a: {  	_ =	sfence.sel $0x180000  }
0x5b: {  	[bflag:$0x0] =	sbarrier.arrive $0xFFFF  }
0x5c: {  	p0 =	sne.s32 s1, $0x0;
	_ =	strace $0x90000053  }
0x5d: {  	s0 =	sadd.s32 @!p0 $0x100000, s0;
	[bflag:$0x2] =	sbarrier.arrive $0xFFFF  }
0x5e: {  	[sflag:s0] =	ssyncadd.tile.s32 @!p0 $0x1;
	_ =	shalt  }
.Lfunc_end2:
_tile_overlayer_lowered:
.L_overlay_start_2:
0x5f: {  	(tag) =	ssettag $0x2  }
0x60: {  	s0 =	rddreg [dreg:$0x0];
	s2 =	stileid.u32  }
0x61: {  	s1 =	rddreg [dreg:$0x1];
	p0 =	sne.s32 s2, $0x0  }
0x62: {  	s3 =	rddreg [dreg:$0x2];
	[bflag:$0x3] =	sbarrier.arrive $0xFFFF;
	s2 =	simm.s32 @!p0 $0x1C03  }
0x63: {  	[timem:s3], [sflag:s2] =	dma.local @!p0 [hbm:s0], s1  }
0x64: {  	s0 =	simm.s32 @!p0 $0x3  }
0x65: {  	_ =	swait.ge @!p0 [sflag:s0], s1  }
0x66: {  	s1 =	ssub.s32 @!p0 $0x0, s1;
	[sflag:s0] =	ssyncset.done @!p0 $0x0  }
0x67: {  	[sflag:s0] =	ssyncadd.s32 @!p0 s1  }
0x68: {  	[bflag:$0x3] =	sbarrier.arrive $0xFFFF  }
0x69: {  	_ =	shalt  }

// kernel: kernel.37.cloned.1.call-start
scs
__scs_entry_jumppad:
0x0: {  	(pc) =	sbr.rel $0x88, $3  }
0x1: {  	(tag) =	ssettag $0x0;
	lr =	simm.s32 $0x1  }
0x2: {  	[smem:$0x3F42] =	sst lr;
	_ =	strace $0xD0000000  }
0x3: {  	_ = 	snop  }
0x4: {  	_ = 	snop  }
0x5: {  	_ = 	snop  }
0x6: {  	_ = 	snop  }
0x7: {  	_ = 	snop  }
__scs_overlays_trampoline_lowered:
0x8: {  	[smem:$0x3F51] =	sst s0  }
0x9: {  	[smem:$0x3F52] =	sst s1  }
0xa: {  	[smem:$0x3F53] =	sst s2  }
0xb: {  	[smem:$0x3F54] =	sst s3  }
0xc: {  	[smem:$0x3F55] =	sst s4  }
0xd: {  	[smem:$0x3F56] =	sst s5  }
0xe: {  	[smem:$0x3F57] =	sst s6  }
0xf: {  	[smem:$0x3F58] =	sst s7  }
0x10: {  	[smem:$0x3F59] =	sst s8  }
0x11: {  	[smem:$0x3F5A] =	sst s9;
	s0 =	simm.s32 @!p0 $0x0  }
0x12: {  	s1 =	sld [smem:$0x3F40];
	s0 =	simm.s32 @p0 $0x1  }
0x13: {  	[smem:$0x3F5B] =	sst s0;
	s0 =	simm.s32 @!p1 $0x0  }
0x14: {  	s2 =	sld [smem:$0x3F3F];
	s0 =	simm.s32 @p1 $0x1  }
0x15: {  	[smem:$0x3F5C] =	sst s0;
	s0 =	simm.s32 @!p2 $0x0  }
0x16: {  	s3 =	sld [smem:$0x3FDB];
	s0 =	simm.s32 @p2 $0x1  }
0x17: {  	s4 =	simm.s32 $0x1BF5;
	[smem:$0x3F5E] =	sst s0  }
0x18: {  	s0 =	sld [smem:$0x3F41];
	_ =	swait.ge [sflag:s4], $0x0  }
0x19: {  	s7 =	sld [smem:$0x3F42]  }
0x1a: {  	s8 =	sadd.s32 $0xFFFFE003, lr  }
0x1b: {  	s9 =	sadd.s32 $0xFFFFFEF7, lr;
	s5 =	simm.s32 $0xFFFFFFFF;
	p2 =	slt.u32 s8, $0xFFFFF086  }
0x1c: {  	p1 =	slt.u32 s9, $0xF7A;
	s5 =	simm.s32 @!p2 $0x0  }
0x1d: {  	s5 =	simm.s32 @p1 $0x1;
	p0 =	seq.s32 s7, s2  }
0x1e: {  	s7 =	smul.u32 @!p0 $0xF7A, s2;
	p2 =	seq.s32 @!p0 s5, $0x0  }
0x1f: {  	s9 =	smul.u32 $0xF7A, s1;
	s8 =	simm.s32 @!p0 $0x1BF5;
	p2 =	por !p2, p0  }
0x20: {  	[sflag:s8] =	ssyncset.s32 @!p0 $0xFFFFF086;
	s6 =	sadd.s32 @!p0 s3, s7;
	s7 =	simm.s32 @!p0 $0x108  }
0x21: {  	s3 =	sadd.s32 s3, s9;
	s6 =	sadd.s32 @!p0 $0x88, s6;
	s7 =	simm.s32 @p2 $0x1082  }
0x22: {  	[simem:s7], [sflag:s8] =	dma.local @!p0 [hbm:s6], $0xF7A  }
0x23: {  	s9 =	sor.u32 $0xD0000000, s2;
	s6 =	simm.s32 $0x108;
	_ =	swait.ge @!p0 [sflag:s8], $0x0  }
0x24: {  	s3 =	sadd.s32 $0x88, s3;
	s6 =	simm.s32 @!p1 $0x1082;
	[sflag:s4] =	ssyncset.s32 $0xFFFFF086  }
0x25: {  	[simem:s6], [sflag:s4] =	dma.local [hbm:s3], $0xF7A  }
0x26: {  	[smem:$0x3F42] =	sst s1;
	(tag) =	ssettag s2;
	_ =	strace s9  }
0x27: {  	s1 =	sld [smem:$0x3F52]  }
0x28: {  	s2 =	sld [smem:$0x3F53]  }
0x29: {  	s4 =	sld [smem:$0x3F55]  }
0x2a: {  	p0 =	seq.s32 s5, $0x0;
	s5 =	sld [smem:$0x3F56]  }
0x2b: {  	s6 =	sld [smem:$0x3F57]  }
0x2c: {  	s7 =	sld [smem:$0x3F58]  }
0x2d: {  	s3 =	simm.s32 $0x108;
	s8 =	sld [smem:$0x3F59]  }
0x2e: {  	s3 =	simm.s32 @!p0 $0x1082;
	s9 =	sld [smem:$0x3F5A]  }
0x2f: {  	lr =	sadd.s32 s0, s3;
	s0 =	sld [smem:$0x3F51]  }
0x30: {  	s3 =	sld [smem:$0x3F54]  }
0x31: {  	[smem:$0x3F5D] =	sst s10  }
0x32: {  	s10 =	sld [smem:$0x3F5B];
	_ =	sdelay $0x3  }
0x33: {  	p0 =	seq.s32 s10, $0x1;
	s10 =	sld [smem:$0x3F5D];
	_ =	sdelay $0x3  }
0x34: {  	[smem:$0x3F5D] =	sst s10  }
0x35: {  	s10 =	sld [smem:$0x3F5C];
	_ =	sdelay $0x3  }
0x36: {  	p1 =	seq.s32 s10, $0x1;
	s10 =	sld [smem:$0x3F5D];
	_ =	sdelay $0x3  }
0x37: {  	[smem:$0x3F5D] =	sst s10  }
0x38: {  	s10 =	sld [smem:$0x3F5E]  }
0x39: {  	_ = 	snop;
	(pc) =	sbr.ind lr, $3  }
0x3a: {  	_ = 	snop  }
0x3b: {  	_ = 	snop  }
0x3c: {  	p2 =	seq.s32 s10, $0x1;
	s10 =	sld [smem:$0x3F5D]  }
0x3d: {  	_ =	shalt  }
0x3e: {  	_ =	shalt  }
0x3f: {  	_ =	shalt  }
0x40: {  	_ =	shalt  }
0x41: {  	_ =	shalt  }
0x42: {  	_ =	shalt  }
0x43: {  	_ =	shalt  }
0x44: {  	_ =	shalt  }
0x45: {  	_ =	shalt  }
0x46: {  	_ =	shalt  }
0x47: {  	_ =	shalt  }
0x48: {  	_ =	shalt  }
0x49: {  	_ =	shalt  }
0x4a: {  	_ =	shalt  }
0x4b: {  	_ =	shalt  }
0x4c: {  	_ =	shalt  }
0x4d: {  	_ =	shalt  }
0x4e: {  	_ =	shalt  }
0x4f: {  	_ =	shalt  }
0x50: {  	_ =	shalt  }
0x51: {  	_ =	shalt  }
0x52: {  	_ =	shalt  }
0x53: {  	_ =	shalt  }
0x54: {  	_ =	shalt  }
0x55: {  	_ =	shalt  }
0x56: {  	_ =	shalt  }
0x57: {  	_ =	shalt  }
0x58: {  	_ =	shalt  }
0x59: {  	_ =	shalt  }
0x5a: {  	_ =	shalt  }
0x5b: {  	_ =	shalt  }
0x5c: {  	_ =	shalt  }
0x5d: {  	_ =	shalt  }
0x5e: {  	_ =	shalt  }
0x5f: {  	_ =	shalt  }
0x60: {  	_ =	shalt  }
0x61: {  	_ =	shalt  }
0x62: {  	_ =	shalt  }
0x63: {  	_ =	shalt  }
0x64: {  	_ =	shalt  }
0x65: {  	_ =	shalt  }
0x66: {  	_ =	shalt  }
0x67: {  	_ =	shalt  }
0x68: {  	_ =	shalt  }
0x69: {  	_ =	shalt  }
0x6a: {  	_ =	shalt  }
0x6b: {  	_ =	shalt  }
0x6c: {  	_ =	shalt  }
0x6d: {  	_ =	shalt  }
0x6e: {  	_ =	shalt  }
0x6f: {  	_ =	shalt  }
0x70: {  	_ =	shalt  }
0x71: {  	_ =	shalt  }
0x72: {  	_ =	shalt  }
0x73: {  	_ =	shalt  }
0x74: {  	_ =	shalt  }
0x75: {  	_ =	shalt  }
0x76: {  	_ =	shalt  }
0x77: {  	_ =	shalt  }
0x78: {  	_ =	shalt  }
0x79: {  	_ =	shalt  }
0x7a: {  	_ =	shalt  }
0x7b: {  	_ =	shalt  }
0x7c: {  	_ =	shalt  }
0x7d: {  	_ =	shalt  }
0x7e: {  	_ =	shalt  }
0x7f: {  	_ =	shalt  }
0x80: {  	_ =	shalt  }
0x81: {  	_ =	shalt  }
0x82: {  	_ =	shalt  }
0x83: {  	_ =	shalt  }
0x84: {  	_ =	shalt  }
0x85: {  	_ =	shalt  }
0x86: {  	_ =	shalt  }
0x87: {  	_ =	shalt  }
.Lfunc_end0:
.L_simem_size_0:
called_computation.5_lowered:
.L_overlay_start_0:
0x88: {  	s2 =	sld [smem:$0x3FD9]  }
0x89: {  	s3 =	sld [smem:$0x3FFE];
	_ =	sdelay $0x1  }
0x8a: {  	s1 =	srdreg.scid  }
0x8b: {  	s0 =	sand.u32 $0x1, s1  }
0x8c: {  	s16 =	sshll.u32 s0, $0xA;
	s2 =	sadd.s32 s3, s2  }
0x8d: {  	s2 =	sadd.s32 s2, s16  }
0x8e: {  	[smem:$0x3F69] =	sst s2  }
0x8f: {  	_ = 	snop  }
0x90: {  	(tm) =	ssettm $0x1  }
0x91: {  	s17 =	sld [smem:$0x3FFB];
	_ =	sdelay $0x3  }
0x92: {  	_ =	strace s17  }
0x93: {  	s2 =	sld [smem:$0x3FFC];
	_ =	sdelay $0x3  }
0x94: {  	_ =	strace s2  }
0x95: {  	s2 =	sld [smem:$0x3FFD];
	_ =	sdelay $0x3  }
0x96: {  	_ =	strace s2  }
0x97: {  	_ =	strace $0x8FFFFFFF  }
0x98: {  	s18 =	sld [smem:$0x3FDB];
	_ =	sdelay $0x1  }
0x99: {  	s19 =	simm.s32 $_scs_section_size  }
0x9a: {  	s4 =	simm.s32 $_size__tile_overlayer_lowered;
	s5 =	simm.s32 $_tile_overlayer_lowered  }
0x9b: {  	s22 =	simm.s32 $0x1BFF;
	s21 =	sshll.u32 s5, $0x1;
	s2 =	sadd.s32 s19, s18  }
0x9c: {  	s6 =	simm.s32 $0x0;
	s20 =	sshll.u32 s4, $0x1;
	s4 =	sadd.s32 s21, s2  }
0x9d: {  	[timem:s6], [sflag:s22] =	dma.local [hbm:s4], s20  }
0x9e: {  	_ =	swait.ge [sflag:s22], s20  }
0x9f: {  	s3 =	ssub.s32 $0x0, s20;
	[sflag:s22] =	ssyncset.done $0x0  }
0xa0: {  	[sflag:s22] =	ssyncadd.s32 s3;
	_ =	sdelay $0x1  }
0xa1: {  	s23 =	simm.s32 $0x1B8B  }
0xa2: {  	_ =	swait.ge [sflag:s23], $0x1  }
0xa3: {  	[sflag:s23] =	ssyncset.done $0x0  }
0xa4: {  	s25 =	simm.s32 $0x1B8E;
	s24 =	sld [smem:$0x3FFE];
	[sflag:s23] =	ssyncadd.s32 $0xFFFFFFFF  }
0xa5: {  	s26 =	simm.s32 $execute0_lowered;
	[smem:$0x3FD2] =	sst s25  }
0xa6: {  	s4 =	sshll.u32 s26, $0x1;
	_ =	strace $0x80000055;
	[dreg:$0x1] =	wrdreg $0xFFFFFFFF  }
0xa7: {  	s28 =	simm.s32 $_size_execute0_lowered;
	s2 =	sadd.s32 s2, s4;
	[dreg:$0x0] =	wrdreg $0x0  }
0xa8: {  	s4 =	sshll.u32 s28, $0x1;
	[dreg:$0x2] =	wrdreg s2  }
0xa9: {  	[dreg:$0x3] =	wrdreg s4  }
0xaa: {  	[dreg:$0x4] =	wrdreg $0xC0  }
0xab: {  	_ =	task [dreg:s6], $0x5FFFF  }
0xac: {  	[dreg:$0x1] =	wrdreg $0xFFFFFFFF  }
0xad: {  	[dreg:$0x0] =	wrdreg $0x60  }
0xae: {  	[dreg:$0x2] =	wrdreg s24  }
0xaf: {  	[dreg:$0x3] =	wrdreg $0x40800  }
0xb0: {  	[dreg:$0x4] =	wrdreg $0x9  }
0xb1: {  	_ =	task.clear_ibuf [dreg:s6], $0x5FFFF;
	_ =	strace $0x90000055  }
0xb2: {  	s29 =	simm.s32 $0x9;
	_ =	strace $0x80000057  }
0xb3: {  	_ =	swait.ge [sflag:s29], $0x1  }
0xb4: {  	[sflag:s29] =	ssyncadd.s32 $0xFFFFFFFF  }
0xb5: {  	_ =	strace $0x90000057  }
0xb6: {  	_ =	sfence  }
0xb7: {  	s30 =	sld [smem:$0x0];
	_ =	sdelay $0x2  }
0xb8: {  	s31 =	sshll.u32 s1, $0xD;
	s1 =	sshrl.u32 s1, $0x2  }
0xb9: {  	s3 =	sand.u32 $0x4000, s31;
	s1 =	sadd.s32 s1, s30  }
0xba: {  	s0 =	sor.u32 s3, s0;
	s1 =	sshll.u32 s1, $0x11  }
0xbb: {  	s0 =	sor.u32 s1, s0  }
0xbc: {  	s0 =	sadd.s32 $0x8F2B, s0  }
0xbd: {  	[sflag:s0] =	ssyncadd.remote.s32 $0x1  }
0xbe: {  	_ =	sfence.sel $0xFFFF  }
0xbf: {  	[dreg:$0x0] =	wrdreg $0xFFFFFFFF;
	(pc) =	sbr.abs _section_cstart, $3  }
0xc0: {  	[dreg:$0x1] =	wrdreg $0xFFFFFFFF  }
0xc1: {  	_ =	task.clear_ibuf [dreg:s6], $0x2FFFF;
	_ =	strace $0x9FFFFFFF  }
0xc2: {  	(tm) =	ssettm $0x7FFFFFFF  }
0xc3: {  	_ =	shalt  }
tec
execute0_lowered:
.L_overlay_start_1:
0x0: {  	(tag) =	ssettag $0x1  }
0x1: {  	s0 =	stileid.u32  }
0x2: {  	s6 =	smul.u32 $0x2800, s0  }
0x3: {  	s1 =	srdreg.scid;
	s8 =	smul.u32 $0x28000, s0  }
0x4: {  	s4 =	rddreg [dreg:$0x0];
	s25 =	smul.u32 $0x14000, s0  }
0x5: {  	s2 =	rddreg [dreg:$0x1];
	s5 =	sand.u32 $0x1, s1;
	s12 =	smul.u32 $0x50000, s0  }
0x6: {  	s3 =	simm.s32 $0x0;
	s1 =	rddreg [dreg:$0x2];
	s7 =	smul.u32 $0x1400, s5  }
0x7: {  	[smem:$0x7FF] =	sst s3;
	s30 =	sshll.u32 s0, $0x6;
	s9 =	smul.u32 $0x140000, s5  }
0x8: {  	_ =	strace $0x80000056;
	s28 =	ssub.s32 $0x2, s5;
	s31 =	smul.u32 $0x14000, s5  }
0x9: {  	s5 =	sor.u32 $0x1C01, s30;
	s8 =	sadd.s32 s8, s4;
	s26 =	sshrl.u32 s25, $0x3  }
0xa: {  	s11 =	sshrl.u32 s28, $0x1;
	s29 =	sshrl.u32 s12, $0x2;
	s12 =	simm.s32 $0x80  }
0xb: {  	s6 =	sadd.s32 s7, s6;
	s7 =	sadd.s32 s25, s9;
	s9 =	ssub.s32 s28, s11  }
0xc: {  	s13 =	sadd.s32 s29, s2;
	s8 =	sadd.s32 s31, s8;
	s11 =	simm.s32 $0x1  }
0xd: {  	s6 =	sshrl.u32 s6, $0x3;
	s7 =	sshrl.u32 s7, $0x3;
	s8 =	sadd.s32 $0x7ED200, s8  }
0xe: {  	s10 =	sadd.s32 s6, s4;
	s6 =	sadd.s32 s26, s4;
	s7 =	sadd.s32 s7, s4  }
0xf: {  	s4 =	sadd.s32 $0x7C5200, s6;
	s6 =	sadd.s32 $0x1D200, s7;
	s7 =	smax.u32 s9, $0x1  }
0x10: {  	s9 =	sadd.s32 $0x13200, s10;
	s10 =	sshrl.u32 s13, $0x3;
	s13 =	simm.s32 $0x0  }
.LBB2_1:
0x11: {  	[spmem:s10], [sflag:s5] =	dma.local [hbm:s4], $0x2800  }
0x12: {  	_ =	swait.ge [sflag:s11], $0x2800  }
0x13: {  	[sflag:s11] =	ssyncset.done $0x0  }
0x14: {  	[sflag:s11] =	ssyncadd.s32 $0xFFFFD800  }
0x15: {  	s14 =	sadd.s32 $0x0, s9;
	[bflag:$0x0] =	sbarrier.arrive $0xFFFF  }
0x16: {  	[tilespmem:s3], [sflag:$0x1] =	stream.linear.gather [hbm4b:s14+s3], $0x80, $0x38;
	[tilespmem:$0x18080] =	vst v63  }
0x17: {  	_ =	swait.ge [sflag:s11], $0x80  }
0x18: {  	[sflag:s11] =	ssyncset.done $0x0  }
0x19: {  	[sflag:s11] =	ssyncadd.s32 $0xFFFFFF80  }
0x1a: {  	[tilespmem:s12], [sflag:$0x1] =	stream.linear.gather [hbm4b:s8+s3], $0x4000, $0x38;
	[tilespmem:$0x18080] =	vst v63  }
0x1b: {  	_ =	swait.ge [sflag:s11], $0x4000  }
0x1c: {  	[sflag:s11] =	ssyncset.done $0x0  }
0x1d: {  	[sflag:s11] =	ssyncadd.s32 $0xFFFFC000  }
0x1e: {  	[spmem:s2] =	stream.indirect.scatter.add.f32 [tilespmem:s12], [sflag:$0x1], $0x80, s3, s12, $0xb8;
	[tilespmem:$0x18080] =	vst v63  }
0x1f: {  	s15 =	simm.s32 $0x10;
	_ =	swait.ge [sflag:s11], $0x4000  }
0x20: {  	s16 =	simm.s32 $0x20;
	s14 =	sadd.s32 $0x800, s8;
	[sflag:s11] =	ssyncset.done $0x0  }
.LBB2_2:
0x21: {  	s17 =	sadd.s32 s15, s9  }
0x22: {  	[sflag:s11] =	ssyncadd.s32 $0xFFFFC000;
	s15 =	smov.u32 s16;
	s18 =	sadd.s32 $0x10, s16  }
0x23: {  	[tilespmem:s3], [sflag:$0x1] =	stream.linear.gather [hbm4b:s17+s3], $0x80, $0x38;
	[tilespmem:$0x18080] =	vst v63  }
0x24: {  	p0 =	sne.s32 s16, $0x270;
	_ =	swait.ge [sflag:s11], $0x80  }
0x25: {  	[sflag:s11] =	ssyncset.done $0x0  }
0x26: {  	[sflag:s11] =	ssyncadd.s32 $0xFFFFFF80  }
0x27: {  	[tilespmem:s12], [sflag:$0x1] =	stream.linear.gather [hbm4b:s14+s3], $0x4000, $0x38;
	[tilespmem:$0x18080] =	vst v63  }
0x28: {  	_ =	swait.ge [sflag:s11], $0x4000  }
.Ltmp0:
0x29: {  	[sflag:s11] =	ssyncset.done $0x0;
	(pc) =	sbr.rel @p0 .LBB2_2-.Ltmp0, $4  }
0x2a: {  	[sflag:s11] =	ssyncadd.s32 $0xFFFFC000  }
0x2b: {  	[spmem:s2] =	stream.indirect.scatter.add.f32 [tilespmem:s12], [sflag:$0x1], $0x80, s3, s12, $0xb8;
	[tilespmem:$0x18080] =	vst v63  }
0x2c: {  	_ =	swait.ge [sflag:s11], $0x4000  }
0x2d: {  	s16 =	smov.u32 s18;
	s14 =	sadd.s32 $0x800, s14;
	[sflag:s11] =	ssyncset.done $0x0  }
0x2e: {  	s15 =	sadd.s32 s15, s9;
	[sflag:s11] =	ssyncadd.s32 $0xFFFFC000  }
0x2f: {  	[tilespmem:s3], [sflag:$0x1] =	stream.linear.gather [hbm4b:s15+s3], $0x80, $0x38;
	[tilespmem:$0x18080] =	vst v63  }
0x30: {  	_ =	swait.ge [sflag:s11], $0x80  }
0x31: {  	[sflag:s11] =	ssyncset.done $0x0  }
0x32: {  	[sflag:s11] =	ssyncadd.s32 $0xFFFFFF80  }
0x33: {  	[tilespmem:s12], [sflag:$0x1] =	stream.linear.gather [hbm4b:s14+s3], $0x4000, $0x38;
	[tilespmem:$0x18080] =	vst v63  }
0x34: {  	_ =	swait.ge [sflag:s11], $0x4000  }
0x35: {  	[sflag:s11] =	ssyncset.done $0x0  }
0x36: {  	[sflag:s11] =	ssyncadd.s32 $0xFFFFC000  }
0x37: {  	[spmem:s2] =	stream.indirect.scatter.add.f32 [tilespmem:s12], [sflag:$0x1], $0x80, s3, s12, $0xb8;
	[tilespmem:$0x18080] =	vst v63  }
0x38: {  	_ =	swait.ge [sflag:s11], $0x4000  }
0x39: {  	s13 =	sadd.s32 $0x1, s13;
	[sflag:s11] =	ssyncset.done $0x0  }
0x3a: {  	p0 =	sne.s32 s13, s7;
	[sflag:s11] =	ssyncadd.s32 $0xFFFFC000  }
.Ltmp1:
0x3b: {  	[bflag:$0x0] =	sbarrier.arrive $0xFFFF;
	(pc) =	sbr.rel @p0 .LBB2_1-.Ltmp1, $4  }
0x3c: {  	[hbm:s6], [sflag:s5] =	dma.local [spmem:s10], $0x2800  }
0x3d: {  	_ =	swait.ge [sflag:s11], $0x2800  }
0x3e: {  	[sflag:s11] =	ssyncset.done $0x0  }
0x3f: {  	[sflag:s11] =	ssyncadd.s32 $0xFFFFD800  }
0x40: {  	_ =	sfence.sel $0x180000  }
0x41: {  	[bflag:$0x0] =	sbarrier.arrive $0xFFFF  }
0x42: {  	p0 =	sne.s32 s0, $0x0;
	_ =	strace $0x90000056  }
0x43: {  	s0 =	sadd.s32 @!p0 $0x100000, s1;
	[bflag:$0x2] =	sbarrier.arrive $0xFFFF  }
0x44: {  	[sflag:s0] =	ssyncadd.tile.s32 @!p0 $0x1;
	_ =	shalt  }
.Lfunc_end2:
_tile_overlayer_lowered:
.L_overlay_start_2:
0x45: {  	(tag) =	ssettag $0x2  }
0x46: {  	s0 =	rddreg [dreg:$0x0];
	s2 =	stileid.u32  }
0x47: {  	s1 =	rddreg [dreg:$0x1];
	p0 =	sne.s32 s2, $0x0  }
0x48: {  	s3 =	rddreg [dreg:$0x2];
	[bflag:$0x3] =	sbarrier.arrive $0xFFFF;
	s2 =	simm.s32 @!p0 $0x1C01  }
0x49: {  	[timem:s3], [sflag:s2] =	dma.local @!p0 [hbm:s0], s1  }
0x4a: {  	s0 =	simm.s32 @!p0 $0x1  }
0x4b: {  	_ =	swait.ge @!p0 [sflag:s0], s1  }
0x4c: {  	s1 =	ssub.s32 @!p0 $0x0, s1;
	[sflag:s0] =	ssyncset.done @!p0 $0x0  }
0x4d: {  	[sflag:s0] =	ssyncadd.s32 @!p0 s1  }
0x4e: {  	[bflag:$0x3] =	sbarrier.arrive $0xFFFF  }
0x4f: {  	_ =	shalt  }

// kernel: kernel.40.cloned.1.call-start
scs
__scs_entry_jumppad:
0x0: {  	(pc) =	sbr.rel $0x88, $3  }
0x1: {  	(tag) =	ssettag $0x0;
	lr =	simm.s32 $0x1  }
0x2: {  	[smem:$0x3F42] =	sst lr;
	_ =	strace $0xD0000000  }
0x3: {  	_ = 	snop  }
0x4: {  	_ = 	snop  }
0x5: {  	_ = 	snop  }
0x6: {  	_ = 	snop  }
0x7: {  	_ = 	snop  }
__scs_overlays_trampoline_lowered:
0x8: {  	[smem:$0x3F51] =	sst s0  }
0x9: {  	[smem:$0x3F52] =	sst s1  }
0xa: {  	[smem:$0x3F53] =	sst s2  }
0xb: {  	[smem:$0x3F54] =	sst s3  }
0xc: {  	[smem:$0x3F55] =	sst s4  }
0xd: {  	[smem:$0x3F56] =	sst s5  }
0xe: {  	[smem:$0x3F57] =	sst s6  }
0xf: {  	[smem:$0x3F58] =	sst s7  }
0x10: {  	[smem:$0x3F59] =	sst s8  }
0x11: {  	[smem:$0x3F5A] =	sst s9;
	s0 =	simm.s32 @!p0 $0x0  }
0x12: {  	s1 =	sld [smem:$0x3F40];
	s0 =	simm.s32 @p0 $0x1  }
0x13: {  	[smem:$0x3F5B] =	sst s0;
	s0 =	simm.s32 @!p1 $0x0  }
0x14: {  	s2 =	sld [smem:$0x3F3F];
	s0 =	simm.s32 @p1 $0x1  }
0x15: {  	[smem:$0x3F5C] =	sst s0;
	s0 =	simm.s32 @!p2 $0x0  }
0x16: {  	s3 =	sld [smem:$0x3FDB];
	s0 =	simm.s32 @p2 $0x1  }
0x17: {  	s4 =	simm.s32 $0x1BF5;
	[smem:$0x3F5E] =	sst s0  }
0x18: {  	s0 =	sld [smem:$0x3F41];
	_ =	swait.ge [sflag:s4], $0x0  }
0x19: {  	s7 =	sld [smem:$0x3F42]  }
0x1a: {  	s8 =	sadd.s32 $0xFFFFE003, lr  }
0x1b: {  	s9 =	sadd.s32 $0xFFFFFEF7, lr;
	s5 =	simm.s32 $0xFFFFFFFF;
	p2 =	slt.u32 s8, $0xFFFFF086  }
0x1c: {  	p1 =	slt.u32 s9, $0xF7A;
	s5 =	simm.s32 @!p2 $0x0  }
0x1d: {  	s5 =	simm.s32 @p1 $0x1;
	p0 =	seq.s32 s7, s2  }
0x1e: {  	s7 =	smul.u32 @!p0 $0xF7A, s2;
	p2 =	seq.s32 @!p0 s5, $0x0  }
0x1f: {  	s9 =	smul.u32 $0xF7A, s1;
	s8 =	simm.s32 @!p0 $0x1BF5;
	p2 =	por !p2, p0  }
0x20: {  	[sflag:s8] =	ssyncset.s32 @!p0 $0xFFFFF086;
	s6 =	sadd.s32 @!p0 s3, s7;
	s7 =	simm.s32 @!p0 $0x108  }
0x21: {  	s3 =	sadd.s32 s3, s9;
	s6 =	sadd.s32 @!p0 $0x88, s6;
	s7 =	simm.s32 @p2 $0x1082  }
0x22: {  	[simem:s7], [sflag:s8] =	dma.local @!p0 [hbm:s6], $0xF7A  }
0x23: {  	s9 =	sor.u32 $0xD0000000, s2;
	s6 =	simm.s32 $0x108;
	_ =	swait.ge @!p0 [sflag:s8], $0x0  }
0x24: {  	s3 =	sadd.s32 $0x88, s3;
	s6 =	simm.s32 @!p1 $0x1082;
	[sflag:s4] =	ssyncset.s32 $0xFFFFF086  }
0x25: {  	[simem:s6], [sflag:s4] =	dma.local [hbm:s3], $0xF7A  }
0x26: {  	[smem:$0x3F42] =	sst s1;
	(tag) =	ssettag s2;
	_ =	strace s9  }
0x27: {  	s1 =	sld [smem:$0x3F52]  }
0x28: {  	s2 =	sld [smem:$0x3F53]  }
0x29: {  	s4 =	sld [smem:$0x3F55]  }
0x2a: {  	p0 =	seq.s32 s5, $0x0;
	s5 =	sld [smem:$0x3F56]  }
0x2b: {  	s6 =	sld [smem:$0x3F57]  }
0x2c: {  	s7 =	sld [smem:$0x3F58]  }
0x2d: {  	s3 =	simm.s32 $0x108;
	s8 =	sld [smem:$0x3F59]  }
0x2e: {  	s3 =	simm.s32 @!p0 $0x1082;
	s9 =	sld [smem:$0x3F5A]  }
0x2f: {  	lr =	sadd.s32 s0, s3;
	s0 =	sld [smem:$0x3F51]  }
0x30: {  	s3 =	sld [smem:$0x3F54]  }
0x31: {  	[smem:$0x3F5D] =	sst s10  }
0x32: {  	s10 =	sld [smem:$0x3F5B];
	_ =	sdelay $0x3  }
0x33: {  	p0 =	seq.s32 s10, $0x1;
	s10 =	sld [smem:$0x3F5D];
	_ =	sdelay $0x3  }
0x34: {  	[smem:$0x3F5D] =	sst s10  }
0x35: {  	s10 =	sld [smem:$0x3F5C];
	_ =	sdelay $0x3  }
0x36: {  	p1 =	seq.s32 s10, $0x1;
	s10 =	sld [smem:$0x3F5D];
	_ =	sdelay $0x3  }
0x37: {  	[smem:$0x3F5D] =	sst s10  }
0x38: {  	s10 =	sld [smem:$0x3F5E]  }
0x39: {  	_ = 	snop;
	(pc) =	sbr.ind lr, $3  }
0x3a: {  	_ = 	snop  }
0x3b: {  	_ = 	snop  }
0x3c: {  	p2 =	seq.s32 s10, $0x1;
	s10 =	sld [smem:$0x3F5D]  }
0x3d: {  	_ =	shalt  }
0x3e: {  	_ =	shalt  }
0x3f: {  	_ =	shalt  }
0x40: {  	_ =	shalt  }
0x41: {  	_ =	shalt  }
0x42: {  	_ =	shalt  }
0x43: {  	_ =	shalt  }
0x44: {  	_ =	shalt  }
0x45: {  	_ =	shalt  }
0x46: {  	_ =	shalt  }
0x47: {  	_ =	shalt  }
0x48: {  	_ =	shalt  }
0x49: {  	_ =	shalt  }
0x4a: {  	_ =	shalt  }
0x4b: {  	_ =	shalt  }
0x4c: {  	_ =	shalt  }
0x4d: {  	_ =	shalt  }
0x4e: {  	_ =	shalt  }
0x4f: {  	_ =	shalt  }
0x50: {  	_ =	shalt  }
0x51: {  	_ =	shalt  }
0x52: {  	_ =	shalt  }
0x53: {  	_ =	shalt  }
0x54: {  	_ =	shalt  }
0x55: {  	_ =	shalt  }
0x56: {  	_ =	shalt  }
0x57: {  	_ =	shalt  }
0x58: {  	_ =	shalt  }
0x59: {  	_ =	shalt  }
0x5a: {  	_ =	shalt  }
0x5b: {  	_ =	shalt  }
0x5c: {  	_ =	shalt  }
0x5d: {  	_ =	shalt  }
0x5e: {  	_ =	shalt  }
0x5f: {  	_ =	shalt  }
0x60: {  	_ =	shalt  }
0x61: {  	_ =	shalt  }
0x62: {  	_ =	shalt  }
0x63: {  	_ =	shalt  }
0x64: {  	_ =	shalt  }
0x65: {  	_ =	shalt  }
0x66: {  	_ =	shalt  }
0x67: {  	_ =	shalt  }
0x68: {  	_ =	shalt  }
0x69: {  	_ =	shalt  }
0x6a: {  	_ =	shalt  }
0x6b: {  	_ =	shalt  }
0x6c: {  	_ =	shalt  }
0x6d: {  	_ =	shalt  }
0x6e: {  	_ =	shalt  }
0x6f: {  	_ =	shalt  }
0x70: {  	_ =	shalt  }
0x71: {  	_ =	shalt  }
0x72: {  	_ =	shalt  }
0x73: {  	_ =	shalt  }
0x74: {  	_ =	shalt  }
0x75: {  	_ =	shalt  }
0x76: {  	_ =	shalt  }
0x77: {  	_ =	shalt  }
0x78: {  	_ =	shalt  }
0x79: {  	_ =	shalt  }
0x7a: {  	_ =	shalt  }
0x7b: {  	_ =	shalt  }
0x7c: {  	_ =	shalt  }
0x7d: {  	_ =	shalt  }
0x7e: {  	_ =	shalt  }
0x7f: {  	_ =	shalt  }
0x80: {  	_ =	shalt  }
0x81: {  	_ =	shalt  }
0x82: {  	_ =	shalt  }
0x83: {  	_ =	shalt  }
0x84: {  	_ =	shalt  }
0x85: {  	_ =	shalt  }
0x86: {  	_ =	shalt  }
0x87: {  	_ =	shalt  }
.Lfunc_end0:
.L_simem_size_0:
called_computation.6_lowered:
.L_overlay_start_0:
0x88: {  	s2 =	sld [smem:$0x3FD9]  }
0x89: {  	s3 =	sld [smem:$0x3FFE];
	_ =	sdelay $0x1  }
0x8a: {  	s1 =	srdreg.scid  }
0x8b: {  	s0 =	sand.u32 $0x1, s1  }
0x8c: {  	s16 =	sshll.u32 s0, $0xA;
	s2 =	sadd.s32 s3, s2  }
0x8d: {  	s2 =	sadd.s32 s2, s16  }
0x8e: {  	[smem:$0x3F69] =	sst s2  }
0x8f: {  	_ = 	snop  }
0x90: {  	(tm) =	ssettm $0x1  }
0x91: {  	s17 =	sld [smem:$0x3FFB];
	_ =	sdelay $0x3  }
0x92: {  	_ =	strace s17  }
0x93: {  	s2 =	sld [smem:$0x3FFC];
	_ =	sdelay $0x3  }
0x94: {  	_ =	strace s2  }
0x95: {  	s2 =	sld [smem:$0x3FFD];
	_ =	sdelay $0x3  }
0x96: {  	_ =	strace s2  }
0x97: {  	_ =	strace $0x8FFFFFFF  }
0x98: {  	s18 =	sld [smem:$0x3FDB];
	_ =	sdelay $0x1  }
0x99: {  	s19 =	simm.s32 $_scs_section_size  }
0x9a: {  	s4 =	simm.s32 $_size__tile_overlayer_lowered;
	s5 =	simm.s32 $_tile_overlayer_lowered  }
0x9b: {  	s22 =	simm.s32 $0x1BFF;
	s21 =	sshll.u32 s5, $0x1;
	s2 =	sadd.s32 s19, s18  }
0x9c: {  	s6 =	simm.s32 $0x0;
	s20 =	sshll.u32 s4, $0x1;
	s4 =	sadd.s32 s21, s2  }
0x9d: {  	[timem:s6], [sflag:s22] =	dma.local [hbm:s4], s20  }
0x9e: {  	_ =	swait.ge [sflag:s22], s20  }
0x9f: {  	s3 =	ssub.s32 $0x0, s20;
	[sflag:s22] =	ssyncset.done $0x0  }
0xa0: {  	[sflag:s22] =	ssyncadd.s32 s3;
	_ =	sdelay $0x1  }
0xa1: {  	s23 =	simm.s32 $0x1B8B  }
0xa2: {  	_ =	swait.ge [sflag:s23], $0x1  }
0xa3: {  	[sflag:s23] =	ssyncset.done $0x0  }
0xa4: {  	s25 =	simm.s32 $0x1B8E;
	s24 =	sld [smem:$0x3FFE];
	[sflag:s23] =	ssyncadd.s32 $0xFFFFFFFF  }
0xa5: {  	s26 =	simm.s32 $execute0_lowered;
	[smem:$0x3FD2] =	sst s25  }
0xa6: {  	s4 =	sshll.u32 s26, $0x1;
	_ =	strace $0x80000058;
	[dreg:$0x1] =	wrdreg $0xFFFFFFFF  }
0xa7: {  	s28 =	simm.s32 $_size_execute0_lowered;
	s2 =	sadd.s32 s2, s4;
	[dreg:$0x0] =	wrdreg $0x0  }
0xa8: {  	s4 =	sshll.u32 s28, $0x1;
	[dreg:$0x2] =	wrdreg s2  }
0xa9: {  	[dreg:$0x3] =	wrdreg s4  }
0xaa: {  	[dreg:$0x4] =	wrdreg $0xC0  }
0xab: {  	_ =	task [dreg:s6], $0x5FFFF  }
0xac: {  	[dreg:$0x1] =	wrdreg $0xFFFFFFFF  }
0xad: {  	[dreg:$0x0] =	wrdreg $0x60  }
0xae: {  	[dreg:$0x2] =	wrdreg s24  }
0xaf: {  	[dreg:$0x3] =	wrdreg $0x9  }
0xb0: {  	_ =	task.clear_ibuf [dreg:s6], $0x4FFFF;
	_ =	strace $0x90000058  }
0xb1: {  	s29 =	simm.s32 $0x9;
	_ =	strace $0x8000005A  }
0xb2: {  	_ =	swait.ge [sflag:s29], $0x1  }
0xb3: {  	[sflag:s29] =	ssyncadd.s32 $0xFFFFFFFF  }
0xb4: {  	_ =	strace $0x9000005A  }
0xb5: {  	_ =	sfence  }
0xb6: {  	s30 =	sld [smem:$0x0];
	_ =	sdelay $0x2  }
0xb7: {  	s31 =	sshll.u32 s1, $0xD;
	s1 =	sshrl.u32 s1, $0x2  }
0xb8: {  	s3 =	sand.u32 $0x4000, s31;
	s1 =	sadd.s32 s1, s30  }
0xb9: {  	s0 =	sor.u32 s3, s0;
	s1 =	sshll.u32 s1, $0x11  }
0xba: {  	s0 =	sor.u32 s1, s0  }
0xbb: {  	s0 =	sadd.s32 $0x8F2B, s0  }
0xbc: {  	[sflag:s0] =	ssyncadd.remote.s32 $0x1  }
0xbd: {  	_ =	sfence.sel $0xFFFF  }
0xbe: {  	[dreg:$0x0] =	wrdreg $0xFFFFFFFF;
	(pc) =	sbr.abs _section_cstart, $3  }
0xbf: {  	[dreg:$0x1] =	wrdreg $0xFFFFFFFF  }
0xc0: {  	_ =	task.clear_ibuf [dreg:s6], $0x2FFFF;
	_ =	strace $0x9FFFFFFF  }
0xc1: {  	(tm) =	ssettm $0x7FFFFFFF  }
tec
execute0_lowered:
.L_overlay_start_1:
0x0: {  	(tag) =	ssettag $0x1  }
0x1: {  	s4 =	rddreg [dreg:$0x0]  }
0x2: {  	s0 =	rddreg [dreg:$0x1];
	s2 =	simm.s32 $0x0  }
0x3: {  	s3 =	srdreg.scid;
	s1 =	stileid.u32;
	s11 =	simm.s32 $0x100  }
0x4: {  	s12 =	simm.s32 $0x4100;
	s13 =	simm.s32 $0x1;
	s6 =	smul.u32 $0x2800, s1  }
0x5: {  	s14 =	simm.s32 $0x2;
	s5 =	sand.u32 $0x1, s3;
	s8 =	smul.u32 $0x28000, s1  }
0x6: {  	s15 =	simm.s32 $0x0;
	[smem:$0x7FF] =	sst s2;
	s7 =	smul.u32 $0x1400, s5  }
0x7: {  	s3 =	sadd.s32 $0x7ED200, s4;
	s29 =	ssub.s32 $0x2, s5;
	s5 =	smul.u32 $0x14000, s5  }
0x8: {  	_ =	strace $0x80000059;
	s8 =	sadd.s32 s8, s4;
	s9 =	sshrl.u32 s29, $0x1  }
0x9: {  	s6 =	sadd.s32 s7, s6;
	s30 =	ssub.s32 s29, s9;
	s31 =	sadd.s32 s5, s8  }
0xa: {  	s9 =	simm.s32 $0x3;
	s6 =	sshrl.u32 s6, $0x3;
	s5 =	sadd.s32 $0x1D200, s31  }
0xb: {  	s10 =	sadd.s32 s6, s4;
	s4 =	smax.u32 s30, $0x1;
	s6 =	sadd.s32 $0x29D200, s31  }
0xc: {  	s7 =	sadd.s32 $0x13200, s10;
	s8 =	sadd.s32 $0x18200, s10;
	s10 =	simm.s32 $0x80  }
.LBB2_1:
0xd: {  	s16 =	sadd.s32 $0x0, s8  }
0xe: {  	[tilespmem:s2], [sflag:$0x3] =	stream.linear.gather [hbm4b:s16+s2], $0x80, $0x38;
	[tilespmem:$0x8100] =	vst v63  }
0xf: {  	_ =	swait.ge [sflag:s9], $0x80  }
0x10: {  	[sflag:s9] =	ssyncset.done $0x0  }
0x11: {  	s31 =	sadd.s32 $0x0, s7;
	[sflag:s9] =	ssyncadd.s32 $0xFFFFFF80  }
0x12: {  	[tilespmem:s10], [sflag:$0x3] =	stream.linear.gather [hbm4b:s31+s2], $0x80, $0x38;
	[tilespmem:$0x8100] =	vst v63  }
0x13: {  	_ =	swait.ge [sflag:s9], $0x80  }
0x14: {  	[sflag:s9] =	ssyncset.done $0x0  }
0x15: {  	[sflag:s9] =	ssyncadd.s32 $0xFFFFFF80  }
0x16: {  	[tilespmem:s11], [sflag:$0x1] =	stream.indirect.gather [hbm4b:s3+s10], $0x80, s2, s10, $0xb8;
	[tilespmem:$0x8100] =	vst v63  }
0x17: {  	_ = 	snop  }
0x18: {  	[tilespmem:s12], [sflag:$0x2] =	stream.indirect.gather [hbm4b:s3+s10], $0x80, s10, s10, $0xb8;
	[tilespmem:$0x8100] =	vst v63  }
0x19: {  	_ =	swait.ge [sflag:s13], $0x4000  }
0x1a: {  	[sflag:s13] =	ssyncset.done $0x0  }
0x1b: {  	[sflag:s13] =	ssyncadd.s32 $0xFFFFC000  }
0x1c: {  	[hbm4b:s5+s2] =	stream.linear.scatter [tilespmem:s11], [sflag:$0x3], $0x4000, $0x38;
	[tilespmem:$0x8100] =	vst v63  }
0x1d: {  	_ =	swait.ge [sflag:s9], $0x4000  }
0x1e: {  	[sflag:s9] =	ssyncset.done $0x0  }
0x1f: {  	[sflag:s9] =	ssyncadd.s32 $0xFFFFC000  }
0x20: {  	_ =	swait.ge [sflag:s14], $0x4000  }
0x21: {  	[sflag:s14] =	ssyncset.done $0x0  }
0x22: {  	[sflag:s14] =	ssyncadd.s32 $0xFFFFC000  }
0x23: {  	[hbm4b:s6+s2] =	stream.linear.scatter [tilespmem:s12], [sflag:$0x3], $0x4000, $0x38;
	[tilespmem:$0x8100] =	vst v63  }
0x24: {  	s18 =	simm.s32 $0x10;
	s19 =	simm.s32 $0x20;
	_ =	swait.ge [sflag:s9], $0x4000  }
0x25: {  	s17 =	sadd.s32 $0x800, s5;
	s16 =	sadd.s32 $0x800, s6;
	[sflag:s9] =	ssyncset.done $0x0  }
.LBB2_2:
0x26: {  	s20 =	sadd.s32 s18, s8  }
0x27: {  	[sflag:s9] =	ssyncadd.s32 $0xFFFFC000;
	s21 =	smov.u32 s19;
	s22 =	sadd.s32 $0x10, s19  }
0x28: {  	[tilespmem:s2], [sflag:$0x3] =	stream.linear.gather [hbm4b:s20+s2], $0x80, $0x38;
	[tilespmem:$0x8100] =	vst v63  }
0x29: {  	p0 =	sne.s32 s19, $0x270;
	_ =	swait.ge [sflag:s9], $0x80  }
0x2a: {  	[sflag:s9] =	ssyncset.done $0x0  }
0x2b: {  	s19 =	sadd.s32 s18, s7;
	s18 =	smov.u32 s21;
	[sflag:s9] =	ssyncadd.s32 $0xFFFFFF80  }
0x2c: {  	[tilespmem:s10], [sflag:$0x3] =	stream.linear.gather [hbm4b:s19+s2], $0x80, $0x38;
	[tilespmem:$0x8100] =	vst v63  }
0x2d: {  	_ =	swait.ge [sflag:s9], $0x80  }
0x2e: {  	[sflag:s9] =	ssyncset.done $0x0  }
0x2f: {  	[sflag:s9] =	ssyncadd.s32 $0xFFFFFF80  }
0x30: {  	[tilespmem:s11], [sflag:$0x1] =	stream.indirect.gather [hbm4b:s3+s10], $0x80, s2, s10, $0xb8;
	[tilespmem:$0x8100] =	vst v63  }
0x31: {  	_ = 	snop  }
0x32: {  	[tilespmem:s12], [sflag:$0x2] =	stream.indirect.gather [hbm4b:s3+s10], $0x80, s10, s10, $0xb8;
	[tilespmem:$0x8100] =	vst v63  }
0x33: {  	_ =	swait.ge [sflag:s13], $0x4000  }
0x34: {  	[sflag:s13] =	ssyncset.done $0x0  }
0x35: {  	[sflag:s13] =	ssyncadd.s32 $0xFFFFC000  }
0x36: {  	[hbm4b:s17+s2] =	stream.linear.scatter [tilespmem:s11], [sflag:$0x3], $0x4000, $0x38;
	[tilespmem:$0x8100] =	vst v63  }
0x37: {  	_ =	swait.ge [sflag:s9], $0x4000  }
0x38: {  	[sflag:s9] =	ssyncset.done $0x0  }
0x39: {  	[sflag:s9] =	ssyncadd.s32 $0xFFFFC000  }
0x3a: {  	_ =	swait.ge [sflag:s14], $0x4000  }
.Ltmp0:
0x3b: {  	[sflag:s14] =	ssyncset.done $0x0;
	(pc) =	sbr.rel @p0 .LBB2_2-.Ltmp0, $4  }
0x3c: {  	[sflag:s14] =	ssyncadd.s32 $0xFFFFC000  }
0x3d: {  	[hbm4b:s16+s2] =	stream.linear.scatter [tilespmem:s12], [sflag:$0x3], $0x4000, $0x38;
	[tilespmem:$0x8100] =	vst v63  }
0x3e: {  	s19 =	smov.u32 s22;
	_ =	swait.ge [sflag:s9], $0x4000  }
0x3f: {  	s17 =	sadd.s32 $0x800, s17;
	s16 =	sadd.s32 $0x800, s16;
	[sflag:s9] =	ssyncset.done $0x0  }
0x40: {  	s19 =	sadd.s32 s18, s8;
	[sflag:s9] =	ssyncadd.s32 $0xFFFFC000  }
0x41: {  	[tilespmem:s2], [sflag:$0x3] =	stream.linear.gather [hbm4b:s19+s2], $0x80, $0x38;
	[tilespmem:$0x8100] =	vst v63  }
0x42: {  	_ =	swait.ge [sflag:s9], $0x80  }
0x43: {  	[sflag:s9] =	ssyncset.done $0x0  }
0x44: {  	s31 =	sadd.s32 s18, s7;
	[sflag:s9] =	ssyncadd.s32 $0xFFFFFF80  }
0x45: {  	[tilespmem:s10], [sflag:$0x3] =	stream.linear.gather [hbm4b:s31+s2], $0x80, $0x38;
	[tilespmem:$0x8100] =	vst v63  }
0x46: {  	_ =	swait.ge [sflag:s9], $0x80  }
0x47: {  	[sflag:s9] =	ssyncset.done $0x0  }
0x48: {  	[sflag:s9] =	ssyncadd.s32 $0xFFFFFF80  }
0x49: {  	[tilespmem:s11], [sflag:$0x1] =	stream.indirect.gather [hbm4b:s3+s10], $0x80, s2, s10, $0xb8;
	[tilespmem:$0x8100] =	vst v63  }
0x4a: {  	_ = 	snop  }
0x4b: {  	[tilespmem:s12], [sflag:$0x2] =	stream.indirect.gather [hbm4b:s3+s10], $0x80, s10, s10, $0xb8;
	[tilespmem:$0x8100] =	vst v63  }
0x4c: {  	_ =	swait.ge [sflag:s13], $0x4000  }
0x4d: {  	[sflag:s13] =	ssyncset.done $0x0  }
0x4e: {  	[sflag:s13] =	ssyncadd.s32 $0xFFFFC000  }
0x4f: {  	[hbm4b:s17+s2] =	stream.linear.scatter [tilespmem:s11], [sflag:$0x3], $0x4000, $0x38;
	[tilespmem:$0x8100] =	vst v63  }
0x50: {  	_ =	swait.ge [sflag:s9], $0x4000  }
0x51: {  	[sflag:s9] =	ssyncset.done $0x0  }
0x52: {  	[sflag:s9] =	ssyncadd.s32 $0xFFFFC000  }
0x53: {  	s15 =	sadd.s32 $0x1, s15;
	_ =	swait.ge [sflag:s14], $0x4000  }
0x54: {  	p0 =	sne.s32 s15, s4;
	[sflag:s14] =	ssyncset.done $0x0  }
.Ltmp1:
0x55: {  	[sflag:s14] =	ssyncadd.s32 $0xFFFFC000;
	(pc) =	sbr.rel @p0 .LBB2_1-.Ltmp1, $4  }
0x56: {  	[hbm4b:s16+s2] =	stream.linear.scatter [tilespmem:s12], [sflag:$0x3], $0x4000, $0x38;
	[tilespmem:$0x8100] =	vst v63  }
0x57: {  	_ =	swait.ge [sflag:s9], $0x4000  }
0x58: {  	[sflag:s9] =	ssyncset.done $0x0  }
0x59: {  	[sflag:s9] =	ssyncadd.s32 $0xFFFFC000  }
0x5a: {  	_ =	sfence.sel $0x180000  }
0x5b: {  	[bflag:$0x0] =	sbarrier.arrive $0xFFFF  }
0x5c: {  	p0 =	sne.s32 s1, $0x0;
	_ =	strace $0x90000059  }
0x5d: {  	s0 =	sadd.s32 @!p0 $0x100000, s0;
	[bflag:$0x2] =	sbarrier.arrive $0xFFFF  }
0x5e: {  	[sflag:s0] =	ssyncadd.tile.s32 @!p0 $0x1;
	_ =	shalt  }
.Lfunc_end2:
_tile_overlayer_lowered:
.L_overlay_start_2:
0x5f: {  	(tag) =	ssettag $0x2  }
0x60: {  	s0 =	rddreg [dreg:$0x0];
	s2 =	stileid.u32  }
0x61: {  	s1 =	rddreg [dreg:$0x1];
	p0 =	sne.s32 s2, $0x0  }
0x62: {  	s3 =	rddreg [dreg:$0x2];
	[bflag:$0x3] =	sbarrier.arrive $0xFFFF;
	s2 =	simm.s32 @!p0 $0x1C03  }
0x63: {  	[timem:s3], [sflag:s2] =	dma.local @!p0 [hbm:s0], s1  }
0x64: {  	s0 =	simm.s32 @!p0 $0x3  }
0x65: {  	_ =	swait.ge @!p0 [sflag:s0], s1  }
0x66: {  	s1 =	ssub.s32 @!p0 $0x0, s1;
	[sflag:s0] =	ssyncset.done @!p0 $0x0  }
0x67: {  	[sflag:s0] =	ssyncadd.s32 @!p0 s1  }
0x68: {  	[bflag:$0x3] =	sbarrier.arrive $0xFFFF  }
0x69: {  	_ =	shalt  }

// kernel: kernel.43.cloned.1.call-start
scs
__scs_entry_jumppad:
0x0: {  	(pc) =	sbr.rel $0x88, $3  }
0x1: {  	(tag) =	ssettag $0x0;
	lr =	simm.s32 $0x1  }
0x2: {  	[smem:$0x3F42] =	sst lr;
	_ =	strace $0xD0000000  }
0x3: {  	_ = 	snop  }
0x4: {  	_ = 	snop  }
0x5: {  	_ = 	snop  }
0x6: {  	_ = 	snop  }
0x7: {  	_ = 	snop  }
__scs_overlays_trampoline_lowered:
0x8: {  	[smem:$0x3F51] =	sst s0  }
0x9: {  	[smem:$0x3F52] =	sst s1  }
0xa: {  	[smem:$0x3F53] =	sst s2  }
0xb: {  	[smem:$0x3F54] =	sst s3  }
0xc: {  	[smem:$0x3F55] =	sst s4  }
0xd: {  	[smem:$0x3F56] =	sst s5  }
0xe: {  	[smem:$0x3F57] =	sst s6  }
0xf: {  	[smem:$0x3F58] =	sst s7  }
0x10: {  	[smem:$0x3F59] =	sst s8  }
0x11: {  	[smem:$0x3F5A] =	sst s9;
	s0 =	simm.s32 @!p0 $0x0  }
0x12: {  	s1 =	sld [smem:$0x3F40];
	s0 =	simm.s32 @p0 $0x1  }
0x13: {  	[smem:$0x3F5B] =	sst s0;
	s0 =	simm.s32 @!p1 $0x0  }
0x14: {  	s2 =	sld [smem:$0x3F3F];
	s0 =	simm.s32 @p1 $0x1  }
0x15: {  	[smem:$0x3F5C] =	sst s0;
	s0 =	simm.s32 @!p2 $0x0  }
0x16: {  	s3 =	sld [smem:$0x3FDB];
	s0 =	simm.s32 @p2 $0x1  }
0x17: {  	s4 =	simm.s32 $0x1BF5;
	[smem:$0x3F5E] =	sst s0  }
0x18: {  	s0 =	sld [smem:$0x3F41];
	_ =	swait.ge [sflag:s4], $0x0  }
0x19: {  	s7 =	sld [smem:$0x3F42]  }
0x1a: {  	s8 =	sadd.s32 $0xFFFFE003, lr  }
0x1b: {  	s9 =	sadd.s32 $0xFFFFFEF7, lr;
	s5 =	simm.s32 $0xFFFFFFFF;
	p2 =	slt.u32 s8, $0xFFFFF086  }
0x1c: {  	p1 =	slt.u32 s9, $0xF7A;
	s5 =	simm.s32 @!p2 $0x0  }
0x1d: {  	s5 =	simm.s32 @p1 $0x1;
	p0 =	seq.s32 s7, s2  }
0x1e: {  	s7 =	smul.u32 @!p0 $0xF7A, s2;
	p2 =	seq.s32 @!p0 s5, $0x0  }
0x1f: {  	s9 =	smul.u32 $0xF7A, s1;
	s8 =	simm.s32 @!p0 $0x1BF5;
	p2 =	por !p2, p0  }
0x20: {  	[sflag:s8] =	ssyncset.s32 @!p0 $0xFFFFF086;
	s6 =	sadd.s32 @!p0 s3, s7;
	s7 =	simm.s32 @!p0 $0x108  }
0x21: {  	s3 =	sadd.s32 s3, s9;
	s6 =	sadd.s32 @!p0 $0x88, s6;
	s7 =	simm.s32 @p2 $0x1082  }
0x22: {  	[simem:s7], [sflag:s8] =	dma.local @!p0 [hbm:s6], $0xF7A  }
0x23: {  	s9 =	sor.u32 $0xD0000000, s2;
	s6 =	simm.s32 $0x108;
	_ =	swait.ge @!p0 [sflag:s8], $0x0  }
0x24: {  	s3 =	sadd.s32 $0x88, s3;
	s6 =	simm.s32 @!p1 $0x1082;
	[sflag:s4] =	ssyncset.s32 $0xFFFFF086  }
0x25: {  	[simem:s6], [sflag:s4] =	dma.local [hbm:s3], $0xF7A  }
0x26: {  	[smem:$0x3F42] =	sst s1;
	(tag) =	ssettag s2;
	_ =	strace s9  }
0x27: {  	s1 =	sld [smem:$0x3F52]  }
0x28: {  	s2 =	sld [smem:$0x3F53]  }
0x29: {  	s4 =	sld [smem:$0x3F55]  }
0x2a: {  	p0 =	seq.s32 s5, $0x0;
	s5 =	sld [smem:$0x3F56]  }
0x2b: {  	s6 =	sld [smem:$0x3F57]  }
0x2c: {  	s7 =	sld [smem:$0x3F58]  }
0x2d: {  	s3 =	simm.s32 $0x108;
	s8 =	sld [smem:$0x3F59]  }
0x2e: {  	s3 =	simm.s32 @!p0 $0x1082;
	s9 =	sld [smem:$0x3F5A]  }
0x2f: {  	lr =	sadd.s32 s0, s3;
	s0 =	sld [smem:$0x3F51]  }
0x30: {  	s3 =	sld [smem:$0x3F54]  }
0x31: {  	[smem:$0x3F5D] =	sst s10  }
0x32: {  	s10 =	sld [smem:$0x3F5B];
	_ =	sdelay $0x3  }
0x33: {  	p0 =	seq.s32 s10, $0x1;
	s10 =	sld [smem:$0x3F5D];
	_ =	sdelay $0x3  }
0x34: {  	[smem:$0x3F5D] =	sst s10  }
0x35: {  	s10 =	sld [smem:$0x3F5C];
	_ =	sdelay $0x3  }
0x36: {  	p1 =	seq.s32 s10, $0x1;
	s10 =	sld [smem:$0x3F5D];
	_ =	sdelay $0x3  }
0x37: {  	[smem:$0x3F5D] =	sst s10  }
0x38: {  	s10 =	sld [smem:$0x3F5E]  }
0x39: {  	_ = 	snop;
	(pc) =	sbr.ind lr, $3  }
0x3a: {  	_ = 	snop  }
0x3b: {  	_ = 	snop  }
0x3c: {  	p2 =	seq.s32 s10, $0x1;
	s10 =	sld [smem:$0x3F5D]  }
0x3d: {  	_ =	shalt  }
0x3e: {  	_ =	shalt  }
0x3f: {  	_ =	shalt  }
0x40: {  	_ =	shalt  }
0x41: {  	_ =	shalt  }
0x42: {  	_ =	shalt  }
0x43: {  	_ =	shalt  }
0x44: {  	_ =	shalt  }
0x45: {  	_ =	shalt  }
0x46: {  	_ =	shalt  }
0x47: {  	_ =	shalt  }
0x48: {  	_ =	shalt  }
0x49: {  	_ =	shalt  }
0x4a: {  	_ =	shalt  }
0x4b: {  	_ =	shalt  }
0x4c: {  	_ =	shalt  }
0x4d: {  	_ =	shalt  }
0x4e: {  	_ =	shalt  }
0x4f: {  	_ =	shalt  }
0x50: {  	_ =	shalt  }
0x51: {  	_ =	shalt  }
0x52: {  	_ =	shalt  }
0x53: {  	_ =	shalt  }
0x54: {  	_ =	shalt  }
0x55: {  	_ =	shalt  }
0x56: {  	_ =	shalt  }
0x57: {  	_ =	shalt  }
0x58: {  	_ =	shalt  }
0x59: {  	_ =	shalt  }
0x5a: {  	_ =	shalt  }
0x5b: {  	_ =	shalt  }
0x5c: {  	_ =	shalt  }
0x5d: {  	_ =	shalt  }
0x5e: {  	_ =	shalt  }
0x5f: {  	_ =	shalt  }
0x60: {  	_ =	shalt  }
0x61: {  	_ =	shalt  }
0x62: {  	_ =	shalt  }
0x63: {  	_ =	shalt  }
0x64: {  	_ =	shalt  }
0x65: {  	_ =	shalt  }
0x66: {  	_ =	shalt  }
0x67: {  	_ =	shalt  }
0x68: {  	_ =	shalt  }
0x69: {  	_ =	shalt  }
0x6a: {  	_ =	shalt  }
0x6b: {  	_ =	shalt  }
0x6c: {  	_ =	shalt  }
0x6d: {  	_ =	shalt  }
0x6e: {  	_ =	shalt  }
0x6f: {  	_ =	shalt  }
0x70: {  	_ =	shalt  }
0x71: {  	_ =	shalt  }
0x72: {  	_ =	shalt  }
0x73: {  	_ =	shalt  }
0x74: {  	_ =	shalt  }
0x75: {  	_ =	shalt  }
0x76: {  	_ =	shalt  }
0x77: {  	_ =	shalt  }
0x78: {  	_ =	shalt  }
0x79: {  	_ =	shalt  }
0x7a: {  	_ =	shalt  }
0x7b: {  	_ =	shalt  }
0x7c: {  	_ =	shalt  }
0x7d: {  	_ =	shalt  }
0x7e: {  	_ =	shalt  }
0x7f: {  	_ =	shalt  }
0x80: {  	_ =	shalt  }
0x81: {  	_ =	shalt  }
0x82: {  	_ =	shalt  }
0x83: {  	_ =	shalt  }
0x84: {  	_ =	shalt  }
0x85: {  	_ =	shalt  }
0x86: {  	_ =	shalt  }
0x87: {  	_ =	shalt  }
.Lfunc_end0:
.L_simem_size_0:
called_computation.7_lowered:
.L_overlay_start_0:
0x88: {  	s2 =	sld [smem:$0x3FD9]  }
0x89: {  	s3 =	sld [smem:$0x3FFE];
	_ =	sdelay $0x1  }
0x8a: {  	s1 =	srdreg.scid  }
0x8b: {  	s0 =	sand.u32 $0x1, s1  }
0x8c: {  	s16 =	sshll.u32 s0, $0xA;
	s2 =	sadd.s32 s3, s2  }
0x8d: {  	s2 =	sadd.s32 s2, s16  }
0x8e: {  	[smem:$0x3F69] =	sst s2  }
0x8f: {  	_ = 	snop  }
0x90: {  	(tm) =	ssettm $0x1  }
0x91: {  	s17 =	sld [smem:$0x3FFB];
	_ =	sdelay $0x3  }
0x92: {  	_ =	strace s17  }
0x93: {  	s2 =	sld [smem:$0x3FFC];
	_ =	sdelay $0x3  }
0x94: {  	_ =	strace s2  }
0x95: {  	s2 =	sld [smem:$0x3FFD];
	_ =	sdelay $0x3  }
0x96: {  	_ =	strace s2  }
0x97: {  	_ =	strace $0x8FFFFFFF  }
0x98: {  	s18 =	sld [smem:$0x3FDB];
	_ =	sdelay $0x1  }
0x99: {  	s19 =	simm.s32 $_scs_section_size  }
0x9a: {  	s4 =	simm.s32 $_size__tile_overlayer_lowered;
	s5 =	simm.s32 $_tile_overlayer_lowered  }
0x9b: {  	s22 =	simm.s32 $0x1BFF;
	s21 =	sshll.u32 s5, $0x1;
	s2 =	sadd.s32 s19, s18  }
0x9c: {  	s6 =	simm.s32 $0x0;
	s20 =	sshll.u32 s4, $0x1;
	s4 =	sadd.s32 s21, s2  }
0x9d: {  	[timem:s6], [sflag:s22] =	dma.local [hbm:s4], s20  }
0x9e: {  	_ =	swait.ge [sflag:s22], s20  }
0x9f: {  	s3 =	ssub.s32 $0x0, s20;
	[sflag:s22] =	ssyncset.done $0x0  }
0xa0: {  	[sflag:s22] =	ssyncadd.s32 s3;
	_ =	sdelay $0x1  }
0xa1: {  	s23 =	simm.s32 $0x1B8B  }
0xa2: {  	_ =	swait.ge [sflag:s23], $0x1  }
0xa3: {  	[sflag:s23] =	ssyncset.done $0x0  }
0xa4: {  	s25 =	simm.s32 $0x1B8E;
	s24 =	sld [smem:$0x3FFE];
	[sflag:s23] =	ssyncadd.s32 $0xFFFFFFFF  }
0xa5: {  	s26 =	simm.s32 $execute0_lowered;
	[smem:$0x3FD2] =	sst s25  }
0xa6: {  	s4 =	sshll.u32 s26, $0x1;
	_ =	strace $0x8000005B;
	[dreg:$0x1] =	wrdreg $0xFFFFFFFF  }
0xa7: {  	s28 =	simm.s32 $_size_execute0_lowered;
	s2 =	sadd.s32 s2, s4;
	[dreg:$0x0] =	wrdreg $0x0  }
0xa8: {  	s4 =	sshll.u32 s28, $0x1;
	[dreg:$0x2] =	wrdreg s2  }
0xa9: {  	[dreg:$0x3] =	wrdreg s4  }
0xaa: {  	[dreg:$0x4] =	wrdreg $0xC0  }
0xab: {  	_ =	task [dreg:s6], $0x5FFFF  }
0xac: {  	[dreg:$0x1] =	wrdreg $0xFFFFFFFF  }
0xad: {  	[dreg:$0x0] =	wrdreg $0x60  }
0xae: {  	[dreg:$0x2] =	wrdreg s24  }
0xaf: {  	[dreg:$0x3] =	wrdreg $0x40800  }
0xb0: {  	[dreg:$0x4] =	wrdreg $0x9  }
0xb1: {  	_ =	task.clear_ibuf [dreg:s6], $0x5FFFF;
	_ =	strace $0x9000005B  }
0xb2: {  	s29 =	simm.s32 $0x9;
	_ =	strace $0x8000005D  }
0xb3: {  	_ =	swait.ge [sflag:s29], $0x1  }
0xb4: {  	[sflag:s29] =	ssyncadd.s32 $0xFFFFFFFF  }
0xb5: {  	_ =	strace $0x9000005D  }
0xb6: {  	_ =	sfence  }
0xb7: {  	s30 =	sld [smem:$0x0];
	_ =	sdelay $0x2  }
0xb8: {  	s31 =	sshll.u32 s1, $0xD;
	s1 =	sshrl.u32 s1, $0x2  }
0xb9: {  	s3 =	sand.u32 $0x4000, s31;
	s1 =	sadd.s32 s1, s30  }
0xba: {  	s0 =	sor.u32 s3, s0;
	s1 =	sshll.u32 s1, $0x11  }
0xbb: {  	s0 =	sor.u32 s1, s0  }
0xbc: {  	s0 =	sadd.s32 $0x8F2B, s0  }
0xbd: {  	[sflag:s0] =	ssyncadd.remote.s32 $0x1  }
0xbe: {  	_ =	sfence.sel $0xFFFF  }
0xbf: {  	[dreg:$0x0] =	wrdreg $0xFFFFFFFF;
	(pc) =	sbr.abs _section_cstart, $3  }
0xc0: {  	[dreg:$0x1] =	wrdreg $0xFFFFFFFF  }
0xc1: {  	_ =	task.clear_ibuf [dreg:s6], $0x2FFFF;
	_ =	strace $0x9FFFFFFF  }
0xc2: {  	(tm) =	ssettm $0x7FFFFFFF  }
0xc3: {  	_ =	shalt  }
tec
execute0_lowered:
.L_overlay_start_1:
0x0: {  	(tag) =	ssettag $0x1  }
0x1: {  	s0 =	stileid.u32  }
0x2: {  	s6 =	smul.u32 $0x2800, s0  }
0x3: {  	s1 =	srdreg.scid;
	s8 =	smul.u32 $0x28000, s0  }
0x4: {  	s4 =	rddreg [dreg:$0x0];
	s25 =	smul.u32 $0x14000, s0  }
0x5: {  	s2 =	rddreg [dreg:$0x1];
	s5 =	sand.u32 $0x1, s1;
	s12 =	smul.u32 $0x50000, s0  }
0x6: {  	s3 =	simm.s32 $0x0;
	s1 =	rddreg [dreg:$0x2];
	s7 =	smul.u32 $0x1400, s5  }
0x7: {  	[smem:$0x7FF] =	sst s3;
	s30 =	sshll.u32 s0, $0x6;
	s9 =	smul.u32 $0x140000, s5  }
0x8: {  	_ =	strace $0x8000005C;
	s28 =	ssub.s32 $0x2, s5;
	s31 =	smul.u32 $0x14000, s5  }
0x9: {  	s5 =	sor.u32 $0x1C01, s30;
	s8 =	sadd.s32 s8, s4;
	s26 =	sshrl.u32 s25, $0x3  }
0xa: {  	s11 =	sshrl.u32 s28, $0x1;
	s29 =	sshrl.u32 s12, $0x2;
	s12 =	simm.s32 $0x80  }
0xb: {  	s6 =	sadd.s32 s7, s6;
	s7 =	sadd.s32 s25, s9;
	s9 =	ssub.s32 s28, s11  }
0xc: {  	s13 =	sadd.s32 s29, s2;
	s8 =	sadd.s32 s31, s8;
	s11 =	simm.s32 $0x1  }
0xd: {  	s6 =	sshrl.u32 s6, $0x3;
	s7 =	sshrl.u32 s7, $0x3;
	s8 =	sadd.s32 $0xCED200, s8  }
0xe: {  	s10 =	sadd.s32 s6, s4;
	s6 =	sadd.s32 s26, s4;
	s7 =	sadd.s32 s7, s4  }
0xf: {  	s4 =	sadd.s32 $0x7C5200, s6;
	s6 =	sadd.s32 $0x815200, s7;
	s7 =	smax.u32 s9, $0x1  }
0x10: {  	s9 =	sadd.s32 $0x13200, s10;
	s10 =	sshrl.u32 s13, $0x3;
	s13 =	simm.s32 $0x0  }
.LBB2_1:
0x11: {  	[spmem:s10], [sflag:s5] =	dma.local [hbm:s4], $0x2800  }
0x12: {  	_ =	swait.ge [sflag:s11], $0x2800  }
0x13: {  	[sflag:s11] =	ssyncset.done $0x0  }
0x14: {  	[sflag:s11] =	ssyncadd.s32 $0xFFFFD800  }
0x15: {  	s14 =	sadd.s32 $0x0, s9;
	[bflag:$0x0] =	sbarrier.arrive $0xFFFF  }
0x16: {  	[tilespmem:s3], [sflag:$0x1] =	stream.linear.gather [hbm4b:s14+s3], $0x80, $0x38;
	[tilespmem:$0x18080] =	vst v63  }
0x17: {  	_ =	swait.ge [sflag:s11], $0x80  }
0x18: {  	[sflag:s11] =	ssyncset.done $0x0  }
0x19: {  	[sflag:s11] =	ssyncadd.s32 $0xFFFFFF80  }
0x1a: {  	[tilespmem:s12], [sflag:$0x1] =	stream.linear.gather [hbm4b:s8+s3], $0x4000, $0x38;
	[tilespmem:$0x18080] =	vst v63  }
0x1b: {  	_ =	swait.ge [sflag:s11], $0x4000  }
0x1c: {  	[sflag:s11] =	ssyncset.done $0x0  }
0x1d: {  	[sflag:s11] =	ssyncadd.s32 $0xFFFFC000  }
0x1e: {  	[spmem:s2] =	stream.indirect.scatter.add.f32 [tilespmem:s12], [sflag:$0x1], $0x80, s3, s12, $0xb8;
	[tilespmem:$0x18080] =	vst v63  }
0x1f: {  	s15 =	simm.s32 $0x10;
	_ =	swait.ge [sflag:s11], $0x4000  }
0x20: {  	s16 =	simm.s32 $0x20;
	s14 =	sadd.s32 $0x800, s8;
	[sflag:s11] =	ssyncset.done $0x0  }
.LBB2_2:
0x21: {  	s17 =	sadd.s32 s15, s9  }
0x22: {  	[sflag:s11] =	ssyncadd.s32 $0xFFFFC000;
	s15 =	smov.u32 s16;
	s18 =	sadd.s32 $0x10, s16  }
0x23: {  	[tilespmem:s3], [sflag:$0x1] =	stream.linear.gather [hbm4b:s17+s3], $0x80, $0x38;
	[tilespmem:$0x18080] =	vst v63  }
0x24: {  	p0 =	sne.s32 s16, $0x270;
	_ =	swait.ge [sflag:s11], $0x80  }
0x25: {  	[sflag:s11] =	ssyncset.done $0x0  }
0x26: {  	[sflag:s11] =	ssyncadd.s32 $0xFFFFFF80  }
0x27: {  	[tilespmem:s12], [sflag:$0x1] =	stream.linear.gather [hbm4b:s14+s3], $0x4000, $0x38;
	[tilespmem:$0x18080] =	vst v63  }
0x28: {  	_ =	swait.ge [sflag:s11], $0x4000  }
.Ltmp0:
0x29: {  	[sflag:s11] =	ssyncset.done $0x0;
	(pc) =	sbr.rel @p0 .LBB2_2-.Ltmp0, $4  }
0x2a: {  	[sflag:s11] =	ssyncadd.s32 $0xFFFFC000  }
0x2b: {  	[spmem:s2] =	stream.indirect.scatter.add.f32 [tilespmem:s12], [sflag:$0x1], $0x80, s3, s12, $0xb8;
	[tilespmem:$0x18080] =	vst v63  }
0x2c: {  	_ =	swait.ge [sflag:s11], $0x4000  }
0x2d: {  	s16 =	smov.u32 s18;
	s14 =	sadd.s32 $0x800, s14;
	[sflag:s11] =	ssyncset.done $0x0  }
0x2e: {  	s15 =	sadd.s32 s15, s9;
	[sflag:s11] =	ssyncadd.s32 $0xFFFFC000  }
0x2f: {  	[tilespmem:s3], [sflag:$0x1] =	stream.linear.gather [hbm4b:s15+s3], $0x80, $0x38;
	[tilespmem:$0x18080] =	vst v63  }
0x30: {  	_ =	swait.ge [sflag:s11], $0x80  }
0x31: {  	[sflag:s11] =	ssyncset.done $0x0  }
0x32: {  	[sflag:s11] =	ssyncadd.s32 $0xFFFFFF80  }
0x33: {  	[tilespmem:s12], [sflag:$0x1] =	stream.linear.gather [hbm4b:s14+s3], $0x4000, $0x38;
	[tilespmem:$0x18080] =	vst v63  }
0x34: {  	_ =	swait.ge [sflag:s11], $0x4000  }
0x35: {  	[sflag:s11] =	ssyncset.done $0x0  }
0x36: {  	[sflag:s11] =	ssyncadd.s32 $0xFFFFC000  }
0x37: {  	[spmem:s2] =	stream.indirect.scatter.add.f32 [tilespmem:s12], [sflag:$0x1], $0x80, s3, s12, $0xb8;
	[tilespmem:$0x18080] =	vst v63  }
0x38: {  	_ =	swait.ge [sflag:s11], $0x4000  }
0x39: {  	s13 =	sadd.s32 $0x1, s13;
	[sflag:s11] =	ssyncset.done $0x0  }
0x3a: {  	p0 =	sne.s32 s13, s7;
	[sflag:s11] =	ssyncadd.s32 $0xFFFFC000  }
.Ltmp1:
0x3b: {  	[bflag:$0x0] =	sbarrier.arrive $0xFFFF;
	(pc) =	sbr.rel @p0 .LBB2_1-.Ltmp1, $4  }
0x3c: {  	[hbm:s6], [sflag:s5] =	dma.local [spmem:s10], $0x2800  }
0x3d: {  	_ =	swait.ge [sflag:s11], $0x2800  }
0x3e: {  	[sflag:s11] =	ssyncset.done $0x0  }
0x3f: {  	[sflag:s11] =	ssyncadd.s32 $0xFFFFD800  }
0x40: {  	_ =	sfence.sel $0x180000  }
0x41: {  	[bflag:$0x0] =	sbarrier.arrive $0xFFFF  }
0x42: {  	p0 =	sne.s32 s0, $0x0;
	_ =	strace $0x9000005C  }
0x43: {  	s0 =	sadd.s32 @!p0 $0x100000, s1;
	[bflag:$0x2] =	sbarrier.arrive $0xFFFF  }
0x44: {  	[sflag:s0] =	ssyncadd.tile.s32 @!p0 $0x1;
	_ =	shalt  }
.Lfunc_end2:
_tile_overlayer_lowered:
.L_overlay_start_2:
0x45: {  	(tag) =	ssettag $0x2  }
0x46: {  	s0 =	rddreg [dreg:$0x0];
	s2 =	stileid.u32  }
0x47: {  	s1 =	rddreg [dreg:$0x1];
	p0 =	sne.s32 s2, $0x0  }
0x48: {  	s3 =	rddreg [dreg:$0x2];
	[bflag:$0x3] =	sbarrier.arrive $0xFFFF;
	s2 =	simm.s32 @!p0 $0x1C01  }
0x49: {  	[timem:s3], [sflag:s2] =	dma.local @!p0 [hbm:s0], s1  }
0x4a: {  	s0 =	simm.s32 @!p0 $0x1  }
0x4b: {  	_ =	swait.ge @!p0 [sflag:s0], s1  }
0x4c: {  	s1 =	ssub.s32 @!p0 $0x0, s1;
	[sflag:s0] =	ssyncset.done @!p0 $0x0  }
0x4d: {  	[sflag:s0] =	ssyncadd.s32 @!p0 s1  }
0x4e: {  	[bflag:$0x3] =	sbarrier.arrive $0xFFFF  }
0x4f: {  	_ =	shalt  }

</sc_bundles>
